<compile_context>
chip_gen: v7x
topology: tpu7x:2x2x1
jax: 0.10.2.dev20260603
libtpu: 0.0.44.dev20260713+nightly
codegen_flags: <defaults>
</compile_context>

<pallas_src>
import functools

import jax
import jax.numpy as jnp
from jax import lax
from jax.experimental import pallas as pl
from jax.experimental.pallas import tpu as pltpu
from jax.experimental.pallas import tpu_sc as plsc

NC = 2
NS = 16
NW = NC * NS
L = 16

N_FEAT = 6
D = 16
B_SZ = 16384
S_SZ = 200

CHUNK_B = 2048
CB = B_SZ // CHUNK_B
PLANE = D * B_SZ

@functools.lru_cache(maxsize=None)
def _build():
    mesh = plsc.VectorSubcoreMesh(
        core_axis_name="c", subcore_axis_name="s", num_cores=NC, num_subcores=NS
    )

    @functools.partial(
        pl.kernel,
        out_type=jax.ShapeDtypeStruct((S_SZ * D, B_SZ), jnp.float32),
        mesh=mesh,
        scratch_types=[
            pltpu.VMEM((N_FEAT * D,), jnp.float32),
            pltpu.VMEM((D * N_FEAT,), jnp.float32),
            pltpu.VMEM((D * D,), jnp.float32),
            pltpu.VMEM((D,), jnp.float32),
            pltpu.VMEM((2, CHUNK_B // 128, 128), jnp.int32),
            pltpu.VMEM((2, CHUNK_B), jnp.float32),
            pltpu.VMEM((2, D, CHUNK_B), jnp.float32),
            pltpu.SemaphoreType.DMA,
            pltpu.SemaphoreType.DMA,
            pltpu.SemaphoreType.DMA,
            pltpu.SemaphoreType.DMA,
        ],
        compiler_params=pltpu.CompilerParams(needs_layout_passes=False),
    )
    def run(ids_hbm, vals_hbm, tab_hbm, w_hbm, b_hbm, out_hbm,
            tab_v, tabt_v, w_v, b_v, ids_v, vals_v, out_v,
            sin0, sin1, sout0, sout1):
        sins = (sin0, sin1)
        souts = (sout0, sout1)
        wid = lax.axis_index("s") * NC + lax.axis_index("c")

        pltpu.sync_copy(tab_hbm, tab_v)
        pltpu.sync_copy(w_hbm, w_v)
        pltpu.sync_copy(b_hbm, b_v)

        bvec = b_v[...]
        lane = lax.iota(jnp.int32, L)
        for k in range(N_FEAT):
            row = tab_v[pl.ds(k * D, D)] + bvec
            plsc.store_scatter(tabt_v, [lane * N_FEAT + k], row)
        wsplats = [w_v[pl.ds(d * D, D)] for d in range(D)]

        n_chunks = (S_SZ * CB) // NW
        c0 = wid * n_chunks

        def start_in(c, p):
            s = (c0 + c) // CB
            b0 = ((c0 + c) % CB) * CHUNK_B
            pltpu.async_copy(
                ids_hbm.at[s // 8, pl.ds(b0 // 128, CHUNK_B // 128), s % 8, :],
                ids_v.at[p], sins[p])
            pltpu.async_copy(vals_hbm.at[pl.ds(s * B_SZ + b0, CHUNK_B)],
                             vals_v.at[p], sins[p])

        def wait_in(p):
            pltpu.make_async_copy(
                ids_hbm.at[0, pl.ds(0, CHUNK_B // 128), 0, :],
                ids_v.at[p], sins[p]).wait()
            pltpu.make_async_copy(vals_hbm.at[pl.ds(0, CHUNK_B)],
                                  vals_v.at[p], sins[p]).wait()

        def wait_out(p):
            pltpu.make_async_copy(out_hbm.at[pl.ds(0, D), pl.ds(0, CHUNK_B)],
                                  out_v.at[p], souts[p]).wait()

        start_in(0, 0)
        start_in(1, 1)

        def pair_body(c2, carry):
            for p in range(2):
                c = c2 * 2 + p
                s = (c0 + c) // CB
                b0 = ((c0 + c) % CB) * CHUNK_B
                wait_in(p)

                @pl.when(c >= 2)
                def _():
                    wait_out(p)

                def group_body(vg):
                    ids_vec = ids_v[p, vg // 8, pl.ds((vg % 8) * L, L)]
                    vals_vec = vals_v[p, pl.ds(vg * L, L)]
                    base = vg * L
                    cols = [plsc.load_gather(tabt_v, [ids_vec + d * N_FEAT])
                            for d in range(D)]
                    for d in range(D):
                        out_v[p, d, pl.ds(base, L)] = (
                            cols[d] + vals_vec * wsplats[d])

                plsc.parallel_loop(0, CHUNK_B // L, 1, unroll=2)(group_body)

                pltpu.async_copy(
                    out_v.at[p],
                    out_hbm.at[pl.ds(s * D, D), pl.ds(b0, CHUNK_B)],
                    souts[p])

                @pl.when(c + 2 < n_chunks)
                def _():
                    start_in(c + 2, p)
            return carry

        lax.fori_loop(0, n_chunks // 2, pair_body, 0)
        wait_out(0)
        wait_out(1)

    return run


def kernel(feature_ids, feature_values, type_embed_table, value_proj_W, value_proj_b):
    batch, seq = feature_ids.shape
    ids4 = (jnp.transpose(feature_ids.astype(jnp.int32), (1, 0))
            .reshape(seq // 8, 8, batch // 128, 128).transpose(0, 2, 1, 3))
    vals = jnp.transpose(feature_values, (1, 2, 0)).reshape(seq * batch)
    tab = type_embed_table.reshape(N_FEAT * D).astype(jnp.float32)
    w = value_proj_W.reshape(D).astype(jnp.float32)
    wmat = jnp.broadcast_to(w[:, None], (D, D)).reshape(D * D)
    b = value_proj_b.reshape(D).astype(jnp.float32)
    out2d = _build()(ids4, vals, tab, wmat, b)
    out6 = out2d.reshape(seq, 2, 8, 16, 8, 128)
    return out6.transpose(3, 4, 5, 0, 1, 2).reshape(batch, seq, D)

# --- scband reference (transcript-rebuilt; emitter-appended) ---
"""Pipeline reference for scband-feature-embedding-29772713296203 (READ-ONLY COPY).

The authoritative reference and input builder live on the scoring server;
editing this copy changes nothing except your own understanding.
"""

import jax, jax.numpy as jnp
import numpy as np

N_FEATURES = 6
EMBED_DIM = 16
BATCH = 16384
SEQ = 200

def setup_inputs(seed: int = 0) -> dict:
    key = jax.random.key(seed)
    k1, k2, k3, k4, k5 = jax.random.split(key, 5)
    feature_ids = jax.random.randint(k1, (BATCH, SEQ), 0, N_FEATURES, dtype=jnp.int64 if jax.config.read('jax_enable_x64') else jnp.int32)
    feature_values = jax.random.normal(k2, (BATCH, SEQ, 1), dtype=jnp.float32)
    # learned params (match nn.Embedding default N(0,1); nn.Linear default uniform)
    type_embed_table = jax.random.normal(k3, (N_FEATURES, EMBED_DIM), dtype=jnp.float32)
    bound = 1.0  # 1/sqrt(in_features=1)
    value_proj_W = jax.random.uniform(k4, (EMBED_DIM, 1), minval=-bound, maxval=bound, dtype=jnp.float32)
    value_proj_b = jax.random.uniform(k5, (EMBED_DIM,), minval=-bound, maxval=bound, dtype=jnp.float32)
    return {
        'feature_ids': feature_ids,
        'feature_values': feature_values,
        'type_embed_table': type_embed_table,
        'value_proj_W': value_proj_W,
        'value_proj_b': value_proj_b,
    }

def reference(feature_ids, feature_values, type_embed_table, value_proj_W, value_proj_b):
    # type_embeds: (B, S, D) via embedding gather
    type_embeds = jnp.take(type_embed_table, feature_ids, axis=0)
    # value_embeds: Linear(1 -> D): (B, S, 1) @ (1, D) + b
    value_embeds = feature_values @ value_proj_W.T + value_proj_b
    return type_embeds + value_embeds

if __name__ == "__main__":
    import jax
    _d = setup_inputs()
    print(jax.jit(kernel)(*tuple(_d.values())))

</pallas_src>

<mosaic_0001>
#map = affine_map<(d0, d1) -> (0, 0, 0, 0)>
#map1 = affine_map<(d0, d1) -> (0)>
#map2 = affine_map<(d0, d1) -> (0, 0)>
module attributes {stable_mosaic.version = 14 : i64} {
  func.func @run(%arg0: i32, %arg1: i32, %arg2: memref<25x128x8x128xi32, #tpu.memory_space<hbm>>, %arg3: memref<3276800xf32, #tpu.memory_space<hbm>>, %arg4: memref<96xf32, #tpu.memory_space<hbm>>, %arg5: memref<256xf32, #tpu.memory_space<hbm>>, %arg6: memref<16xf32, #tpu.memory_space<hbm>>, %arg7: memref<3200x16384xf32, #tpu.memory_space<hbm>>, %arg8: memref<96xf32, #tpu.memory_space<vmem>>, %arg9: memref<96xf32, #tpu.memory_space<vmem>>, %arg10: memref<256xf32, #tpu.memory_space<vmem>>, %arg11: memref<16xf32, #tpu.memory_space<vmem>>, %arg12: memref<2x16x128xi32, #tpu.memory_space<vmem>>, %arg13: memref<2x2048xf32, #tpu.memory_space<vmem>>, %arg14: memref<2x16x2048xf32, #tpu.memory_space<vmem>>, %arg15: memref<!tpu.dma_semaphore, #tpu.memory_space<semaphore_mem>>, %arg16: memref<!tpu.dma_semaphore, #tpu.memory_space<semaphore_mem>>, %arg17: memref<!tpu.dma_semaphore, #tpu.memory_space<semaphore_mem>>, %arg18: memref<!tpu.dma_semaphore, #tpu.memory_space<semaphore_mem>>) attributes {dimension_semantics = [#tpu.dimension_semantics<core_parallel>, #tpu.dimension_semantics<subcore_parallel>], iteration_bounds = array<i64: 2, 16>, scalar_prefetch = 0 : i64, scratch_operands = 11 : i64, tpu.core_type = #tpu.core_type<sc_vector_subcore>, window_params = [{transform_indices = #map}, {transform_indices = #map1}, {transform_indices = #map1}, {transform_indices = #map1}, {transform_indices = #map1}, {transform_indices = #map2}]} {
    %mul3A = arith.constant 2 : i32
    %mul3A_0 = arith.muli %arg1, %mul3A : i32
    %add3A = arith.addi %mul3A_0, %arg0 : i32
    "tpu.region"() ({
      %run_scoped3A = tpu.sem_alloc : memref<!tpu.dma_semaphore, #tpu.memory_space<semaphore_mem>>
      tpu.enqueue_dma source(%arg4 : memref<96xf32, #tpu.memory_space<hbm>>) target(%arg8 : memref<96xf32, #tpu.memory_space<vmem>>) target_semaphore(%run_scoped3A : memref<!tpu.dma_semaphore, #tpu.memory_space<semaphore_mem>>)
      tpu.wait_dma2 semaphore(%run_scoped3A : memref<!tpu.dma_semaphore, #tpu.memory_space<semaphore_mem>>) src(%arg4 : memref<96xf32, #tpu.memory_space<hbm>>) dst(%arg8 : memref<96xf32, #tpu.memory_space<vmem>>)
      tpu.yield
    }) : () -> ()
    "tpu.region"() ({
      %run_scoped3A = tpu.sem_alloc : memref<!tpu.dma_semaphore, #tpu.memory_space<semaphore_mem>>
      tpu.enqueue_dma source(%arg5 : memref<256xf32, #tpu.memory_space<hbm>>) target(%arg10 : memref<256xf32, #tpu.memory_space<vmem>>) target_semaphore(%run_scoped3A : memref<!tpu.dma_semaphore, #tpu.memory_space<semaphore_mem>>)
      tpu.wait_dma2 semaphore(%run_scoped3A : memref<!tpu.dma_semaphore, #tpu.memory_space<semaphore_mem>>) src(%arg5 : memref<256xf32, #tpu.memory_space<hbm>>) dst(%arg10 : memref<256xf32, #tpu.memory_space<vmem>>)
      tpu.yield
    }) : () -> ()
    "tpu.region"() ({
      %run_scoped3A = tpu.sem_alloc : memref<!tpu.dma_semaphore, #tpu.memory_space<semaphore_mem>>
      tpu.enqueue_dma source(%arg6 : memref<16xf32, #tpu.memory_space<hbm>>) target(%arg11 : memref<16xf32, #tpu.memory_space<vmem>>) target_semaphore(%run_scoped3A : memref<!tpu.dma_semaphore, #tpu.memory_space<semaphore_mem>>)
      tpu.wait_dma2 semaphore(%run_scoped3A : memref<!tpu.dma_semaphore, #tpu.memory_space<semaphore_mem>>) src(%arg6 : memref<16xf32, #tpu.memory_space<hbm>>) dst(%arg11 : memref<16xf32, #tpu.memory_space<vmem>>)
      tpu.yield
    }) : () -> ()
    %get3A = arith.constant 0 : index
    %get3A_1 = tpu.vector_load %arg11[%get3A] {strides = array<i32>} : memref<16xf32, #tpu.memory_space<vmem>>, vector<16xf32>,
    %iota3A = tpu.iota {dimensions = array<i32: 0>} : vector<16xi32>
    %get3A_2 = arith.constant 0 : index
    %get3A_3 = tpu.vector_load %arg8[%get3A_2] {strides = array<i32>} : memref<96xf32, #tpu.memory_space<vmem>>, vector<16xf32>,
    %add3A_4 = arith.addf %get3A_3, %get3A_1 : vector<16xf32>
    %mul3A_5 = arith.constant 6 : i32
    %mul3A_6 = vector.broadcast %mul3A_5 : i32 to vector<16xi32>
    %mul3A_7 = arith.muli %iota3A, %mul3A_6 : vector<16xi32>
    %add3A_8 = arith.constant 0 : i32
    %add3A_9 = vector.broadcast %add3A_8 : i32 to vector<16xi32>
    %add3A_10 = arith.addi %mul3A_7, %add3A_9 : vector<16xi32>
    tpu.vector_store_idx %arg9[%add3A_10], %add3A_4 : memref<96xf32, #tpu.memory_space<vmem>>[vector<16xi32>], vector<16xf32>,
    %get3A_11 = arith.constant 16 : index
    %get3A_12 = tpu.vector_load %arg8[%get3A_11] {strides = array<i32>} : memref<96xf32, #tpu.memory_space<vmem>>, vector<16xf32>,
    %add3A_13 = arith.addf %get3A_12, %get3A_1 : vector<16xf32>
    %mul3A_14 = arith.constant 6 : i32
    %mul3A_15 = vector.broadcast %mul3A_14 : i32 to vector<16xi32>
    %mul3A_16 = arith.muli %iota3A, %mul3A_15 : vector<16xi32>
    %add3A_17 = arith.constant 1 : i32
    %add3A_18 = vector.broadcast %add3A_17 : i32 to vector<16xi32>
    %add3A_19 = arith.addi %mul3A_16, %add3A_18 : vector<16xi32>
    tpu.vector_store_idx %arg9[%add3A_19], %add3A_13 : memref<96xf32, #tpu.memory_space<vmem>>[vector<16xi32>], vector<16xf32>,
    %get3A_20 = arith.constant 32 : index
    %get3A_21 = tpu.vector_load %arg8[%get3A_20] {strides = array<i32>} : memref<96xf32, #tpu.memory_space<vmem>>, vector<16xf32>,
    %add3A_22 = arith.addf %get3A_21, %get3A_1 : vector<16xf32>
    %mul3A_23 = arith.constant 6 : i32
    %mul3A_24 = vector.broadcast %mul3A_23 : i32 to vector<16xi32>
    %mul3A_25 = arith.muli %iota3A, %mul3A_24 : vector<16xi32>
    %add3A_26 = arith.constant 2 : i32
    %add3A_27 = vector.broadcast %add3A_26 : i32 to vector<16xi32>
    %add3A_28 = arith.addi %mul3A_25, %add3A_27 : vector<16xi32>
    tpu.vector_store_idx %arg9[%add3A_28], %add3A_22 : memref<96xf32, #tpu.memory_space<vmem>>[vector<16xi32>], vector<16xf32>,
    %get3A_29 = arith.constant 48 : index
    %get3A_30 = tpu.vector_load %arg8[%get3A_29] {strides = array<i32>} : memref<96xf32, #tpu.memory_space<vmem>>, vector<16xf32>,
    %add3A_31 = arith.addf %get3A_30, %get3A_1 : vector<16xf32>
    %mul3A_32 = arith.constant 6 : i32
    %mul3A_33 = vector.broadcast %mul3A_32 : i32 to vector<16xi32>
    %mul3A_34 = arith.muli %iota3A, %mul3A_33 : vector<16xi32>
    %add3A_35 = arith.constant 3 : i32
    %add3A_36 = vector.broadcast %add3A_35 : i32 to vector<16xi32>
    %add3A_37 = arith.addi %mul3A_34, %add3A_36 : vector<16xi32>
    tpu.vector_store_idx %arg9[%add3A_37], %add3A_31 : memref<96xf32, #tpu.memory_space<vmem>>[vector<16xi32>], vector<16xf32>,
    %get3A_38 = arith.constant 64 : index
    %get3A_39 = tpu.vector_load %arg8[%get3A_38] {strides = array<i32>} : memref<96xf32, #tpu.memory_space<vmem>>, vector<16xf32>,
    %add3A_40 = arith.addf %get3A_39, %get3A_1 : vector<16xf32>
    %mul3A_41 = arith.constant 6 : i32
    %mul3A_42 = vector.broadcast %mul3A_41 : i32 to vector<16xi32>
    %mul3A_43 = arith.muli %iota3A, %mul3A_42 : vector<16xi32>
    %add3A_44 = arith.constant 4 : i32
    %add3A_45 = vector.broadcast %add3A_44 : i32 to vector<16xi32>
    %add3A_46 = arith.addi %mul3A_43, %add3A_45 : vector<16xi32>
    tpu.vector_store_idx %arg9[%add3A_46], %add3A_40 : memref<96xf32, #tpu.memory_space<vmem>>[vector<16xi32>], vector<16xf32>,
    %get3A_47 = arith.constant 80 : index
    %get3A_48 = tpu.vector_load %arg8[%get3A_47] {strides = array<i32>} : memref<96xf32, #tpu.memory_space<vmem>>, vector<16xf32>,
    %add3A_49 = arith.addf %get3A_48, %get3A_1 : vector<16xf32>
    %mul3A_50 = arith.constant 6 : i32
    %mul3A_51 = vector.broadcast %mul3A_50 : i32 to vector<16xi32>
    %mul3A_52 = arith.muli %iota3A, %mul3A_51 : vector<16xi32>
    %add3A_53 = arith.constant 5 : i32
    %add3A_54 = vector.broadcast %add3A_53 : i32 to vector<16xi32>
    %add3A_55 = arith.addi %mul3A_52, %add3A_54 : vector<16xi32>
    tpu.vector_store_idx %arg9[%add3A_55], %add3A_49 : memref<96xf32, #tpu.memory_space<vmem>>[vector<16xi32>], vector<16xf32>,
    %get3A_56 = arith.constant 0 : index
    %get3A_57 = tpu.vector_load %arg10[%get3A_56] {strides = array<i32>} : memref<256xf32, #tpu.memory_space<vmem>>, vector<16xf32>,
    %get3A_58 = arith.constant 16 : index
    %get3A_59 = tpu.vector_load %arg10[%get3A_58] {strides = array<i32>} : memref<256xf32, #tpu.memory_space<vmem>>, vector<16xf32>,
    %get3A_60 = arith.constant 32 : index
    %get3A_61 = tpu.vector_load %arg10[%get3A_60] {strides = array<i32>} : memref<256xf32, #tpu.memory_space<vmem>>, vector<16xf32>,
    %get3A_62 = arith.constant 48 : index
    %get3A_63 = tpu.vector_load %arg10[%get3A_62] {strides = array<i32>} : memref<256xf32, #tpu.memory_space<vmem>>, vector<16xf32>,
    %get3A_64 = arith.constant 64 : index
    %get3A_65 = tpu.vector_load %arg10[%get3A_64] {strides = array<i32>} : memref<256xf32, #tpu.memory_space<vmem>>, vector<16xf32>,
    %get3A_66 = arith.constant 80 : index
    %get3A_67 = tpu.vector_load %arg10[%get3A_66] {strides = array<i32>} : memref<256xf32, #tpu.memory_space<vmem>>, vector<16xf32>,
    %get3A_68 = arith.constant 96 : index
    %get3A_69 = tpu.vector_load %arg10[%get3A_68] {strides = array<i32>} : memref<256xf32, #tpu.memory_space<vmem>>, vector<16xf32>,
    %get3A_70 = arith.constant 112 : index
    %get3A_71 = tpu.vector_load %arg10[%get3A_70] {strides = array<i32>} : memref<256xf32, #tpu.memory_space<vmem>>, vector<16xf32>,
    %get3A_72 = arith.constant 128 : index
    %get3A_73 = tpu.vector_load %arg10[%get3A_72] {strides = array<i32>} : memref<256xf32, #tpu.memory_space<vmem>>, vector<16xf32>,
    %get3A_74 = arith.constant 144 : index
    %get3A_75 = tpu.vector_load %arg10[%get3A_74] {strides = array<i32>} : memref<256xf32, #tpu.memory_space<vmem>>, vector<16xf32>,
    %get3A_76 = arith.constant 160 : index
    %get3A_77 = tpu.vector_load %arg10[%get3A_76] {strides = array<i32>} : memref<256xf32, #tpu.memory_space<vmem>>, vector<16xf32>,
    %get3A_78 = arith.constant 176 : index
    %get3A_79 = tpu.vector_load %arg10[%get3A_78] {strides = array<i32>} : memref<256xf32, #tpu.memory_space<vmem>>, vector<16xf32>,
    %get3A_80 = arith.constant 192 : index
    %get3A_81 = tpu.vector_load %arg10[%get3A_80] {strides = array<i32>} : memref<256xf32, #tpu.memory_space<vmem>>, vector<16xf32>,
    %get3A_82 = arith.constant 208 : index
    %get3A_83 = tpu.vector_load %arg10[%get3A_82] {strides = array<i32>} : memref<256xf32, #tpu.memory_space<vmem>>, vector<16xf32>,
    %get3A_84 = arith.constant 224 : index
    %get3A_85 = tpu.vector_load %arg10[%get3A_84] {strides = array<i32>} : memref<256xf32, #tpu.memory_space<vmem>>, vector<16xf32>,
    %get3A_86 = arith.constant 240 : index
    %get3A_87 = tpu.vector_load %arg10[%get3A_86] {strides = array<i32>} : memref<256xf32, #tpu.memory_space<vmem>>, vector<16xf32>,
    %mul3A_88 = arith.constant 50 : i32
    %mul3A_89 = arith.muli %add3A, %mul3A_88 : i32
    %add3A_90 = arith.constant 0 : i32
    %add3A_91 = arith.addi %mul3A_89, %add3A_90 : i32
    %jit3A = arith.constant 8 : i32
    %div3A = arith.divsi %add3A_91, %jit3A : i32
    %sign3A = arith.constant 0 : i32
    %sign3A_92 = arith.cmpi sgt, %add3A_91, %sign3A : i32
    %sign3A_93 = arith.extui %sign3A_92 : i1 to i32
    %sign3A_94 = arith.constant 0 : i32
    %sign3A_95 = arith.cmpi slt, %add3A_91, %sign3A_94 : i32
    %sign3A_96 = arith.extui %sign3A_95 : i1 to i32
    %sign3A_97 = arith.subi %sign3A_93, %sign3A_96 : i32
    %sign3A_98 = arith.constant 0 : i32
    %sign3A_99 = arith.cmpi sgt, %jit3A, %sign3A_98 : i32
    %sign3A_100 = arith.extui %sign3A_99 : i1 to i32
    %sign3A_101 = arith.constant 0 : i32
    %sign3A_102 = arith.cmpi slt, %jit3A, %sign3A_101 : i32
    %sign3A_103 = arith.extui %sign3A_102 : i1 to i32
    %sign3A_104 = arith.subi %sign3A_100, %sign3A_103 : i32
    %ne3A = arith.cmpi ne, %sign3A_97, %sign3A_104 : i32
    %rem3A = arith.remsi %add3A_91, %jit3A : i32
    %ne3A_105 = arith.constant 0 : i32
    %ne3A_106 = arith.cmpi ne, %rem3A, %ne3A_105 : i32
    %and3A = arith.andi %ne3A, %ne3A_106 : i1
    %sub3A = arith.constant 1 : i32
    %sub3A_107 = arith.subi %div3A, %sub3A : i32
    %select_n3A = arith.select %and3A, %sub3A_107, %div3A : i32
    %add3A_108 = arith.constant 0 : i32
    %add3A_109 = arith.addi %mul3A_89, %add3A_108 : i32
    %jit3A_110 = arith.constant 8 : i32
    %eq3A = arith.constant 0 : i32
    %eq3A_111 = arith.cmpi eq, %jit3A_110, %eq3A : i32
    %jit3A_112 = arith.constant 1 : i32
    %select_n3A_113 = arith.select %eq3A_111, %jit3A_112, %jit3A_110 : i32
    %rem3A_114 = arith.remsi %add3A_109, %select_n3A_113 : i32
    %ne3A_115 = arith.constant 0 : i32
    %ne3A_116 = arith.cmpi ne, %rem3A_114, %ne3A_115 : i32
    %lt3A = arith.constant 0 : i32
    %lt3A_117 = arith.cmpi slt, %rem3A_114, %lt3A : i32
    %lt3A_118 = arith.constant 0 : i32
    %lt3A_119 = arith.cmpi slt, %select_n3A_113, %lt3A_118 : i32
    %ne3A_120 = arith.xori %lt3A_117, %lt3A_119 : i1
    %and3A_121 = arith.andi %ne3A_120, %ne3A_116 : i1
    %add3A_122 = arith.addi %rem3A_114, %select_n3A_113 : i32
    %select_n3A_123 = arith.select %and3A_121, %add3A_122, %rem3A_114 : i32
    %mul3A_124 = arith.constant 2048 : i32
    %mul3A_125 = arith.muli %select_n3A_123, %mul3A_124 : i32
    %jit3A_126 = arith.constant 8 : i32
    %div3A_127 = arith.divsi %select_n3A, %jit3A_126 : i32
    %sign3A_128 = arith.constant 0 : i32
    %sign3A_129 = arith.cmpi sgt, %select_n3A, %sign3A_128 : i32
    %sign3A_130 = arith.extui %sign3A_129 : i1 to i32
    %sign3A_131 = arith.constant 0 : i32
    %sign3A_132 = arith.cmpi slt, %select_n3A, %sign3A_131 : i32
    %sign3A_133 = arith.extui %sign3A_132 : i1 to i32
    %sign3A_134 = arith.subi %sign3A_130, %sign3A_133 : i32
    %sign3A_135 = arith.constant 0 : i32
    %sign3A_136 = arith.cmpi sgt, %jit3A_126, %sign3A_135 : i32
    %sign3A_137 = arith.extui %sign3A_136 : i1 to i32
    %sign3A_138 = arith.constant 0 : i32
    %sign3A_139 = arith.cmpi slt, %jit3A_126, %sign3A_138 : i32
    %sign3A_140 = arith.extui %sign3A_139 : i1 to i32
    %sign3A_141 = arith.subi %sign3A_137, %sign3A_140 : i32
    %ne3A_142 = arith.cmpi ne, %sign3A_134, %sign3A_141 : i32
    %rem3A_143 = arith.remsi %select_n3A, %jit3A_126 : i32
    %ne3A_144 = arith.constant 0 : i32
    %ne3A_145 = arith.cmpi ne, %rem3A_143, %ne3A_144 : i32
    %and3A_146 = arith.andi %ne3A_142, %ne3A_145 : i1
    %sub3A_147 = arith.constant 1 : i32
    %sub3A_148 = arith.subi %div3A_127, %sub3A_147 : i32
    %select_n3A_149 = arith.select %and3A_146, %sub3A_148, %div3A_127 : i32
    %jit3A_150 = arith.constant 128 : i32
    %div3A_151 = arith.divsi %mul3A_125, %jit3A_150 : i32
    %sign3A_152 = arith.constant 0 : i32
    %sign3A_153 = arith.cmpi sgt, %mul3A_125, %sign3A_152 : i32
    %sign3A_154 = arith.extui %sign3A_153 : i1 to i32
    %sign3A_155 = arith.constant 0 : i32
    %sign3A_156 = arith.cmpi slt, %mul3A_125, %sign3A_155 : i32
    %sign3A_157 = arith.extui %sign3A_156 : i1 to i32
    %sign3A_158 = arith.subi %sign3A_154, %sign3A_157 : i32
    %sign3A_159 = arith.constant 0 : i32
    %sign3A_160 = arith.cmpi sgt, %jit3A_150, %sign3A_159 : i32
    %sign3A_161 = arith.extui %sign3A_160 : i1 to i32
    %sign3A_162 = arith.constant 0 : i32
    %sign3A_163 = arith.cmpi slt, %jit3A_150, %sign3A_162 : i32
    %sign3A_164 = arith.extui %sign3A_163 : i1 to i32
    %sign3A_165 = arith.subi %sign3A_161, %sign3A_164 : i32
    %ne3A_166 = arith.cmpi ne, %sign3A_158, %sign3A_165 : i32
    %rem3A_167 = arith.remsi %mul3A_125, %jit3A_150 : i32
    %ne3A_168 = arith.constant 0 : i32
    %ne3A_169 = arith.cmpi ne, %rem3A_167, %ne3A_168 : i32
    %and3A_170 = arith.andi %ne3A_166, %ne3A_169 : i1
    %sub3A_171 = arith.constant 1 : i32
    %sub3A_172 = arith.subi %div3A_151, %sub3A_171 : i32
    %select_n3A_173 = arith.select %and3A_170, %sub3A_172, %div3A_151 : i32
    %jit3A_174 = arith.constant 8 : i32
    %eq3A_175 = arith.constant 0 : i32
    %eq3A_176 = arith.cmpi eq, %jit3A_174, %eq3A_175 : i32
    %jit3A_177 = arith.constant 1 : i32
    %select_n3A_178 = arith.select %eq3A_176, %jit3A_177, %jit3A_174 : i32
    %rem3A_179 = arith.remsi %select_n3A, %select_n3A_178 : i32
    %ne3A_180 = arith.constant 0 : i32
    %ne3A_181 = arith.cmpi ne, %rem3A_179, %ne3A_180 : i32
    %lt3A_182 = arith.constant 0 : i32
    %lt3A_183 = arith.cmpi slt, %rem3A_179, %lt3A_182 : i32
    %lt3A_184 = arith.constant 0 : i32
    %lt3A_185 = arith.cmpi slt, %select_n3A_178, %lt3A_184 : i32
    %ne3A_186 = arith.xori %lt3A_183, %lt3A_185 : i1
    %and3A_187 = arith.andi %ne3A_186, %ne3A_181 : i1
    %add3A_188 = arith.addi %rem3A_179, %select_n3A_178 : i32
    %select_n3A_189 = arith.select %and3A_187, %add3A_188, %rem3A_179 : i32
    %dma_start3A = arith.constant 0 : i32
    %dma_start3A_190 = arith.constant 0 : i32
    %dma_start3A_191 = arith.constant 0 : i32
    %dma_start3A_192 = tpu.memref_slice %arg12[%dma_start3A, %dma_start3A_190, %dma_start3A_191] : memref<2x16x128xi32, #tpu.memory_space<vmem>> -> memref<1x16x128xi32, #tpu.memory_space<vmem>>
    %dma_start3A_193 = tpu.memref_squeeze %dma_start3A_192 : memref<1x16x128xi32, #tpu.memory_space<vmem>> -> memref<16x128xi32, #tpu.memory_space<vmem>>
    %dma_start3A_194 = arith.constant 0 : i32
    %dma_start3A_195 = tpu.memref_slice %arg2[%select_n3A_149, %select_n3A_173, %select_n3A_189, %dma_start3A_194] : memref<25x128x8x128xi32, #tpu.memory_space<hbm>> -> memref<1x16x1x128xi32, #tpu.memory_space<hbm>>
    %dma_start3A_196 = tpu.memref_squeeze %dma_start3A_195 : memref<1x16x1x128xi32, #tpu.memory_space<hbm>> -> memref<16x128xi32, #tpu.memory_space<hbm>>
    %dma_start3A_197 = arith.constant 0 : i32
    %dma_start3A_198 = arith.constant 0 : i32
    %dma_start3A_199 = tpu.memref_slice %arg12[%dma_start3A, %dma_start3A_197, %dma_start3A_198] : memref<2x16x128xi32, #tpu.memory_space<vmem>> -> memref<1x16x128xi32, #tpu.memory_space<vmem>>
    %dma_start3A_200 = tpu.memref_squeeze %dma_start3A_199 : memref<1x16x128xi32, #tpu.memory_space<vmem>> -> memref<16x128xi32, #tpu.memory_space<vmem>>
    %dma_start3A_201 = arith.constant 0 : i32
    %dma_start3A_202 = tpu.memref_slice %arg2[%select_n3A_149, %select_n3A_173, %select_n3A_189, %dma_start3A_201] : memref<25x128x8x128xi32, #tpu.memory_space<hbm>> -> memref<1x16x1x128xi32, #tpu.memory_space<hbm>>
    %dma_start3A_203 = tpu.memref_squeeze %dma_start3A_202 : memref<1x16x1x128xi32, #tpu.memory_space<hbm>> -> memref<16x128xi32, #tpu.memory_space<hbm>>
    tpu.enqueue_dma source(%dma_start3A_203 : memref<16x128xi32, #tpu.memory_space<hbm>>) target(%dma_start3A_200 : memref<16x128xi32, #tpu.memory_space<vmem>>) target_semaphore(%arg15 : memref<!tpu.dma_semaphore, #tpu.memory_space<semaphore_mem>>)
    %mul3A_204 = arith.constant 16384 : i32
    %mul3A_205 = arith.muli %select_n3A, %mul3A_204 : i32
    %add3A_206 = arith.addi %mul3A_205, %mul3A_125 : i32
    %dma_start3A_207 = arith.constant 0 : i32
    %dma_start3A_208 = arith.constant 0 : i32
    %dma_start3A_209 = tpu.memref_slice %arg13[%dma_start3A_207, %dma_start3A_208] : memref<2x2048xf32, #tpu.memory_space<vmem>> -> memref<1x2048xf32, #tpu.memory_space<vmem>>
    %dma_start3A_210 = tpu.memref_squeeze %dma_start3A_209 : memref<1x2048xf32, #tpu.memory_space<vmem>> -> memref<2048xf32, #tpu.memory_space<vmem>>
    %dma_start3A_211 = tpu.memref_slice %arg3[%add3A_206] : memref<3276800xf32, #tpu.memory_space<hbm>> -> memref<2048xf32, #tpu.memory_space<hbm>>
    %dma_start3A_212 = arith.constant 0 : i32
    %dma_start3A_213 = tpu.memref_slice %arg13[%dma_start3A_207, %dma_start3A_212] : memref<2x2048xf32, #tpu.memory_space<vmem>> -> memref<1x2048xf32, #tpu.memory_space<vmem>>
    %dma_start3A_214 = tpu.memref_squeeze %dma_start3A_213 : memref<1x2048xf32, #tpu.memory_space<vmem>> -> memref<2048xf32, #tpu.memory_space<vmem>>
    %dma_start3A_215 = tpu.memref_slice %arg3[%add3A_206] : memref<3276800xf32, #tpu.memory_space<hbm>> -> memref<2048xf32, #tpu.memory_space<hbm>>
    tpu.enqueue_dma source(%dma_start3A_215 : memref<2048xf32, #tpu.memory_space<hbm>>) target(%dma_start3A_214 : memref<2048xf32, #tpu.memory_space<vmem>>) target_semaphore(%arg15 : memref<!tpu.dma_semaphore, #tpu.memory_space<semaphore_mem>>)
    %add3A_216 = arith.constant 1 : i32
    %add3A_217 = arith.addi %mul3A_89, %add3A_216 : i32
    %jit3A_218 = arith.constant 8 : i32
    %div3A_219 = arith.divsi %add3A_217, %jit3A_218 : i32
    %sign3A_220 = arith.constant 0 : i32
    %sign3A_221 = arith.cmpi sgt, %add3A_217, %sign3A_220 : i32
    %sign3A_222 = arith.extui %sign3A_221 : i1 to i32
    %sign3A_223 = arith.constant 0 : i32
    %sign3A_224 = arith.cmpi slt, %add3A_217, %sign3A_223 : i32
    %sign3A_225 = arith.extui %sign3A_224 : i1 to i32
    %sign3A_226 = arith.subi %sign3A_222, %sign3A_225 : i32
    %sign3A_227 = arith.constant 0 : i32
    %sign3A_228 = arith.cmpi sgt, %jit3A_218, %sign3A_227 : i32
    %sign3A_229 = arith.extui %sign3A_228 : i1 to i32
    %sign3A_230 = arith.constant 0 : i32
    %sign3A_231 = arith.cmpi slt, %jit3A_218, %sign3A_230 : i32
    %sign3A_232 = arith.extui %sign3A_231 : i1 to i32
    %sign3A_233 = arith.subi %sign3A_229, %sign3A_232 : i32
    %ne3A_234 = arith.cmpi ne, %sign3A_226, %sign3A_233 : i32
    %rem3A_235 = arith.remsi %add3A_217, %jit3A_218 : i32
    %ne3A_236 = arith.constant 0 : i32
    %ne3A_237 = arith.cmpi ne, %rem3A_235, %ne3A_236 : i32
    %and3A_238 = arith.andi %ne3A_234, %ne3A_237 : i1
    %sub3A_239 = arith.constant 1 : i32
    %sub3A_240 = arith.subi %div3A_219, %sub3A_239 : i32
    %select_n3A_241 = arith.select %and3A_238, %sub3A_240, %div3A_219 : i32
    %add3A_242 = arith.constant 1 : i32
    %add3A_243 = arith.addi %mul3A_89, %add3A_242 : i32
    %jit3A_244 = arith.constant 8 : i32
    %eq3A_245 = arith.constant 0 : i32
    %eq3A_246 = arith.cmpi eq, %jit3A_244, %eq3A_245 : i32
    %jit3A_247 = arith.constant 1 : i32
    %select_n3A_248 = arith.select %eq3A_246, %jit3A_247, %jit3A_244 : i32
    %rem3A_249 = arith.remsi %add3A_243, %select_n3A_248 : i32
    %ne3A_250 = arith.constant 0 : i32
    %ne3A_251 = arith.cmpi ne, %rem3A_249, %ne3A_250 : i32
    %lt3A_252 = arith.constant 0 : i32
    %lt3A_253 = arith.cmpi slt, %rem3A_249, %lt3A_252 : i32
    %lt3A_254 = arith.constant 0 : i32
    %lt3A_255 = arith.cmpi slt, %select_n3A_248, %lt3A_254 : i32
    %ne3A_256 = arith.xori %lt3A_253, %lt3A_255 : i1
    %and3A_257 = arith.andi %ne3A_256, %ne3A_251 : i1
    %add3A_258 = arith.addi %rem3A_249, %select_n3A_248 : i32
    %select_n3A_259 = arith.select %and3A_257, %add3A_258, %rem3A_249 : i32
    %mul3A_260 = arith.constant 2048 : i32
    %mul3A_261 = arith.muli %select_n3A_259, %mul3A_260 : i32
    %jit3A_262 = arith.constant 8 : i32
    %div3A_263 = arith.divsi %select_n3A_241, %jit3A_262 : i32
    %sign3A_264 = arith.constant 0 : i32
    %sign3A_265 = arith.cmpi sgt, %select_n3A_241, %sign3A_264 : i32
    %sign3A_266 = arith.extui %sign3A_265 : i1 to i32
    %sign3A_267 = arith.constant 0 : i32
    %sign3A_268 = arith.cmpi slt, %select_n3A_241, %sign3A_267 : i32
    %sign3A_269 = arith.extui %sign3A_268 : i1 to i32
    %sign3A_270 = arith.subi %sign3A_266, %sign3A_269 : i32
    %sign3A_271 = arith.constant 0 : i32
    %sign3A_272 = arith.cmpi sgt, %jit3A_262, %sign3A_271 : i32
    %sign3A_273 = arith.extui %sign3A_272 : i1 to i32
    %sign3A_274 = arith.constant 0 : i32
    %sign3A_275 = arith.cmpi slt, %jit3A_262, %sign3A_274 : i32
    %sign3A_276 = arith.extui %sign3A_275 : i1 to i32
    %sign3A_277 = arith.subi %sign3A_273, %sign3A_276 : i32
    %ne3A_278 = arith.cmpi ne, %sign3A_270, %sign3A_277 : i32
    %rem3A_279 = arith.remsi %select_n3A_241, %jit3A_262 : i32
    %ne3A_280 = arith.constant 0 : i32
    %ne3A_281 = arith.cmpi ne, %rem3A_279, %ne3A_280 : i32
    %and3A_282 = arith.andi %ne3A_278, %ne3A_281 : i1
    %sub3A_283 = arith.constant 1 : i32
    %sub3A_284 = arith.subi %div3A_263, %sub3A_283 : i32
    %select_n3A_285 = arith.select %and3A_282, %sub3A_284, %div3A_263 : i32
    %jit3A_286 = arith.constant 128 : i32
    %div3A_287 = arith.divsi %mul3A_261, %jit3A_286 : i32
    %sign3A_288 = arith.constant 0 : i32
    %sign3A_289 = arith.cmpi sgt, %mul3A_261, %sign3A_288 : i32
    %sign3A_290 = arith.extui %sign3A_289 : i1 to i32
    %sign3A_291 = arith.constant 0 : i32
    %sign3A_292 = arith.cmpi slt, %mul3A_261, %sign3A_291 : i32
    %sign3A_293 = arith.extui %sign3A_292 : i1 to i32
    %sign3A_294 = arith.subi %sign3A_290, %sign3A_293 : i32
    %sign3A_295 = arith.constant 0 : i32
    %sign3A_296 = arith.cmpi sgt, %jit3A_286, %sign3A_295 : i32
    %sign3A_297 = arith.extui %sign3A_296 : i1 to i32
    %sign3A_298 = arith.constant 0 : i32
    %sign3A_299 = arith.cmpi slt, %jit3A_286, %sign3A_298 : i32
    %sign3A_300 = arith.extui %sign3A_299 : i1 to i32
    %sign3A_301 = arith.subi %sign3A_297, %sign3A_300 : i32
    %ne3A_302 = arith.cmpi ne, %sign3A_294, %sign3A_301 : i32
    %rem3A_303 = arith.remsi %mul3A_261, %jit3A_286 : i32
    %ne3A_304 = arith.constant 0 : i32
    %ne3A_305 = arith.cmpi ne, %rem3A_303, %ne3A_304 : i32
    %and3A_306 = arith.andi %ne3A_302, %ne3A_305 : i1
    %sub3A_307 = arith.constant 1 : i32
    %sub3A_308 = arith.subi %div3A_287, %sub3A_307 : i32
    %select_n3A_309 = arith.select %and3A_306, %sub3A_308, %div3A_287 : i32
    %jit3A_310 = arith.constant 8 : i32
    %eq3A_311 = arith.constant 0 : i32
    %eq3A_312 = arith.cmpi eq, %jit3A_310, %eq3A_311 : i32
    %jit3A_313 = arith.constant 1 : i32
    %select_n3A_314 = arith.select %eq3A_312, %jit3A_313, %jit3A_310 : i32
    %rem3A_315 = arith.remsi %select_n3A_241, %select_n3A_314 : i32
    %ne3A_316 = arith.constant 0 : i32
    %ne3A_317 = arith.cmpi ne, %rem3A_315, %ne3A_316 : i32
    %lt3A_318 = arith.constant 0 : i32
    %lt3A_319 = arith.cmpi slt, %rem3A_315, %lt3A_318 : i32
    %lt3A_320 = arith.constant 0 : i32
    %lt3A_321 = arith.cmpi slt, %select_n3A_314, %lt3A_320 : i32
    %ne3A_322 = arith.xori %lt3A_319, %lt3A_321 : i1
    %and3A_323 = arith.andi %ne3A_322, %ne3A_317 : i1
    %add3A_324 = arith.addi %rem3A_315, %select_n3A_314 : i32
    %select_n3A_325 = arith.select %and3A_323, %add3A_324, %rem3A_315 : i32
    %dma_start3A_326 = arith.constant 1 : i32
    %dma_start3A_327 = arith.constant 0 : i32
    %dma_start3A_328 = arith.constant 0 : i32
    %dma_start3A_329 = tpu.memref_slice %arg12[%dma_start3A_326, %dma_start3A_327, %dma_start3A_328] : memref<2x16x128xi32, #tpu.memory_space<vmem>> -> memref<1x16x128xi32, #tpu.memory_space<vmem>>
    %dma_start3A_330 = tpu.memref_squeeze %dma_start3A_329 : memref<1x16x128xi32, #tpu.memory_space<vmem>> -> memref<16x128xi32, #tpu.memory_space<vmem>>
    %dma_start3A_331 = arith.constant 0 : i32
    %dma_start3A_332 = tpu.memref_slice %arg2[%select_n3A_285, %select_n3A_309, %select_n3A_325, %dma_start3A_331] : memref<25x128x8x128xi32, #tpu.memory_space<hbm>> -> memref<1x16x1x128xi32, #tpu.memory_space<hbm>>
    %dma_start3A_333 = tpu.memref_squeeze %dma_start3A_332 : memref<1x16x1x128xi32, #tpu.memory_space<hbm>> -> memref<16x128xi32, #tpu.memory_space<hbm>>
    %dma_start3A_334 = arith.constant 0 : i32
    %dma_start3A_335 = arith.constant 0 : i32
    %dma_start3A_336 = tpu.memref_slice %arg12[%dma_start3A_326, %dma_start3A_334, %dma_start3A_335] : memref<2x16x128xi32, #tpu.memory_space<vmem>> -> memref<1x16x128xi32, #tpu.memory_space<vmem>>
    %dma_start3A_337 = tpu.memref_squeeze %dma_start3A_336 : memref<1x16x128xi32, #tpu.memory_space<vmem>> -> memref<16x128xi32, #tpu.memory_space<vmem>>
    %dma_start3A_338 = arith.constant 0 : i32
    %dma_start3A_339 = tpu.memref_slice %arg2[%select_n3A_285, %select_n3A_309, %select_n3A_325, %dma_start3A_338] : memref<25x128x8x128xi32, #tpu.memory_space<hbm>> -> memref<1x16x1x128xi32, #tpu.memory_space<hbm>>
    %dma_start3A_340 = tpu.memref_squeeze %dma_start3A_339 : memref<1x16x1x128xi32, #tpu.memory_space<hbm>> -> memref<16x128xi32, #tpu.memory_space<hbm>>
    tpu.enqueue_dma source(%dma_start3A_340 : memref<16x128xi32, #tpu.memory_space<hbm>>) target(%dma_start3A_337 : memref<16x128xi32, #tpu.memory_space<vmem>>) target_semaphore(%arg16 : memref<!tpu.dma_semaphore, #tpu.memory_space<semaphore_mem>>)
    %mul3A_341 = arith.constant 16384 : i32
    %mul3A_342 = arith.muli %select_n3A_241, %mul3A_341 : i32
    %add3A_343 = arith.addi %mul3A_342, %mul3A_261 : i32
    %dma_start3A_344 = arith.constant 1 : i32
    %dma_start3A_345 = arith.constant 0 : i32
    %dma_start3A_346 = tpu.memref_slice %arg13[%dma_start3A_344, %dma_start3A_345] : memref<2x2048xf32, #tpu.memory_space<vmem>> -> memref<1x2048xf32, #tpu.memory_space<vmem>>
    %dma_start3A_347 = tpu.memref_squeeze %dma_start3A_346 : memref<1x2048xf32, #tpu.memory_space<vmem>> -> memref<2048xf32, #tpu.memory_space<vmem>>
    %dma_start3A_348 = tpu.memref_slice %arg3[%add3A_343] : memref<3276800xf32, #tpu.memory_space<hbm>> -> memref<2048xf32, #tpu.memory_space<hbm>>
    %dma_start3A_349 = arith.constant 0 : i32
    %dma_start3A_350 = tpu.memref_slice %arg13[%dma_start3A_344, %dma_start3A_349] : memref<2x2048xf32, #tpu.memory_space<vmem>> -> memref<1x2048xf32, #tpu.memory_space<vmem>>
    %dma_start3A_351 = tpu.memref_squeeze %dma_start3A_350 : memref<1x2048xf32, #tpu.memory_space<vmem>> -> memref<2048xf32, #tpu.memory_space<vmem>>
    %dma_start3A_352 = tpu.memref_slice %arg3[%add3A_343] : memref<3276800xf32, #tpu.memory_space<hbm>> -> memref<2048xf32, #tpu.memory_space<hbm>>
    tpu.enqueue_dma source(%dma_start3A_352 : memref<2048xf32, #tpu.memory_space<hbm>>) target(%dma_start3A_351 : memref<2048xf32, #tpu.memory_space<vmem>>) target_semaphore(%arg16 : memref<!tpu.dma_semaphore, #tpu.memory_space<semaphore_mem>>)
    %scan3A = arith.constant 0 : i32
    %scan3A_353 = arith.constant 0 : i32
    %scan3A_354 = arith.constant 25 : i32
    %scan3A_355 = arith.addi %scan3A_353, %scan3A_354 : i32
    %scan3A_356 = arith.constant 1 : i32
    scf.for %scan3A_387 = %scan3A_353 to %scan3A_355 step %scan3A_356  : i32 {
      %mul3A_388 = arith.constant 2 : i32
      %mul3A_389 = arith.muli %scan3A_387, %mul3A_388 : i32
      %add3A_390 = arith.constant 0 : i32
      %add3A_391 = arith.addi %mul3A_389, %add3A_390 : i32
      %add3A_392 = arith.addi %mul3A_89, %add3A_391 : i32
      %jit3A_393 = arith.constant 8 : i32
      %div3A_394 = arith.divsi %add3A_392, %jit3A_393 : i32
      %sign3A_395 = arith.constant 0 : i32
      %sign3A_396 = arith.cmpi sgt, %add3A_392, %sign3A_395 : i32
      %sign3A_397 = arith.extui %sign3A_396 : i1 to i32
      %sign3A_398 = arith.constant 0 : i32
      %sign3A_399 = arith.cmpi slt, %add3A_392, %sign3A_398 : i32
      %sign3A_400 = arith.extui %sign3A_399 : i1 to i32
      %sign3A_401 = arith.subi %sign3A_397, %sign3A_400 : i32
      %sign3A_402 = arith.constant 0 : i32
      %sign3A_403 = arith.cmpi sgt, %jit3A_393, %sign3A_402 : i32
      %sign3A_404 = arith.extui %sign3A_403 : i1 to i32
      %sign3A_405 = arith.constant 0 : i32
      %sign3A_406 = arith.cmpi slt, %jit3A_393, %sign3A_405 : i32
      %sign3A_407 = arith.extui %sign3A_406 : i1 to i32
      %sign3A_408 = arith.subi %sign3A_404, %sign3A_407 : i32
      %ne3A_409 = arith.cmpi ne, %sign3A_401, %sign3A_408 : i32
      %rem3A_410 = arith.remsi %add3A_392, %jit3A_393 : i32
      %ne3A_411 = arith.constant 0 : i32
      %ne3A_412 = arith.cmpi ne, %rem3A_410, %ne3A_411 : i32
      %and3A_413 = arith.andi %ne3A_409, %ne3A_412 : i1
      %sub3A_414 = arith.constant 1 : i32
      %sub3A_415 = arith.subi %div3A_394, %sub3A_414 : i32
      %select_n3A_416 = arith.select %and3A_413, %sub3A_415, %div3A_394 : i32
      %add3A_417 = arith.addi %mul3A_89, %add3A_391 : i32
      %jit3A_418 = arith.constant 8 : i32
      %eq3A_419 = arith.constant 0 : i32
      %eq3A_420 = arith.cmpi eq, %jit3A_418, %eq3A_419 : i32
      %jit3A_421 = arith.constant 1 : i32
      %select_n3A_422 = arith.select %eq3A_420, %jit3A_421, %jit3A_418 : i32
      %rem3A_423 = arith.remsi %add3A_417, %select_n3A_422 : i32
      %ne3A_424 = arith.constant 0 : i32
      %ne3A_425 = arith.cmpi ne, %rem3A_423, %ne3A_424 : i32
      %lt3A_426 = arith.constant 0 : i32
      %lt3A_427 = arith.cmpi slt, %rem3A_423, %lt3A_426 : i32
      %lt3A_428 = arith.constant 0 : i32
      %lt3A_429 = arith.cmpi slt, %select_n3A_422, %lt3A_428 : i32
      %ne3A_430 = arith.xori %lt3A_427, %lt3A_429 : i1
      %and3A_431 = arith.andi %ne3A_430, %ne3A_425 : i1
      %add3A_432 = arith.addi %rem3A_423, %select_n3A_422 : i32
      %select_n3A_433 = arith.select %and3A_431, %add3A_432, %rem3A_423 : i32
      %mul3A_434 = arith.constant 2048 : i32
      %mul3A_435 = arith.muli %select_n3A_433, %mul3A_434 : i32
      %dma_wait3A_436 = arith.constant 0 : i32
      %dma_wait3A_437 = arith.constant 0 : i32
      %dma_wait3A_438 = arith.constant 0 : i32
      %dma_wait3A_439 = arith.constant 0 : i32
      %dma_wait3A_440 = arith.constant 0 : i32
      %dma_wait3A_441 = tpu.memref_slice %arg12[%dma_wait3A_438, %dma_wait3A_439, %dma_wait3A_440] : memref<2x16x128xi32, #tpu.memory_space<vmem>> -> memref<1x16x128xi32, #tpu.memory_space<vmem>>
      %dma_wait3A_442 = tpu.memref_squeeze %dma_wait3A_441 : memref<1x16x128xi32, #tpu.memory_space<vmem>> -> memref<16x128xi32, #tpu.memory_space<vmem>>
      %dma_wait3A_443 = arith.constant 0 : i32
      %dma_wait3A_444 = arith.constant 0 : i32
      %dma_wait3A_445 = tpu.memref_slice %arg2[%dma_wait3A_436, %dma_wait3A_443, %dma_wait3A_437, %dma_wait3A_444] : memref<25x128x8x128xi32, #tpu.memory_space<hbm>> -> memref<1x16x1x128xi32, #tpu.memory_space<hbm>>
      %dma_wait3A_446 = tpu.memref_squeeze %dma_wait3A_445 : memref<1x16x1x128xi32, #tpu.memory_space<hbm>> -> memref<16x128xi32, #tpu.memory_space<hbm>>
      %dma_wait3A_447 = arith.constant 0 : i32
      %dma_wait3A_448 = arith.constant 0 : i32
      %dma_wait3A_449 = tpu.memref_slice %arg12[%dma_wait3A_438, %dma_wait3A_447, %dma_wait3A_448] : memref<2x16x128xi32, #tpu.memory_space<vmem>> -> memref<1x16x128xi32, #tpu.memory_space<vmem>>
      %dma_wait3A_450 = tpu.memref_squeeze %dma_wait3A_449 : memref<1x16x128xi32, #tpu.memory_space<vmem>> -> memref<16x128xi32, #tpu.memory_space<vmem>>
      %dma_wait3A_451 = arith.constant 0 : i32
      %dma_wait3A_452 = arith.constant 0 : i32
      %dma_wait3A_453 = tpu.memref_slice %arg2[%dma_wait3A_436, %dma_wait3A_451, %dma_wait3A_437, %dma_wait3A_452] : memref<25x128x8x128xi32, #tpu.memory_space<hbm>> -> memref<1x16x1x128xi32, #tpu.memory_space<hbm>>
      %dma_wait3A_454 = tpu.memref_squeeze %dma_wait3A_453 : memref<1x16x1x128xi32, #tpu.memory_space<hbm>> -> memref<16x128xi32, #tpu.memory_space<hbm>>
      tpu.wait_dma2 semaphore(%arg15 : memref<!tpu.dma_semaphore, #tpu.memory_space<semaphore_mem>>) src(%dma_wait3A_454 : memref<16x128xi32, #tpu.memory_space<hbm>>) dst(%dma_wait3A_450 : memref<16x128xi32, #tpu.memory_space<vmem>>)
      %dma_wait3A_455 = arith.constant 0 : i32
      %dma_wait3A_456 = arith.constant 0 : i32
      %dma_wait3A_457 = tpu.memref_slice %arg13[%dma_wait3A_455, %dma_wait3A_456] : memref<2x2048xf32, #tpu.memory_space<vmem>> -> memref<1x2048xf32, #tpu.memory_space<vmem>>
      %dma_wait3A_458 = tpu.memref_squeeze %dma_wait3A_457 : memref<1x2048xf32, #tpu.memory_space<vmem>> -> memref<2048xf32, #tpu.memory_space<vmem>>
      %dma_wait3A_459 = arith.constant 0 : i32
      %dma_wait3A_460 = tpu.memref_slice %arg3[%dma_wait3A_459] : memref<3276800xf32, #tpu.memory_space<hbm>> -> memref<2048xf32, #tpu.memory_space<hbm>>
      %dma_wait3A_461 = arith.constant 0 : i32
      %dma_wait3A_462 = tpu.memref_slice %arg13[%dma_wait3A_455, %dma_wait3A_461] : memref<2x2048xf32, #tpu.memory_space<vmem>> -> memref<1x2048xf32, #tpu.memory_space<vmem>>
      %dma_wait3A_463 = tpu.memref_squeeze %dma_wait3A_462 : memref<1x2048xf32, #tpu.memory_space<vmem>> -> memref<2048xf32, #tpu.memory_space<vmem>>
      %dma_wait3A_464 = arith.constant 0 : i32
      %dma_wait3A_465 = tpu.memref_slice %arg3[%dma_wait3A_464] : memref<3276800xf32, #tpu.memory_space<hbm>> -> memref<2048xf32, #tpu.memory_space<hbm>>
      tpu.wait_dma2 semaphore(%arg15 : memref<!tpu.dma_semaphore, #tpu.memory_space<semaphore_mem>>) src(%dma_wait3A_465 : memref<2048xf32, #tpu.memory_space<hbm>>) dst(%dma_wait3A_463 : memref<2048xf32, #tpu.memory_space<vmem>>)
      %ge3A = arith.constant 2 : i32
      %ge3A_466 = arith.cmpi sge, %add3A_391, %ge3A : i32
      %convert_element_type3A = arith.extui %ge3A_466 : i1 to i32
      %cond3A = arith.constant 0 : i32
      %cond3A_467 = arith.cmpi ne, %convert_element_type3A, %cond3A : i32
      scf.if %cond3A_467 {
        %dma_wait3A_596 = arith.constant 0 : i32
        %dma_wait3A_597 = arith.constant 0 : i32
        %dma_wait3A_598 = arith.constant 0 : i32
        %dma_wait3A_599 = tpu.memref_slice %arg14[%dma_wait3A_596, %dma_wait3A_597, %dma_wait3A_598] : memref<2x16x2048xf32, #tpu.memory_space<vmem>> -> memref<1x16x2048xf32, #tpu.memory_space<vmem>>
        %dma_wait3A_600 = tpu.memref_squeeze %dma_wait3A_599 : memref<1x16x2048xf32, #tpu.memory_space<vmem>> -> memref<16x2048xf32, #tpu.memory_space<vmem>>
        %dma_wait3A_601 = arith.constant 0 : i32
        %dma_wait3A_602 = arith.constant 0 : i32
        %dma_wait3A_603 = tpu.memref_slice %arg7[%dma_wait3A_601, %dma_wait3A_602] : memref<3200x16384xf32, #tpu.memory_space<hbm>> -> memref<16x2048xf32, #tpu.memory_space<hbm>>
        %dma_wait3A_604 = arith.constant 0 : i32
        %dma_wait3A_605 = arith.constant 0 : i32
        %dma_wait3A_606 = tpu.memref_slice %arg14[%dma_wait3A_596, %dma_wait3A_604, %dma_wait3A_605] : memref<2x16x2048xf32, #tpu.memory_space<vmem>> -> memref<1x16x2048xf32, #tpu.memory_space<vmem>>
        %dma_wait3A_607 = tpu.memref_squeeze %dma_wait3A_606 : memref<1x16x2048xf32, #tpu.memory_space<vmem>> -> memref<16x2048xf32, #tpu.memory_space<vmem>>
        %dma_wait3A_608 = arith.constant 0 : i32
        %dma_wait3A_609 = arith.constant 0 : i32
        %dma_wait3A_610 = tpu.memref_slice %arg7[%dma_wait3A_608, %dma_wait3A_609] : memref<3200x16384xf32, #tpu.memory_space<hbm>> -> memref<16x2048xf32, #tpu.memory_space<hbm>>
        tpu.wait_dma2 semaphore(%arg17 : memref<!tpu.dma_semaphore, #tpu.memory_space<semaphore_mem>>) src(%dma_wait3A_610 : memref<16x2048xf32, #tpu.memory_space<hbm>>) dst(%dma_wait3A_607 : memref<16x2048xf32, #tpu.memory_space<vmem>>)
      } else {
      }
      %parallel_loop3A = arith.constant 0 : i32
      %parallel_loop3A_468 = arith.constant 128 : i32
      %parallel_loop3A_469 = arith.constant 1 : i32
      scf.for %parallel_loop3A_596 = %parallel_loop3A to %parallel_loop3A_468 step %parallel_loop3A_469  : i32 {
        %parallel_loop3A_597 = arith.constant 8 : i32
        %parallel_loop3A_598 = arith.divsi %parallel_loop3A_596, %parallel_loop3A_597 : i32
        %parallel_loop3A_599 = arith.constant 0 : i32
        %parallel_loop3A_600 = arith.cmpi sgt, %parallel_loop3A_596, %parallel_loop3A_599 : i32
        %parallel_loop3A_601 = arith.extui %parallel_loop3A_600 : i1 to i32
        %parallel_loop3A_602 = arith.constant 0 : i32
        %parallel_loop3A_603 = arith.cmpi slt, %parallel_loop3A_596, %parallel_loop3A_602 : i32
        %parallel_loop3A_604 = arith.extui %parallel_loop3A_603 : i1 to i32
        %parallel_loop3A_605 = arith.subi %parallel_loop3A_601, %parallel_loop3A_604 : i32
        %parallel_loop3A_606 = arith.constant 0 : i32
        %parallel_loop3A_607 = arith.cmpi sgt, %parallel_loop3A_597, %parallel_loop3A_606 : i32
        %parallel_loop3A_608 = arith.extui %parallel_loop3A_607 : i1 to i32
        %parallel_loop3A_609 = arith.constant 0 : i32
        %parallel_loop3A_610 = arith.cmpi slt, %parallel_loop3A_597, %parallel_loop3A_609 : i32
        %parallel_loop3A_611 = arith.extui %parallel_loop3A_610 : i1 to i32
        %parallel_loop3A_612 = arith.subi %parallel_loop3A_608, %parallel_loop3A_611 : i32
        %parallel_loop3A_613 = arith.cmpi ne, %parallel_loop3A_605, %parallel_loop3A_612 : i32
        %parallel_loop3A_614 = arith.remsi %parallel_loop3A_596, %parallel_loop3A_597 : i32
        %parallel_loop3A_615 = arith.constant 0 : i32
        %parallel_loop3A_616 = arith.cmpi ne, %parallel_loop3A_614, %parallel_loop3A_615 : i32
        %parallel_loop3A_617 = arith.andi %parallel_loop3A_613, %parallel_loop3A_616 : i1
        %parallel_loop3A_618 = arith.constant 1 : i32
        %parallel_loop3A_619 = arith.subi %parallel_loop3A_598, %parallel_loop3A_618 : i32
        %parallel_loop3A_620 = arith.select %parallel_loop3A_617, %parallel_loop3A_619, %parallel_loop3A_598 : i32
        %parallel_loop3A_621 = arith.constant 8 : i32
        %parallel_loop3A_622 = arith.constant 0 : i32
        %parallel_loop3A_623 = arith.cmpi eq, %parallel_loop3A_621, %parallel_loop3A_622 : i32
        %parallel_loop3A_624 = arith.constant 1 : i32
        %parallel_loop3A_625 = arith.select %parallel_loop3A_623, %parallel_loop3A_624, %parallel_loop3A_621 : i32
        %parallel_loop3A_626 = arith.remsi %parallel_loop3A_596, %parallel_loop3A_625 : i32
        %parallel_loop3A_627 = arith.constant 0 : i32
        %parallel_loop3A_628 = arith.cmpi ne, %parallel_loop3A_626, %parallel_loop3A_627 : i32
        %parallel_loop3A_629 = arith.constant 0 : i32
        %parallel_loop3A_630 = arith.cmpi slt, %parallel_loop3A_626, %parallel_loop3A_629 : i32
        %parallel_loop3A_631 = arith.constant 0 : i32
        %parallel_loop3A_632 = arith.cmpi slt, %parallel_loop3A_625, %parallel_loop3A_631 : i32
        %parallel_loop3A_633 = arith.xori %parallel_loop3A_630, %parallel_loop3A_632 : i1
        %parallel_loop3A_634 = arith.andi %parallel_loop3A_633, %parallel_loop3A_628 : i1
        %parallel_loop3A_635 = arith.addi %parallel_loop3A_626, %parallel_loop3A_625 : i32
        %parallel_loop3A_636 = arith.select %parallel_loop3A_634, %parallel_loop3A_635, %parallel_loop3A_626 : i32
        %parallel_loop3A_637 = arith.constant 16 : i32
        %parallel_loop3A_638 = arith.muli %parallel_loop3A_636, %parallel_loop3A_637 : i32
        %parallel_loop3A_639 = arith.constant 0 : i32
        %parallel_loop3A_640 = arith.index_cast %parallel_loop3A_639 : i32 to index
        %parallel_loop3A_641 = arith.index_cast %parallel_loop3A_620 : i32 to index
        %parallel_loop3A_642 = arith.index_cast %parallel_loop3A_638 : i32 to index
        %parallel_loop3A_643 = tpu.vector_load %arg12[%parallel_loop3A_640, %parallel_loop3A_641, %parallel_loop3A_642] {strides = array<i32>} : memref<2x16x128xi32, #tpu.memory_space<vmem>>, vector<16xi32>,
        %parallel_loop3A_644 = arith.constant 16 : i32
        %parallel_loop3A_645 = arith.muli %parallel_loop3A_596, %parallel_loop3A_644 : i32
        %parallel_loop3A_646 = arith.constant 0 : i32
        %parallel_loop3A_647 = arith.index_cast %parallel_loop3A_646 : i32 to index
        %parallel_loop3A_648 = arith.index_cast %parallel_loop3A_645 : i32 to index
        %parallel_loop3A_649 = tpu.vector_load %arg13[%parallel_loop3A_647, %parallel_loop3A_648] {strides = array<i32>} : memref<2x2048xf32, #tpu.memory_space<vmem>>, vector<16xf32>,
        %parallel_loop3A_650 = arith.constant 16 : i32
        %parallel_loop3A_651 = arith.muli %parallel_loop3A_596, %parallel_loop3A_650 : i32
        %parallel_loop3A_652 = arith.constant 0 : i32
        %parallel_loop3A_653 = vector.broadcast %parallel_loop3A_652 : i32 to vector<16xi32>
        %parallel_loop3A_654 = arith.addi %parallel_loop3A_643, %parallel_loop3A_653 : vector<16xi32>
        %parallel_loop3A_655 = tpu.vector_load_idx %arg9[%parallel_loop3A_654] : memref<96xf32, #tpu.memory_space<vmem>>[vector<16xi32>], vector<16xf32>,
        %parallel_loop3A_656 = arith.constant 6 : i32
        %parallel_loop3A_657 = vector.broadcast %parallel_loop3A_656 : i32 to vector<16xi32>
        %parallel_loop3A_658 = arith.addi %parallel_loop3A_643, %parallel_loop3A_657 : vector<16xi32>
        %parallel_loop3A_659 = tpu.vector_load_idx %arg9[%parallel_loop3A_658] : memref<96xf32, #tpu.memory_space<vmem>>[vector<16xi32>], vector<16xf32>,
        %parallel_loop3A_660 = arith.constant 12 : i32
        %parallel_loop3A_661 = vector.broadcast %parallel_loop3A_660 : i32 to vector<16xi32>
        %parallel_loop3A_662 = arith.addi %parallel_loop3A_643, %parallel_loop3A_661 : vector<16xi32>
        %parallel_loop3A_663 = tpu.vector_load_idx %arg9[%parallel_loop3A_662] : memref<96xf32, #tpu.memory_space<vmem>>[vector<16xi32>], vector<16xf32>,
        %parallel_loop3A_664 = arith.constant 18 : i32
        %parallel_loop3A_665 = vector.broadcast %parallel_loop3A_664 : i32 to vector<16xi32>
        %parallel_loop3A_666 = arith.addi %parallel_loop3A_643, %parallel_loop3A_665 : vector<16xi32>
        %parallel_loop3A_667 = tpu.vector_load_idx %arg9[%parallel_loop3A_666] : memref<96xf32, #tpu.memory_space<vmem>>[vector<16xi32>], vector<16xf32>,
        %parallel_loop3A_668 = arith.constant 24 : i32
        %parallel_loop3A_669 = vector.broadcast %parallel_loop3A_668 : i32 to vector<16xi32>
        %parallel_loop3A_670 = arith.addi %parallel_loop3A_643, %parallel_loop3A_669 : vector<16xi32>
        %parallel_loop3A_671 = tpu.vector_load_idx %arg9[%parallel_loop3A_670] : memref<96xf32, #tpu.memory_space<vmem>>[vector<16xi32>], vector<16xf32>,
        %parallel_loop3A_672 = arith.constant 30 : i32
        %parallel_loop3A_673 = vector.broadcast %parallel_loop3A_672 : i32 to vector<16xi32>
        %parallel_loop3A_674 = arith.addi %parallel_loop3A_643, %parallel_loop3A_673 : vector<16xi32>
        %parallel_loop3A_675 = tpu.vector_load_idx %arg9[%parallel_loop3A_674] : memref<96xf32, #tpu.memory_space<vmem>>[vector<16xi32>], vector<16xf32>,
        %parallel_loop3A_676 = arith.constant 36 : i32
        %parallel_loop3A_677 = vector.broadcast %parallel_loop3A_676 : i32 to vector<16xi32>
        %parallel_loop3A_678 = arith.addi %parallel_loop3A_643, %parallel_loop3A_677 : vector<16xi32>
        %parallel_loop3A_679 = tpu.vector_load_idx %arg9[%parallel_loop3A_678] : memref<96xf32, #tpu.memory_space<vmem>>[vector<16xi32>], vector<16xf32>,
        %parallel_loop3A_680 = arith.constant 42 : i32
        %parallel_loop3A_681 = vector.broadcast %parallel_loop3A_680 : i32 to vector<16xi32>
        %parallel_loop3A_682 = arith.addi %parallel_loop3A_643, %parallel_loop3A_681 : vector<16xi32>
        %parallel_loop3A_683 = tpu.vector_load_idx %arg9[%parallel_loop3A_682] : memref<96xf32, #tpu.memory_space<vmem>>[vector<16xi32>], vector<16xf32>,
        %parallel_loop3A_684 = arith.constant 48 : i32
        %parallel_loop3A_685 = vector.broadcast %parallel_loop3A_684 : i32 to vector<16xi32>
        %parallel_loop3A_686 = arith.addi %parallel_loop3A_643, %parallel_loop3A_685 : vector<16xi32>
        %parallel_loop3A_687 = tpu.vector_load_idx %arg9[%parallel_loop3A_686] : memref<96xf32, #tpu.memory_space<vmem>>[vector<16xi32>], vector<16xf32>,
        %parallel_loop3A_688 = arith.constant 54 : i32
        %parallel_loop3A_689 = vector.broadcast %parallel_loop3A_688 : i32 to vector<16xi32>
        %parallel_loop3A_690 = arith.addi %parallel_loop3A_643, %parallel_loop3A_689 : vector<16xi32>
        %parallel_loop3A_691 = tpu.vector_load_idx %arg9[%parallel_loop3A_690] : memref<96xf32, #tpu.memory_space<vmem>>[vector<16xi32>], vector<16xf32>,
        %parallel_loop3A_692 = arith.constant 60 : i32
        %parallel_loop3A_693 = vector.broadcast %parallel_loop3A_692 : i32 to vector<16xi32>
        %parallel_loop3A_694 = arith.addi %parallel_loop3A_643, %parallel_loop3A_693 : vector<16xi32>
        %parallel_loop3A_695 = tpu.vector_load_idx %arg9[%parallel_loop3A_694] : memref<96xf32, #tpu.memory_space<vmem>>[vector<16xi32>], vector<16xf32>,
        %parallel_loop3A_696 = arith.constant 66 : i32
        %parallel_loop3A_697 = vector.broadcast %parallel_loop3A_696 : i32 to vector<16xi32>
        %parallel_loop3A_698 = arith.addi %parallel_loop3A_643, %parallel_loop3A_697 : vector<16xi32>
        %parallel_loop3A_699 = tpu.vector_load_idx %arg9[%parallel_loop3A_698] : memref<96xf32, #tpu.memory_space<vmem>>[vector<16xi32>], vector<16xf32>,
        %parallel_loop3A_700 = arith.constant 72 : i32
        %parallel_loop3A_701 = vector.broadcast %parallel_loop3A_700 : i32 to vector<16xi32>
        %parallel_loop3A_702 = arith.addi %parallel_loop3A_643, %parallel_loop3A_701 : vector<16xi32>
        %parallel_loop3A_703 = tpu.vector_load_idx %arg9[%parallel_loop3A_702] : memref<96xf32, #tpu.memory_space<vmem>>[vector<16xi32>], vector<16xf32>,
        %parallel_loop3A_704 = arith.constant 78 : i32
        %parallel_loop3A_705 = vector.broadcast %parallel_loop3A_704 : i32 to vector<16xi32>
        %parallel_loop3A_706 = arith.addi %parallel_loop3A_643, %parallel_loop3A_705 : vector<16xi32>
        %parallel_loop3A_707 = tpu.vector_load_idx %arg9[%parallel_loop3A_706] : memref<96xf32, #tpu.memory_space<vmem>>[vector<16xi32>], vector<16xf32>,
        %parallel_loop3A_708 = arith.constant 84 : i32
        %parallel_loop3A_709 = vector.broadcast %parallel_loop3A_708 : i32 to vector<16xi32>
        %parallel_loop3A_710 = arith.addi %parallel_loop3A_643, %parallel_loop3A_709 : vector<16xi32>
        %parallel_loop3A_711 = tpu.vector_load_idx %arg9[%parallel_loop3A_710] : memref<96xf32, #tpu.memory_space<vmem>>[vector<16xi32>], vector<16xf32>,
        %parallel_loop3A_712 = arith.constant 90 : i32
        %parallel_loop3A_713 = vector.broadcast %parallel_loop3A_712 : i32 to vector<16xi32>
        %parallel_loop3A_714 = arith.addi %parallel_loop3A_643, %parallel_loop3A_713 : vector<16xi32>
        %parallel_loop3A_715 = tpu.vector_load_idx %arg9[%parallel_loop3A_714] : memref<96xf32, #tpu.memory_space<vmem>>[vector<16xi32>], vector<16xf32>,
        %parallel_loop3A_716 = arith.mulf %parallel_loop3A_649, %get3A_57 : vector<16xf32>
        %parallel_loop3A_717 = arith.addf %parallel_loop3A_655, %parallel_loop3A_716 : vector<16xf32>
        %parallel_loop3A_718 = arith.constant 0 : i32
        %parallel_loop3A_719 = arith.constant 0 : i32
        %parallel_loop3A_720 = arith.index_cast %parallel_loop3A_718 : i32 to index
        %parallel_loop3A_721 = arith.index_cast %parallel_loop3A_719 : i32 to index
        %parallel_loop3A_722 = arith.index_cast %parallel_loop3A_651 : i32 to index
        %parallel_loop3A_723 = tpu.vector_load %arg14[%parallel_loop3A_720, %parallel_loop3A_721, %parallel_loop3A_722] {strides = array<i32>} : memref<2x16x2048xf32, #tpu.memory_space<vmem>>, vector<16xf32>,
        tpu.vector_store %arg14[%parallel_loop3A_720, %parallel_loop3A_721, %parallel_loop3A_722], %parallel_loop3A_717 {strides = array<i32>} : memref<2x16x2048xf32, #tpu.memory_space<vmem>>, vector<16xf32>,
        %parallel_loop3A_724 = arith.mulf %parallel_loop3A_649, %get3A_59 : vector<16xf32>
        %parallel_loop3A_725 = arith.addf %parallel_loop3A_659, %parallel_loop3A_724 : vector<16xf32>
        %parallel_loop3A_726 = arith.constant 0 : i32
        %parallel_loop3A_727 = arith.constant 1 : i32
        %parallel_loop3A_728 = arith.index_cast %parallel_loop3A_726 : i32 to index
        %parallel_loop3A_729 = arith.index_cast %parallel_loop3A_727 : i32 to index
        %parallel_loop3A_730 = arith.index_cast %parallel_loop3A_651 : i32 to index
        %parallel_loop3A_731 = tpu.vector_load %arg14[%parallel_loop3A_728, %parallel_loop3A_729, %parallel_loop3A_730] {strides = array<i32>} : memref<2x16x2048xf32, #tpu.memory_space<vmem>>, vector<16xf32>,
        tpu.vector_store %arg14[%parallel_loop3A_728, %parallel_loop3A_729, %parallel_loop3A_730], %parallel_loop3A_725 {strides = array<i32>} : memref<2x16x2048xf32, #tpu.memory_space<vmem>>, vector<16xf32>,
        %parallel_loop3A_732 = arith.mulf %parallel_loop3A_649, %get3A_61 : vector<16xf32>
        %parallel_loop3A_733 = arith.addf %parallel_loop3A_663, %parallel_loop3A_732 : vector<16xf32>
        %parallel_loop3A_734 = arith.constant 0 : i32
        %parallel_loop3A_735 = arith.constant 2 : i32
        %parallel_loop3A_736 = arith.index_cast %parallel_loop3A_734 : i32 to index
        %parallel_loop3A_737 = arith.index_cast %parallel_loop3A_735 : i32 to index
        %parallel_loop3A_738 = arith.index_cast %parallel_loop3A_651 : i32 to index
        %parallel_loop3A_739 = tpu.vector_load %arg14[%parallel_loop3A_736, %parallel_loop3A_737, %parallel_loop3A_738] {strides = array<i32>} : memref<2x16x2048xf32, #tpu.memory_space<vmem>>, vector<16xf32>,
        tpu.vector_store %arg14[%parallel_loop3A_736, %parallel_loop3A_737, %parallel_loop3A_738], %parallel_loop3A_733 {strides = array<i32>} : memref<2x16x2048xf32, #tpu.memory_space<vmem>>, vector<16xf32>,
        %parallel_loop3A_740 = arith.mulf %parallel_loop3A_649, %get3A_63 : vector<16xf32>
        %parallel_loop3A_741 = arith.addf %parallel_loop3A_667, %parallel_loop3A_740 : vector<16xf32>
        %parallel_loop3A_742 = arith.constant 0 : i32
        %parallel_loop3A_743 = arith.constant 3 : i32
        %parallel_loop3A_744 = arith.index_cast %parallel_loop3A_742 : i32 to index
        %parallel_loop3A_745 = arith.index_cast %parallel_loop3A_743 : i32 to index
        %parallel_loop3A_746 = arith.index_cast %parallel_loop3A_651 : i32 to index
        %parallel_loop3A_747 = tpu.vector_load %arg14[%parallel_loop3A_744, %parallel_loop3A_745, %parallel_loop3A_746] {strides = array<i32>} : memref<2x16x2048xf32, #tpu.memory_space<vmem>>, vector<16xf32>,
        tpu.vector_store %arg14[%parallel_loop3A_744, %parallel_loop3A_745, %parallel_loop3A_746], %parallel_loop3A_741 {strides = array<i32>} : memref<2x16x2048xf32, #tpu.memory_space<vmem>>, vector<16xf32>,
        %parallel_loop3A_748 = arith.mulf %parallel_loop3A_649, %get3A_65 : vector<16xf32>
        %parallel_loop3A_749 = arith.addf %parallel_loop3A_671, %parallel_loop3A_748 : vector<16xf32>
        %parallel_loop3A_750 = arith.constant 0 : i32
        %parallel_loop3A_751 = arith.constant 4 : i32
        %parallel_loop3A_752 = arith.index_cast %parallel_loop3A_750 : i32 to index
        %parallel_loop3A_753 = arith.index_cast %parallel_loop3A_751 : i32 to index
        %parallel_loop3A_754 = arith.index_cast %parallel_loop3A_651 : i32 to index
        %parallel_loop3A_755 = tpu.vector_load %arg14[%parallel_loop3A_752, %parallel_loop3A_753, %parallel_loop3A_754] {strides = array<i32>} : memref<2x16x2048xf32, #tpu.memory_space<vmem>>, vector<16xf32>,
        tpu.vector_store %arg14[%parallel_loop3A_752, %parallel_loop3A_753, %parallel_loop3A_754], %parallel_loop3A_749 {strides = array<i32>} : memref<2x16x2048xf32, #tpu.memory_space<vmem>>, vector<16xf32>,
        %parallel_loop3A_756 = arith.mulf %parallel_loop3A_649, %get3A_67 : vector<16xf32>
        %parallel_loop3A_757 = arith.addf %parallel_loop3A_675, %parallel_loop3A_756 : vector<16xf32>
        %parallel_loop3A_758 = arith.constant 0 : i32
        %parallel_loop3A_759 = arith.constant 5 : i32
        %parallel_loop3A_760 = arith.index_cast %parallel_loop3A_758 : i32 to index
        %parallel_loop3A_761 = arith.index_cast %parallel_loop3A_759 : i32 to index
        %parallel_loop3A_762 = arith.index_cast %parallel_loop3A_651 : i32 to index
        %parallel_loop3A_763 = tpu.vector_load %arg14[%parallel_loop3A_760, %parallel_loop3A_761, %parallel_loop3A_762] {strides = array<i32>} : memref<2x16x2048xf32, #tpu.memory_space<vmem>>, vector<16xf32>,
        tpu.vector_store %arg14[%parallel_loop3A_760, %parallel_loop3A_761, %parallel_loop3A_762], %parallel_loop3A_757 {strides = array<i32>} : memref<2x16x2048xf32, #tpu.memory_space<vmem>>, vector<16xf32>,
        %parallel_loop3A_764 = arith.mulf %parallel_loop3A_649, %get3A_69 : vector<16xf32>
        %parallel_loop3A_765 = arith.addf %parallel_loop3A_679, %parallel_loop3A_764 : vector<16xf32>
        %parallel_loop3A_766 = arith.constant 0 : i32
        %parallel_loop3A_767 = arith.constant 6 : i32
        %parallel_loop3A_768 = arith.index_cast %parallel_loop3A_766 : i32 to index
        %parallel_loop3A_769 = arith.index_cast %parallel_loop3A_767 : i32 to index
        %parallel_loop3A_770 = arith.index_cast %parallel_loop3A_651 : i32 to index
        %parallel_loop3A_771 = tpu.vector_load %arg14[%parallel_loop3A_768, %parallel_loop3A_769, %parallel_loop3A_770] {strides = array<i32>} : memref<2x16x2048xf32, #tpu.memory_space<vmem>>, vector<16xf32>,
        tpu.vector_store %arg14[%parallel_loop3A_768, %parallel_loop3A_769, %parallel_loop3A_770], %parallel_loop3A_765 {strides = array<i32>} : memref<2x16x2048xf32, #tpu.memory_space<vmem>>, vector<16xf32>,
        %parallel_loop3A_772 = arith.mulf %parallel_loop3A_649, %get3A_71 : vector<16xf32>
        %parallel_loop3A_773 = arith.addf %parallel_loop3A_683, %parallel_loop3A_772 : vector<16xf32>
        %parallel_loop3A_774 = arith.constant 0 : i32
        %parallel_loop3A_775 = arith.constant 7 : i32
        %parallel_loop3A_776 = arith.index_cast %parallel_loop3A_774 : i32 to index
        %parallel_loop3A_777 = arith.index_cast %parallel_loop3A_775 : i32 to index
        %parallel_loop3A_778 = arith.index_cast %parallel_loop3A_651 : i32 to index
        %parallel_loop3A_779 = tpu.vector_load %arg14[%parallel_loop3A_776, %parallel_loop3A_777, %parallel_loop3A_778] {strides = array<i32>} : memref<2x16x2048xf32, #tpu.memory_space<vmem>>, vector<16xf32>,
        tpu.vector_store %arg14[%parallel_loop3A_776, %parallel_loop3A_777, %parallel_loop3A_778], %parallel_loop3A_773 {strides = array<i32>} : memref<2x16x2048xf32, #tpu.memory_space<vmem>>, vector<16xf32>,
        %parallel_loop3A_780 = arith.mulf %parallel_loop3A_649, %get3A_73 : vector<16xf32>
        %parallel_loop3A_781 = arith.addf %parallel_loop3A_687, %parallel_loop3A_780 : vector<16xf32>
        %parallel_loop3A_782 = arith.constant 0 : i32
        %parallel_loop3A_783 = arith.constant 8 : i32
        %parallel_loop3A_784 = arith.index_cast %parallel_loop3A_782 : i32 to index
        %parallel_loop3A_785 = arith.index_cast %parallel_loop3A_783 : i32 to index
        %parallel_loop3A_786 = arith.index_cast %parallel_loop3A_651 : i32 to index
        %parallel_loop3A_787 = tpu.vector_load %arg14[%parallel_loop3A_784, %parallel_loop3A_785, %parallel_loop3A_786] {strides = array<i32>} : memref<2x16x2048xf32, #tpu.memory_space<vmem>>, vector<16xf32>,
        tpu.vector_store %arg14[%parallel_loop3A_784, %parallel_loop3A_785, %parallel_loop3A_786], %parallel_loop3A_781 {strides = array<i32>} : memref<2x16x2048xf32, #tpu.memory_space<vmem>>, vector<16xf32>,
        %parallel_loop3A_788 = arith.mulf %parallel_loop3A_649, %get3A_75 : vector<16xf32>
        %parallel_loop3A_789 = arith.addf %parallel_loop3A_691, %parallel_loop3A_788 : vector<16xf32>
        %parallel_loop3A_790 = arith.constant 0 : i32
        %parallel_loop3A_791 = arith.constant 9 : i32
        %parallel_loop3A_792 = arith.index_cast %parallel_loop3A_790 : i32 to index
        %parallel_loop3A_793 = arith.index_cast %parallel_loop3A_791 : i32 to index
        %parallel_loop3A_794 = arith.index_cast %parallel_loop3A_651 : i32 to index
        %parallel_loop3A_795 = tpu.vector_load %arg14[%parallel_loop3A_792, %parallel_loop3A_793, %parallel_loop3A_794] {strides = array<i32>} : memref<2x16x2048xf32, #tpu.memory_space<vmem>>, vector<16xf32>,
        tpu.vector_store %arg14[%parallel_loop3A_792, %parallel_loop3A_793, %parallel_loop3A_794], %parallel_loop3A_789 {strides = array<i32>} : memref<2x16x2048xf32, #tpu.memory_space<vmem>>, vector<16xf32>,
        %parallel_loop3A_796 = arith.mulf %parallel_loop3A_649, %get3A_77 : vector<16xf32>
        %parallel_loop3A_797 = arith.addf %parallel_loop3A_695, %parallel_loop3A_796 : vector<16xf32>
        %parallel_loop3A_798 = arith.constant 0 : i32
        %parallel_loop3A_799 = arith.constant 10 : i32
        %parallel_loop3A_800 = arith.index_cast %parallel_loop3A_798 : i32 to index
        %parallel_loop3A_801 = arith.index_cast %parallel_loop3A_799 : i32 to index
        %parallel_loop3A_802 = arith.index_cast %parallel_loop3A_651 : i32 to index
        %parallel_loop3A_803 = tpu.vector_load %arg14[%parallel_loop3A_800, %parallel_loop3A_801, %parallel_loop3A_802] {strides = array<i32>} : memref<2x16x2048xf32, #tpu.memory_space<vmem>>, vector<16xf32>,
        tpu.vector_store %arg14[%parallel_loop3A_800, %parallel_loop3A_801, %parallel_loop3A_802], %parallel_loop3A_797 {strides = array<i32>} : memref<2x16x2048xf32, #tpu.memory_space<vmem>>, vector<16xf32>,
        %parallel_loop3A_804 = arith.mulf %parallel_loop3A_649, %get3A_79 : vector<16xf32>
        %parallel_loop3A_805 = arith.addf %parallel_loop3A_699, %parallel_loop3A_804 : vector<16xf32>
        %parallel_loop3A_806 = arith.constant 0 : i32
        %parallel_loop3A_807 = arith.constant 11 : i32
        %parallel_loop3A_808 = arith.index_cast %parallel_loop3A_806 : i32 to index
        %parallel_loop3A_809 = arith.index_cast %parallel_loop3A_807 : i32 to index
        %parallel_loop3A_810 = arith.index_cast %parallel_loop3A_651 : i32 to index
        %parallel_loop3A_811 = tpu.vector_load %arg14[%parallel_loop3A_808, %parallel_loop3A_809, %parallel_loop3A_810] {strides = array<i32>} : memref<2x16x2048xf32, #tpu.memory_space<vmem>>, vector<16xf32>,
        tpu.vector_store %arg14[%parallel_loop3A_808, %parallel_loop3A_809, %parallel_loop3A_810], %parallel_loop3A_805 {strides = array<i32>} : memref<2x16x2048xf32, #tpu.memory_space<vmem>>, vector<16xf32>,
        %parallel_loop3A_812 = arith.mulf %parallel_loop3A_649, %get3A_81 : vector<16xf32>
        %parallel_loop3A_813 = arith.addf %parallel_loop3A_703, %parallel_loop3A_812 : vector<16xf32>
        %parallel_loop3A_814 = arith.constant 0 : i32
        %parallel_loop3A_815 = arith.constant 12 : i32
        %parallel_loop3A_816 = arith.index_cast %parallel_loop3A_814 : i32 to index
        %parallel_loop3A_817 = arith.index_cast %parallel_loop3A_815 : i32 to index
        %parallel_loop3A_818 = arith.index_cast %parallel_loop3A_651 : i32 to index
        %parallel_loop3A_819 = tpu.vector_load %arg14[%parallel_loop3A_816, %parallel_loop3A_817, %parallel_loop3A_818] {strides = array<i32>} : memref<2x16x2048xf32, #tpu.memory_space<vmem>>, vector<16xf32>,
        tpu.vector_store %arg14[%parallel_loop3A_816, %parallel_loop3A_817, %parallel_loop3A_818], %parallel_loop3A_813 {strides = array<i32>} : memref<2x16x2048xf32, #tpu.memory_space<vmem>>, vector<16xf32>,
        %parallel_loop3A_820 = arith.mulf %parallel_loop3A_649, %get3A_83 : vector<16xf32>
        %parallel_loop3A_821 = arith.addf %parallel_loop3A_707, %parallel_loop3A_820 : vector<16xf32>
        %parallel_loop3A_822 = arith.constant 0 : i32
        %parallel_loop3A_823 = arith.constant 13 : i32
        %parallel_loop3A_824 = arith.index_cast %parallel_loop3A_822 : i32 to index
        %parallel_loop3A_825 = arith.index_cast %parallel_loop3A_823 : i32 to index
        %parallel_loop3A_826 = arith.index_cast %parallel_loop3A_651 : i32 to index
        %parallel_loop3A_827 = tpu.vector_load %arg14[%parallel_loop3A_824, %parallel_loop3A_825, %parallel_loop3A_826] {strides = array<i32>} : memref<2x16x2048xf32, #tpu.memory_space<vmem>>, vector<16xf32>,
        tpu.vector_store %arg14[%parallel_loop3A_824, %parallel_loop3A_825, %parallel_loop3A_826], %parallel_loop3A_821 {strides = array<i32>} : memref<2x16x2048xf32, #tpu.memory_space<vmem>>, vector<16xf32>,
        %parallel_loop3A_828 = arith.mulf %parallel_loop3A_649, %get3A_85 : vector<16xf32>
        %parallel_loop3A_829 = arith.addf %parallel_loop3A_711, %parallel_loop3A_828 : vector<16xf32>
        %parallel_loop3A_830 = arith.constant 0 : i32
        %parallel_loop3A_831 = arith.constant 14 : i32
        %parallel_loop3A_832 = arith.index_cast %parallel_loop3A_830 : i32 to index
        %parallel_loop3A_833 = arith.index_cast %parallel_loop3A_831 : i32 to index
        %parallel_loop3A_834 = arith.index_cast %parallel_loop3A_651 : i32 to index
        %parallel_loop3A_835 = tpu.vector_load %arg14[%parallel_loop3A_832, %parallel_loop3A_833, %parallel_loop3A_834] {strides = array<i32>} : memref<2x16x2048xf32, #tpu.memory_space<vmem>>, vector<16xf32>,
        tpu.vector_store %arg14[%parallel_loop3A_832, %parallel_loop3A_833, %parallel_loop3A_834], %parallel_loop3A_829 {strides = array<i32>} : memref<2x16x2048xf32, #tpu.memory_space<vmem>>, vector<16xf32>,
        %parallel_loop3A_836 = arith.mulf %parallel_loop3A_649, %get3A_87 : vector<16xf32>
        %parallel_loop3A_837 = arith.addf %parallel_loop3A_715, %parallel_loop3A_836 : vector<16xf32>
        %parallel_loop3A_838 = arith.constant 0 : i32
        %parallel_loop3A_839 = arith.constant 15 : i32
        %parallel_loop3A_840 = arith.index_cast %parallel_loop3A_838 : i32 to index
        %parallel_loop3A_841 = arith.index_cast %parallel_loop3A_839 : i32 to index
        %parallel_loop3A_842 = arith.index_cast %parallel_loop3A_651 : i32 to index
        %parallel_loop3A_843 = tpu.vector_load %arg14[%parallel_loop3A_840, %parallel_loop3A_841, %parallel_loop3A_842] {strides = array<i32>} : memref<2x16x2048xf32, #tpu.memory_space<vmem>>, vector<16xf32>,
        tpu.vector_store %arg14[%parallel_loop3A_840, %parallel_loop3A_841, %parallel_loop3A_842], %parallel_loop3A_837 {strides = array<i32>} : memref<2x16x2048xf32, #tpu.memory_space<vmem>>, vector<16xf32>,
      } {sc.loop_unroll_factor = 2 : i64, sc.parallel_access}
      %mul3A_470 = arith.constant 16 : i32
      %mul3A_471 = arith.muli %select_n3A_416, %mul3A_470 : i32
      %dma_start3A_472 = arith.constant 0 : i32
      %dma_start3A_473 = arith.constant 0 : i32
      %dma_start3A_474 = arith.constant 0 : i32
      %dma_start3A_475 = tpu.memref_slice %arg14[%dma_start3A_472, %dma_start3A_473, %dma_start3A_474] : memref<2x16x2048xf32, #tpu.memory_space<vmem>> -> memref<1x16x2048xf32, #tpu.memory_space<vmem>>
      %dma_start3A_476 = tpu.memref_squeeze %dma_start3A_475 : memref<1x16x2048xf32, #tpu.memory_space<vmem>> -> memref<16x2048xf32, #tpu.memory_space<vmem>>
      %dma_start3A_477 = tpu.memref_slice %arg7[%mul3A_471, %mul3A_435] : memref<3200x16384xf32, #tpu.memory_space<hbm>> -> memref<16x2048xf32, #tpu.memory_space<hbm>>
      %dma_start3A_478 = tpu.memref_slice %arg7[%mul3A_471, %mul3A_435] : memref<3200x16384xf32, #tpu.memory_space<hbm>> -> memref<16x2048xf32, #tpu.memory_space<hbm>>
      %dma_start3A_479 = arith.constant 0 : i32
      %dma_start3A_480 = arith.constant 0 : i32
      %dma_start3A_481 = tpu.memref_slice %arg14[%dma_start3A_472, %dma_start3A_479, %dma_start3A_480] : memref<2x16x2048xf32, #tpu.memory_space<vmem>> -> memref<1x16x2048xf32, #tpu.memory_space<vmem>>
      %dma_start3A_482 = tpu.memref_squeeze %dma_start3A_481 : memref<1x16x2048xf32, #tpu.memory_space<vmem>> -> memref<16x2048xf32, #tpu.memory_space<vmem>>
      tpu.enqueue_dma source(%dma_start3A_482 : memref<16x2048xf32, #tpu.memory_space<vmem>>) target(%dma_start3A_478 : memref<16x2048xf32, #tpu.memory_space<hbm>>) target_semaphore(%arg17 : memref<!tpu.dma_semaphore, #tpu.memory_space<semaphore_mem>>)
      %add3A_483 = arith.constant 2 : i32
      %add3A_484 = arith.addi %add3A_391, %add3A_483 : i32
      %lt3A_485 = arith.constant 50 : i32
      %lt3A_486 = arith.cmpi slt, %add3A_484, %lt3A_485 : i32
      %convert_element_type3A_487 = arith.extui %lt3A_486 : i1 to i32
      %cond3A_488 = arith.constant 0 : i32
      %cond3A_489 = arith.cmpi ne, %convert_element_type3A_487, %cond3A_488 : i32
      scf.if %cond3A_489 {
        %add3A_596 = arith.constant 2 : i32
        %add3A_597 = arith.addi %add3A_391, %add3A_596 : i32
        %add3A_598 = arith.addi %mul3A_89, %add3A_597 : i32
        %jit3A_599 = arith.constant 8 : i32
        %div3A_600 = arith.divsi %add3A_598, %jit3A_599 : i32
        %sign3A_601 = arith.constant 0 : i32
        %sign3A_602 = arith.cmpi sgt, %add3A_598, %sign3A_601 : i32
        %sign3A_603 = arith.extui %sign3A_602 : i1 to i32
        %sign3A_604 = arith.constant 0 : i32
        %sign3A_605 = arith.cmpi slt, %add3A_598, %sign3A_604 : i32
        %sign3A_606 = arith.extui %sign3A_605 : i1 to i32
        %sign3A_607 = arith.subi %sign3A_603, %sign3A_606 : i32
        %sign3A_608 = arith.constant 0 : i32
        %sign3A_609 = arith.cmpi sgt, %jit3A_599, %sign3A_608 : i32
        %sign3A_610 = arith.extui %sign3A_609 : i1 to i32
        %sign3A_611 = arith.constant 0 : i32
        %sign3A_612 = arith.cmpi slt, %jit3A_599, %sign3A_611 : i32
        %sign3A_613 = arith.extui %sign3A_612 : i1 to i32
        %sign3A_614 = arith.subi %sign3A_610, %sign3A_613 : i32
        %ne3A_615 = arith.cmpi ne, %sign3A_607, %sign3A_614 : i32
        %rem3A_616 = arith.remsi %add3A_598, %jit3A_599 : i32
        %ne3A_617 = arith.constant 0 : i32
        %ne3A_618 = arith.cmpi ne, %rem3A_616, %ne3A_617 : i32
        %and3A_619 = arith.andi %ne3A_615, %ne3A_618 : i1
        %sub3A_620 = arith.constant 1 : i32
        %sub3A_621 = arith.subi %div3A_600, %sub3A_620 : i32
        %select_n3A_622 = arith.select %and3A_619, %sub3A_621, %div3A_600 : i32
        %add3A_623 = arith.addi %mul3A_89, %add3A_597 : i32
        %jit3A_624 = arith.constant 8 : i32
        %eq3A_625 = arith.constant 0 : i32
        %eq3A_626 = arith.cmpi eq, %jit3A_624, %eq3A_625 : i32
        %jit3A_627 = arith.constant 1 : i32
        %select_n3A_628 = arith.select %eq3A_626, %jit3A_627, %jit3A_624 : i32
        %rem3A_629 = arith.remsi %add3A_623, %select_n3A_628 : i32
        %ne3A_630 = arith.constant 0 : i32
        %ne3A_631 = arith.cmpi ne, %rem3A_629, %ne3A_630 : i32
        %lt3A_632 = arith.constant 0 : i32
        %lt3A_633 = arith.cmpi slt, %rem3A_629, %lt3A_632 : i32
        %lt3A_634 = arith.constant 0 : i32
        %lt3A_635 = arith.cmpi slt, %select_n3A_628, %lt3A_634 : i32
        %ne3A_636 = arith.xori %lt3A_633, %lt3A_635 : i1
        %and3A_637 = arith.andi %ne3A_636, %ne3A_631 : i1
        %add3A_638 = arith.addi %rem3A_629, %select_n3A_628 : i32
        %select_n3A_639 = arith.select %and3A_637, %add3A_638, %rem3A_629 : i32
        %mul3A_640 = arith.constant 2048 : i32
        %mul3A_641 = arith.muli %select_n3A_639, %mul3A_640 : i32
        %jit3A_642 = arith.constant 8 : i32
        %div3A_643 = arith.divsi %select_n3A_622, %jit3A_642 : i32
        %sign3A_644 = arith.constant 0 : i32
        %sign3A_645 = arith.cmpi sgt, %select_n3A_622, %sign3A_644 : i32
        %sign3A_646 = arith.extui %sign3A_645 : i1 to i32
        %sign3A_647 = arith.constant 0 : i32
        %sign3A_648 = arith.cmpi slt, %select_n3A_622, %sign3A_647 : i32
        %sign3A_649 = arith.extui %sign3A_648 : i1 to i32
        %sign3A_650 = arith.subi %sign3A_646, %sign3A_649 : i32
        %sign3A_651 = arith.constant 0 : i32
        %sign3A_652 = arith.cmpi sgt, %jit3A_642, %sign3A_651 : i32
        %sign3A_653 = arith.extui %sign3A_652 : i1 to i32
        %sign3A_654 = arith.constant 0 : i32
        %sign3A_655 = arith.cmpi slt, %jit3A_642, %sign3A_654 : i32
        %sign3A_656 = arith.extui %sign3A_655 : i1 to i32
        %sign3A_657 = arith.subi %sign3A_653, %sign3A_656 : i32
        %ne3A_658 = arith.cmpi ne, %sign3A_650, %sign3A_657 : i32
        %rem3A_659 = arith.remsi %select_n3A_622, %jit3A_642 : i32
        %ne3A_660 = arith.constant 0 : i32
        %ne3A_661 = arith.cmpi ne, %rem3A_659, %ne3A_660 : i32
        %and3A_662 = arith.andi %ne3A_658, %ne3A_661 : i1
        %sub3A_663 = arith.constant 1 : i32
        %sub3A_664 = arith.subi %div3A_643, %sub3A_663 : i32
        %select_n3A_665 = arith.select %and3A_662, %sub3A_664, %div3A_643 : i32
        %jit3A_666 = arith.constant 128 : i32
        %div3A_667 = arith.divsi %mul3A_641, %jit3A_666 : i32
        %sign3A_668 = arith.constant 0 : i32
        %sign3A_669 = arith.cmpi sgt, %mul3A_641, %sign3A_668 : i32
        %sign3A_670 = arith.extui %sign3A_669 : i1 to i32
        %sign3A_671 = arith.constant 0 : i32
        %sign3A_672 = arith.cmpi slt, %mul3A_641, %sign3A_671 : i32
        %sign3A_673 = arith.extui %sign3A_672 : i1 to i32
        %sign3A_674 = arith.subi %sign3A_670, %sign3A_673 : i32
        %sign3A_675 = arith.constant 0 : i32
        %sign3A_676 = arith.cmpi sgt, %jit3A_666, %sign3A_675 : i32
        %sign3A_677 = arith.extui %sign3A_676 : i1 to i32
        %sign3A_678 = arith.constant 0 : i32
        %sign3A_679 = arith.cmpi slt, %jit3A_666, %sign3A_678 : i32
        %sign3A_680 = arith.extui %sign3A_679 : i1 to i32
        %sign3A_681 = arith.subi %sign3A_677, %sign3A_680 : i32
        %ne3A_682 = arith.cmpi ne, %sign3A_674, %sign3A_681 : i32
        %rem3A_683 = arith.remsi %mul3A_641, %jit3A_666 : i32
        %ne3A_684 = arith.constant 0 : i32
        %ne3A_685 = arith.cmpi ne, %rem3A_683, %ne3A_684 : i32
        %and3A_686 = arith.andi %ne3A_682, %ne3A_685 : i1
        %sub3A_687 = arith.constant 1 : i32
        %sub3A_688 = arith.subi %div3A_667, %sub3A_687 : i32
        %select_n3A_689 = arith.select %and3A_686, %sub3A_688, %div3A_667 : i32
        %jit3A_690 = arith.constant 8 : i32
        %eq3A_691 = arith.constant 0 : i32
        %eq3A_692 = arith.cmpi eq, %jit3A_690, %eq3A_691 : i32
        %jit3A_693 = arith.constant 1 : i32
        %select_n3A_694 = arith.select %eq3A_692, %jit3A_693, %jit3A_690 : i32
        %rem3A_695 = arith.remsi %select_n3A_622, %select_n3A_694 : i32
        %ne3A_696 = arith.constant 0 : i32
        %ne3A_697 = arith.cmpi ne, %rem3A_695, %ne3A_696 : i32
        %lt3A_698 = arith.constant 0 : i32
        %lt3A_699 = arith.cmpi slt, %rem3A_695, %lt3A_698 : i32
        %lt3A_700 = arith.constant 0 : i32
        %lt3A_701 = arith.cmpi slt, %select_n3A_694, %lt3A_700 : i32
        %ne3A_702 = arith.xori %lt3A_699, %lt3A_701 : i1
        %and3A_703 = arith.andi %ne3A_702, %ne3A_697 : i1
        %add3A_704 = arith.addi %rem3A_695, %select_n3A_694 : i32
        %select_n3A_705 = arith.select %and3A_703, %add3A_704, %rem3A_695 : i32
        %dma_start3A_706 = arith.constant 0 : i32
        %dma_start3A_707 = arith.constant 0 : i32
        %dma_start3A_708 = arith.constant 0 : i32
        %dma_start3A_709 = tpu.memref_slice %arg12[%dma_start3A_706, %dma_start3A_707, %dma_start3A_708] : memref<2x16x128xi32, #tpu.memory_space<vmem>> -> memref<1x16x128xi32, #tpu.memory_space<vmem>>
        %dma_start3A_710 = tpu.memref_squeeze %dma_start3A_709 : memref<1x16x128xi32, #tpu.memory_space<vmem>> -> memref<16x128xi32, #tpu.memory_space<vmem>>
        %dma_start3A_711 = arith.constant 0 : i32
        %dma_start3A_712 = tpu.memref_slice %arg2[%select_n3A_665, %select_n3A_689, %select_n3A_705, %dma_start3A_711] : memref<25x128x8x128xi32, #tpu.memory_space<hbm>> -> memref<1x16x1x128xi32, #tpu.memory_space<hbm>>
        %dma_start3A_713 = tpu.memref_squeeze %dma_start3A_712 : memref<1x16x1x128xi32, #tpu.memory_space<hbm>> -> memref<16x128xi32, #tpu.memory_space<hbm>>
        %dma_start3A_714 = arith.constant 0 : i32
        %dma_start3A_715 = arith.constant 0 : i32
        %dma_start3A_716 = tpu.memref_slice %arg12[%dma_start3A_706, %dma_start3A_714, %dma_start3A_715] : memref<2x16x128xi32, #tpu.memory_space<vmem>> -> memref<1x16x128xi32, #tpu.memory_space<vmem>>
        %dma_start3A_717 = tpu.memref_squeeze %dma_start3A_716 : memref<1x16x128xi32, #tpu.memory_space<vmem>> -> memref<16x128xi32, #tpu.memory_space<vmem>>
        %dma_start3A_718 = arith.constant 0 : i32
        %dma_start3A_719 = tpu.memref_slice %arg2[%select_n3A_665, %select_n3A_689, %select_n3A_705, %dma_start3A_718] : memref<25x128x8x128xi32, #tpu.memory_space<hbm>> -> memref<1x16x1x128xi32, #tpu.memory_space<hbm>>
        %dma_start3A_720 = tpu.memref_squeeze %dma_start3A_719 : memref<1x16x1x128xi32, #tpu.memory_space<hbm>> -> memref<16x128xi32, #tpu.memory_space<hbm>>
        tpu.enqueue_dma source(%dma_start3A_720 : memref<16x128xi32, #tpu.memory_space<hbm>>) target(%dma_start3A_717 : memref<16x128xi32, #tpu.memory_space<vmem>>) target_semaphore(%arg15 : memref<!tpu.dma_semaphore, #tpu.memory_space<semaphore_mem>>)
        %mul3A_721 = arith.constant 16384 : i32
        %mul3A_722 = arith.muli %select_n3A_622, %mul3A_721 : i32
        %add3A_723 = arith.addi %mul3A_722, %mul3A_641 : i32
        %dma_start3A_724 = arith.constant 0 : i32
        %dma_start3A_725 = arith.constant 0 : i32
        %dma_start3A_726 = tpu.memref_slice %arg13[%dma_start3A_724, %dma_start3A_725] : memref<2x2048xf32, #tpu.memory_space<vmem>> -> memref<1x2048xf32, #tpu.memory_space<vmem>>
        %dma_start3A_727 = tpu.memref_squeeze %dma_start3A_726 : memref<1x2048xf32, #tpu.memory_space<vmem>> -> memref<2048xf32, #tpu.memory_space<vmem>>
        %dma_start3A_728 = tpu.memref_slice %arg3[%add3A_723] : memref<3276800xf32, #tpu.memory_space<hbm>> -> memref<2048xf32, #tpu.memory_space<hbm>>
        %dma_start3A_729 = arith.constant 0 : i32
        %dma_start3A_730 = tpu.memref_slice %arg13[%dma_start3A_724, %dma_start3A_729] : memref<2x2048xf32, #tpu.memory_space<vmem>> -> memref<1x2048xf32, #tpu.memory_space<vmem>>
        %dma_start3A_731 = tpu.memref_squeeze %dma_start3A_730 : memref<1x2048xf32, #tpu.memory_space<vmem>> -> memref<2048xf32, #tpu.memory_space<vmem>>
        %dma_start3A_732 = tpu.memref_slice %arg3[%add3A_723] : memref<3276800xf32, #tpu.memory_space<hbm>> -> memref<2048xf32, #tpu.memory_space<hbm>>
        tpu.enqueue_dma source(%dma_start3A_732 : memref<2048xf32, #tpu.memory_space<hbm>>) target(%dma_start3A_731 : memref<2048xf32, #tpu.memory_space<vmem>>) target_semaphore(%arg15 : memref<!tpu.dma_semaphore, #tpu.memory_space<semaphore_mem>>)
      } else {
      }
      %mul3A_490 = arith.constant 2 : i32
      %mul3A_491 = arith.muli %scan3A_387, %mul3A_490 : i32
      %add3A_492 = arith.constant 1 : i32
      %add3A_493 = arith.addi %mul3A_491, %add3A_492 : i32
      %add3A_494 = arith.addi %mul3A_89, %add3A_493 : i32
      %jit3A_495 = arith.constant 8 : i32
      %div3A_496 = arith.divsi %add3A_494, %jit3A_495 : i32
      %sign3A_497 = arith.constant 0 : i32
      %sign3A_498 = arith.cmpi sgt, %add3A_494, %sign3A_497 : i32
      %sign3A_499 = arith.extui %sign3A_498 : i1 to i32
      %sign3A_500 = arith.constant 0 : i32
      %sign3A_501 = arith.cmpi slt, %add3A_494, %sign3A_500 : i32
      %sign3A_502 = arith.extui %sign3A_501 : i1 to i32
      %sign3A_503 = arith.subi %sign3A_499, %sign3A_502 : i32
      %sign3A_504 = arith.constant 0 : i32
      %sign3A_505 = arith.cmpi sgt, %jit3A_495, %sign3A_504 : i32
      %sign3A_506 = arith.extui %sign3A_505 : i1 to i32
      %sign3A_507 = arith.constant 0 : i32
      %sign3A_508 = arith.cmpi slt, %jit3A_495, %sign3A_507 : i32
      %sign3A_509 = arith.extui %sign3A_508 : i1 to i32
      %sign3A_510 = arith.subi %sign3A_506, %sign3A_509 : i32
      %ne3A_511 = arith.cmpi ne, %sign3A_503, %sign3A_510 : i32
      %rem3A_512 = arith.remsi %add3A_494, %jit3A_495 : i32
      %ne3A_513 = arith.constant 0 : i32
      %ne3A_514 = arith.cmpi ne, %rem3A_512, %ne3A_513 : i32
      %and3A_515 = arith.andi %ne3A_511, %ne3A_514 : i1
      %sub3A_516 = arith.constant 1 : i32
      %sub3A_517 = arith.subi %div3A_496, %sub3A_516 : i32
      %select_n3A_518 = arith.select %and3A_515, %sub3A_517, %div3A_496 : i32
      %add3A_519 = arith.addi %mul3A_89, %add3A_493 : i32
      %jit3A_520 = arith.constant 8 : i32
      %eq3A_521 = arith.constant 0 : i32
      %eq3A_522 = arith.cmpi eq, %jit3A_520, %eq3A_521 : i32
      %jit3A_523 = arith.constant 1 : i32
      %select_n3A_524 = arith.select %eq3A_522, %jit3A_523, %jit3A_520 : i32
      %rem3A_525 = arith.remsi %add3A_519, %select_n3A_524 : i32
      %ne3A_526 = arith.constant 0 : i32
      %ne3A_527 = arith.cmpi ne, %rem3A_525, %ne3A_526 : i32
      %lt3A_528 = arith.constant 0 : i32
      %lt3A_529 = arith.cmpi slt, %rem3A_525, %lt3A_528 : i32
      %lt3A_530 = arith.constant 0 : i32
      %lt3A_531 = arith.cmpi slt, %select_n3A_524, %lt3A_530 : i32
      %ne3A_532 = arith.xori %lt3A_529, %lt3A_531 : i1
      %and3A_533 = arith.andi %ne3A_532, %ne3A_527 : i1
      %add3A_534 = arith.addi %rem3A_525, %select_n3A_524 : i32
      %select_n3A_535 = arith.select %and3A_533, %add3A_534, %rem3A_525 : i32
      %mul3A_536 = arith.constant 2048 : i32
      %mul3A_537 = arith.muli %select_n3A_535, %mul3A_536 : i32
      %dma_wait3A_538 = arith.constant 0 : i32
      %dma_wait3A_539 = arith.constant 0 : i32
      %dma_wait3A_540 = arith.constant 1 : i32
      %dma_wait3A_541 = arith.constant 0 : i32
      %dma_wait3A_542 = arith.constant 0 : i32
      %dma_wait3A_543 = tpu.memref_slice %arg12[%dma_wait3A_540, %dma_wait3A_541, %dma_wait3A_542] : memref<2x16x128xi32, #tpu.memory_space<vmem>> -> memref<1x16x128xi32, #tpu.memory_space<vmem>>
      %dma_wait3A_544 = tpu.memref_squeeze %dma_wait3A_543 : memref<1x16x128xi32, #tpu.memory_space<vmem>> -> memref<16x128xi32, #tpu.memory_space<vmem>>
      %dma_wait3A_545 = arith.constant 0 : i32
      %dma_wait3A_546 = arith.constant 0 : i32
      %dma_wait3A_547 = tpu.memref_slice %arg2[%dma_wait3A_538, %dma_wait3A_545, %dma_wait3A_539, %dma_wait3A_546] : memref<25x128x8x128xi32, #tpu.memory_space<hbm>> -> memref<1x16x1x128xi32, #tpu.memory_space<hbm>>
      %dma_wait3A_548 = tpu.memref_squeeze %dma_wait3A_547 : memref<1x16x1x128xi32, #tpu.memory_space<hbm>> -> memref<16x128xi32, #tpu.memory_space<hbm>>
      %dma_wait3A_549 = arith.constant 0 : i32
      %dma_wait3A_550 = arith.constant 0 : i32
      %dma_wait3A_551 = tpu.memref_slice %arg12[%dma_wait3A_540, %dma_wait3A_549, %dma_wait3A_550] : memref<2x16x128xi32, #tpu.memory_space<vmem>> -> memref<1x16x128xi32, #tpu.memory_space<vmem>>
      %dma_wait3A_552 = tpu.memref_squeeze %dma_wait3A_551 : memref<1x16x128xi32, #tpu.memory_space<vmem>> -> memref<16x128xi32, #tpu.memory_space<vmem>>
      %dma_wait3A_553 = arith.constant 0 : i32
      %dma_wait3A_554 = arith.constant 0 : i32
      %dma_wait3A_555 = tpu.memref_slice %arg2[%dma_wait3A_538, %dma_wait3A_553, %dma_wait3A_539, %dma_wait3A_554] : memref<25x128x8x128xi32, #tpu.memory_space<hbm>> -> memref<1x16x1x128xi32, #tpu.memory_space<hbm>>
      %dma_wait3A_556 = tpu.memref_squeeze %dma_wait3A_555 : memref<1x16x1x128xi32, #tpu.memory_space<hbm>> -> memref<16x128xi32, #tpu.memory_space<hbm>>
      tpu.wait_dma2 semaphore(%arg16 : memref<!tpu.dma_semaphore, #tpu.memory_space<semaphore_mem>>) src(%dma_wait3A_556 : memref<16x128xi32, #tpu.memory_space<hbm>>) dst(%dma_wait3A_552 : memref<16x128xi32, #tpu.memory_space<vmem>>)
      %dma_wait3A_557 = arith.constant 1 : i32
      %dma_wait3A_558 = arith.constant 0 : i32
      %dma_wait3A_559 = tpu.memref_slice %arg13[%dma_wait3A_557, %dma_wait3A_558] : memref<2x2048xf32, #tpu.memory_space<vmem>> -> memref<1x2048xf32, #tpu.memory_space<vmem>>
      %dma_wait3A_560 = tpu.memref_squeeze %dma_wait3A_559 : memref<1x2048xf32, #tpu.memory_space<vmem>> -> memref<2048xf32, #tpu.memory_space<vmem>>
      %dma_wait3A_561 = arith.constant 0 : i32
      %dma_wait3A_562 = tpu.memref_slice %arg3[%dma_wait3A_561] : memref<3276800xf32, #tpu.memory_space<hbm>> -> memref<2048xf32, #tpu.memory_space<hbm>>
      %dma_wait3A_563 = arith.constant 0 : i32
      %dma_wait3A_564 = tpu.memref_slice %arg13[%dma_wait3A_557, %dma_wait3A_563] : memref<2x2048xf32, #tpu.memory_space<vmem>> -> memref<1x2048xf32, #tpu.memory_space<vmem>>
      %dma_wait3A_565 = tpu.memref_squeeze %dma_wait3A_564 : memref<1x2048xf32, #tpu.memory_space<vmem>> -> memref<2048xf32, #tpu.memory_space<vmem>>
      %dma_wait3A_566 = arith.constant 0 : i32
      %dma_wait3A_567 = tpu.memref_slice %arg3[%dma_wait3A_566] : memref<3276800xf32, #tpu.memory_space<hbm>> -> memref<2048xf32, #tpu.memory_space<hbm>>
      tpu.wait_dma2 semaphore(%arg16 : memref<!tpu.dma_semaphore, #tpu.memory_space<semaphore_mem>>) src(%dma_wait3A_567 : memref<2048xf32, #tpu.memory_space<hbm>>) dst(%dma_wait3A_565 : memref<2048xf32, #tpu.memory_space<vmem>>)
      %ge3A_568 = arith.constant 2 : i32
      %ge3A_569 = arith.cmpi sge, %add3A_493, %ge3A_568 : i32
      %convert_element_type3A_570 = arith.extui %ge3A_569 : i1 to i32
      %cond3A_571 = arith.constant 0 : i32
      %cond3A_572 = arith.cmpi ne, %convert_element_type3A_570, %cond3A_571 : i32
      scf.if %cond3A_572 {
        %dma_wait3A_596 = arith.constant 1 : i32
        %dma_wait3A_597 = arith.constant 0 : i32
        %dma_wait3A_598 = arith.constant 0 : i32
        %dma_wait3A_599 = tpu.memref_slice %arg14[%dma_wait3A_596, %dma_wait3A_597, %dma_wait3A_598] : memref<2x16x2048xf32, #tpu.memory_space<vmem>> -> memref<1x16x2048xf32, #tpu.memory_space<vmem>>
        %dma_wait3A_600 = tpu.memref_squeeze %dma_wait3A_599 : memref<1x16x2048xf32, #tpu.memory_space<vmem>> -> memref<16x2048xf32, #tpu.memory_space<vmem>>
        %dma_wait3A_601 = arith.constant 0 : i32
        %dma_wait3A_602 = arith.constant 0 : i32
        %dma_wait3A_603 = tpu.memref_slice %arg7[%dma_wait3A_601, %dma_wait3A_602] : memref<3200x16384xf32, #tpu.memory_space<hbm>> -> memref<16x2048xf32, #tpu.memory_space<hbm>>
        %dma_wait3A_604 = arith.constant 0 : i32
        %dma_wait3A_605 = arith.constant 0 : i32
        %dma_wait3A_606 = tpu.memref_slice %arg14[%dma_wait3A_596, %dma_wait3A_604, %dma_wait3A_605] : memref<2x16x2048xf32, #tpu.memory_space<vmem>> -> memref<1x16x2048xf32, #tpu.memory_space<vmem>>
        %dma_wait3A_607 = tpu.memref_squeeze %dma_wait3A_606 : memref<1x16x2048xf32, #tpu.memory_space<vmem>> -> memref<16x2048xf32, #tpu.memory_space<vmem>>
        %dma_wait3A_608 = arith.constant 0 : i32
        %dma_wait3A_609 = arith.constant 0 : i32
        %dma_wait3A_610 = tpu.memref_slice %arg7[%dma_wait3A_608, %dma_wait3A_609] : memref<3200x16384xf32, #tpu.memory_space<hbm>> -> memref<16x2048xf32, #tpu.memory_space<hbm>>
        tpu.wait_dma2 semaphore(%arg18 : memref<!tpu.dma_semaphore, #tpu.memory_space<semaphore_mem>>) src(%dma_wait3A_610 : memref<16x2048xf32, #tpu.memory_space<hbm>>) dst(%dma_wait3A_607 : memref<16x2048xf32, #tpu.memory_space<vmem>>)
      } else {
      }
      %parallel_loop3A_573 = arith.constant 0 : i32
      %parallel_loop3A_574 = arith.constant 128 : i32
      %parallel_loop3A_575 = arith.constant 1 : i32
      scf.for %parallel_loop3A_596 = %parallel_loop3A_573 to %parallel_loop3A_574 step %parallel_loop3A_575  : i32 {
        %parallel_loop3A_597 = arith.constant 8 : i32
        %parallel_loop3A_598 = arith.divsi %parallel_loop3A_596, %parallel_loop3A_597 : i32
        %parallel_loop3A_599 = arith.constant 0 : i32
        %parallel_loop3A_600 = arith.cmpi sgt, %parallel_loop3A_596, %parallel_loop3A_599 : i32
        %parallel_loop3A_601 = arith.extui %parallel_loop3A_600 : i1 to i32
        %parallel_loop3A_602 = arith.constant 0 : i32
        %parallel_loop3A_603 = arith.cmpi slt, %parallel_loop3A_596, %parallel_loop3A_602 : i32
        %parallel_loop3A_604 = arith.extui %parallel_loop3A_603 : i1 to i32
        %parallel_loop3A_605 = arith.subi %parallel_loop3A_601, %parallel_loop3A_604 : i32
        %parallel_loop3A_606 = arith.constant 0 : i32
        %parallel_loop3A_607 = arith.cmpi sgt, %parallel_loop3A_597, %parallel_loop3A_606 : i32
        %parallel_loop3A_608 = arith.extui %parallel_loop3A_607 : i1 to i32
        %parallel_loop3A_609 = arith.constant 0 : i32
        %parallel_loop3A_610 = arith.cmpi slt, %parallel_loop3A_597, %parallel_loop3A_609 : i32
        %parallel_loop3A_611 = arith.extui %parallel_loop3A_610 : i1 to i32
        %parallel_loop3A_612 = arith.subi %parallel_loop3A_608, %parallel_loop3A_611 : i32
        %parallel_loop3A_613 = arith.cmpi ne, %parallel_loop3A_605, %parallel_loop3A_612 : i32
        %parallel_loop3A_614 = arith.remsi %parallel_loop3A_596, %parallel_loop3A_597 : i32
        %parallel_loop3A_615 = arith.constant 0 : i32
        %parallel_loop3A_616 = arith.cmpi ne, %parallel_loop3A_614, %parallel_loop3A_615 : i32
        %parallel_loop3A_617 = arith.andi %parallel_loop3A_613, %parallel_loop3A_616 : i1
        %parallel_loop3A_618 = arith.constant 1 : i32
        %parallel_loop3A_619 = arith.subi %parallel_loop3A_598, %parallel_loop3A_618 : i32
        %parallel_loop3A_620 = arith.select %parallel_loop3A_617, %parallel_loop3A_619, %parallel_loop3A_598 : i32
        %parallel_loop3A_621 = arith.constant 8 : i32
        %parallel_loop3A_622 = arith.constant 0 : i32
        %parallel_loop3A_623 = arith.cmpi eq, %parallel_loop3A_621, %parallel_loop3A_622 : i32
        %parallel_loop3A_624 = arith.constant 1 : i32
        %parallel_loop3A_625 = arith.select %parallel_loop3A_623, %parallel_loop3A_624, %parallel_loop3A_621 : i32
        %parallel_loop3A_626 = arith.remsi %parallel_loop3A_596, %parallel_loop3A_625 : i32
        %parallel_loop3A_627 = arith.constant 0 : i32
        %parallel_loop3A_628 = arith.cmpi ne, %parallel_loop3A_626, %parallel_loop3A_627 : i32
        %parallel_loop3A_629 = arith.constant 0 : i32
        %parallel_loop3A_630 = arith.cmpi slt, %parallel_loop3A_626, %parallel_loop3A_629 : i32
        %parallel_loop3A_631 = arith.constant 0 : i32
        %parallel_loop3A_632 = arith.cmpi slt, %parallel_loop3A_625, %parallel_loop3A_631 : i32
        %parallel_loop3A_633 = arith.xori %parallel_loop3A_630, %parallel_loop3A_632 : i1
        %parallel_loop3A_634 = arith.andi %parallel_loop3A_633, %parallel_loop3A_628 : i1
        %parallel_loop3A_635 = arith.addi %parallel_loop3A_626, %parallel_loop3A_625 : i32
        %parallel_loop3A_636 = arith.select %parallel_loop3A_634, %parallel_loop3A_635, %parallel_loop3A_626 : i32
        %parallel_loop3A_637 = arith.constant 16 : i32
        %parallel_loop3A_638 = arith.muli %parallel_loop3A_636, %parallel_loop3A_637 : i32
        %parallel_loop3A_639 = arith.constant 1 : i32
        %parallel_loop3A_640 = arith.index_cast %parallel_loop3A_639 : i32 to index
        %parallel_loop3A_641 = arith.index_cast %parallel_loop3A_620 : i32 to index
        %parallel_loop3A_642 = arith.index_cast %parallel_loop3A_638 : i32 to index
        %parallel_loop3A_643 = tpu.vector_load %arg12[%parallel_loop3A_640, %parallel_loop3A_641, %parallel_loop3A_642] {strides = array<i32>} : memref<2x16x128xi32, #tpu.memory_space<vmem>>, vector<16xi32>,
        %parallel_loop3A_644 = arith.constant 16 : i32
        %parallel_loop3A_645 = arith.muli %parallel_loop3A_596, %parallel_loop3A_644 : i32
        %parallel_loop3A_646 = arith.constant 1 : i32
        %parallel_loop3A_647 = arith.index_cast %parallel_loop3A_646 : i32 to index
        %parallel_loop3A_648 = arith.index_cast %parallel_loop3A_645 : i32 to index
        %parallel_loop3A_649 = tpu.vector_load %arg13[%parallel_loop3A_647, %parallel_loop3A_648] {strides = array<i32>} : memref<2x2048xf32, #tpu.memory_space<vmem>>, vector<16xf32>,
        %parallel_loop3A_650 = arith.constant 16 : i32
        %parallel_loop3A_651 = arith.muli %parallel_loop3A_596, %parallel_loop3A_650 : i32
        %parallel_loop3A_652 = arith.constant 0 : i32
        %parallel_loop3A_653 = vector.broadcast %parallel_loop3A_652 : i32 to vector<16xi32>
        %parallel_loop3A_654 = arith.addi %parallel_loop3A_643, %parallel_loop3A_653 : vector<16xi32>
        %parallel_loop3A_655 = tpu.vector_load_idx %arg9[%parallel_loop3A_654] : memref<96xf32, #tpu.memory_space<vmem>>[vector<16xi32>], vector<16xf32>,
        %parallel_loop3A_656 = arith.constant 6 : i32
        %parallel_loop3A_657 = vector.broadcast %parallel_loop3A_656 : i32 to vector<16xi32>
        %parallel_loop3A_658 = arith.addi %parallel_loop3A_643, %parallel_loop3A_657 : vector<16xi32>
        %parallel_loop3A_659 = tpu.vector_load_idx %arg9[%parallel_loop3A_658] : memref<96xf32, #tpu.memory_space<vmem>>[vector<16xi32>], vector<16xf32>,
        %parallel_loop3A_660 = arith.constant 12 : i32
        %parallel_loop3A_661 = vector.broadcast %parallel_loop3A_660 : i32 to vector<16xi32>
        %parallel_loop3A_662 = arith.addi %parallel_loop3A_643, %parallel_loop3A_661 : vector<16xi32>
        %parallel_loop3A_663 = tpu.vector_load_idx %arg9[%parallel_loop3A_662] : memref<96xf32, #tpu.memory_space<vmem>>[vector<16xi32>], vector<16xf32>,
        %parallel_loop3A_664 = arith.constant 18 : i32
        %parallel_loop3A_665 = vector.broadcast %parallel_loop3A_664 : i32 to vector<16xi32>
        %parallel_loop3A_666 = arith.addi %parallel_loop3A_643, %parallel_loop3A_665 : vector<16xi32>
        %parallel_loop3A_667 = tpu.vector_load_idx %arg9[%parallel_loop3A_666] : memref<96xf32, #tpu.memory_space<vmem>>[vector<16xi32>], vector<16xf32>,
        %parallel_loop3A_668 = arith.constant 24 : i32
        %parallel_loop3A_669 = vector.broadcast %parallel_loop3A_668 : i32 to vector<16xi32>
        %parallel_loop3A_670 = arith.addi %parallel_loop3A_643, %parallel_loop3A_669 : vector<16xi32>
        %parallel_loop3A_671 = tpu.vector_load_idx %arg9[%parallel_loop3A_670] : memref<96xf32, #tpu.memory_space<vmem>>[vector<16xi32>], vector<16xf32>,
        %parallel_loop3A_672 = arith.constant 30 : i32
        %parallel_loop3A_673 = vector.broadcast %parallel_loop3A_672 : i32 to vector<16xi32>
        %parallel_loop3A_674 = arith.addi %parallel_loop3A_643, %parallel_loop3A_673 : vector<16xi32>
        %parallel_loop3A_675 = tpu.vector_load_idx %arg9[%parallel_loop3A_674] : memref<96xf32, #tpu.memory_space<vmem>>[vector<16xi32>], vector<16xf32>,
        %parallel_loop3A_676 = arith.constant 36 : i32
        %parallel_loop3A_677 = vector.broadcast %parallel_loop3A_676 : i32 to vector<16xi32>
        %parallel_loop3A_678 = arith.addi %parallel_loop3A_643, %parallel_loop3A_677 : vector<16xi32>
        %parallel_loop3A_679 = tpu.vector_load_idx %arg9[%parallel_loop3A_678] : memref<96xf32, #tpu.memory_space<vmem>>[vector<16xi32>], vector<16xf32>,
        %parallel_loop3A_680 = arith.constant 42 : i32
        %parallel_loop3A_681 = vector.broadcast %parallel_loop3A_680 : i32 to vector<16xi32>
        %parallel_loop3A_682 = arith.addi %parallel_loop3A_643, %parallel_loop3A_681 : vector<16xi32>
        %parallel_loop3A_683 = tpu.vector_load_idx %arg9[%parallel_loop3A_682] : memref<96xf32, #tpu.memory_space<vmem>>[vector<16xi32>], vector<16xf32>,
        %parallel_loop3A_684 = arith.constant 48 : i32
        %parallel_loop3A_685 = vector.broadcast %parallel_loop3A_684 : i32 to vector<16xi32>
        %parallel_loop3A_686 = arith.addi %parallel_loop3A_643, %parallel_loop3A_685 : vector<16xi32>
        %parallel_loop3A_687 = tpu.vector_load_idx %arg9[%parallel_loop3A_686] : memref<96xf32, #tpu.memory_space<vmem>>[vector<16xi32>], vector<16xf32>,
        %parallel_loop3A_688 = arith.constant 54 : i32
        %parallel_loop3A_689 = vector.broadcast %parallel_loop3A_688 : i32 to vector<16xi32>
        %parallel_loop3A_690 = arith.addi %parallel_loop3A_643, %parallel_loop3A_689 : vector<16xi32>
        %parallel_loop3A_691 = tpu.vector_load_idx %arg9[%parallel_loop3A_690] : memref<96xf32, #tpu.memory_space<vmem>>[vector<16xi32>], vector<16xf32>,
        %parallel_loop3A_692 = arith.constant 60 : i32
        %parallel_loop3A_693 = vector.broadcast %parallel_loop3A_692 : i32 to vector<16xi32>
        %parallel_loop3A_694 = arith.addi %parallel_loop3A_643, %parallel_loop3A_693 : vector<16xi32>
        %parallel_loop3A_695 = tpu.vector_load_idx %arg9[%parallel_loop3A_694] : memref<96xf32, #tpu.memory_space<vmem>>[vector<16xi32>], vector<16xf32>,
        %parallel_loop3A_696 = arith.constant 66 : i32
        %parallel_loop3A_697 = vector.broadcast %parallel_loop3A_696 : i32 to vector<16xi32>
        %parallel_loop3A_698 = arith.addi %parallel_loop3A_643, %parallel_loop3A_697 : vector<16xi32>
        %parallel_loop3A_699 = tpu.vector_load_idx %arg9[%parallel_loop3A_698] : memref<96xf32, #tpu.memory_space<vmem>>[vector<16xi32>], vector<16xf32>,
        %parallel_loop3A_700 = arith.constant 72 : i32
        %parallel_loop3A_701 = vector.broadcast %parallel_loop3A_700 : i32 to vector<16xi32>
        %parallel_loop3A_702 = arith.addi %parallel_loop3A_643, %parallel_loop3A_701 : vector<16xi32>
        %parallel_loop3A_703 = tpu.vector_load_idx %arg9[%parallel_loop3A_702] : memref<96xf32, #tpu.memory_space<vmem>>[vector<16xi32>], vector<16xf32>,
        %parallel_loop3A_704 = arith.constant 78 : i32
        %parallel_loop3A_705 = vector.broadcast %parallel_loop3A_704 : i32 to vector<16xi32>
        %parallel_loop3A_706 = arith.addi %parallel_loop3A_643, %parallel_loop3A_705 : vector<16xi32>
        %parallel_loop3A_707 = tpu.vector_load_idx %arg9[%parallel_loop3A_706] : memref<96xf32, #tpu.memory_space<vmem>>[vector<16xi32>], vector<16xf32>,
        %parallel_loop3A_708 = arith.constant 84 : i32
        %parallel_loop3A_709 = vector.broadcast %parallel_loop3A_708 : i32 to vector<16xi32>
        %parallel_loop3A_710 = arith.addi %parallel_loop3A_643, %parallel_loop3A_709 : vector<16xi32>
        %parallel_loop3A_711 = tpu.vector_load_idx %arg9[%parallel_loop3A_710] : memref<96xf32, #tpu.memory_space<vmem>>[vector<16xi32>], vector<16xf32>,
        %parallel_loop3A_712 = arith.constant 90 : i32
        %parallel_loop3A_713 = vector.broadcast %parallel_loop3A_712 : i32 to vector<16xi32>
        %parallel_loop3A_714 = arith.addi %parallel_loop3A_643, %parallel_loop3A_713 : vector<16xi32>
        %parallel_loop3A_715 = tpu.vector_load_idx %arg9[%parallel_loop3A_714] : memref<96xf32, #tpu.memory_space<vmem>>[vector<16xi32>], vector<16xf32>,
        %parallel_loop3A_716 = arith.mulf %parallel_loop3A_649, %get3A_57 : vector<16xf32>
        %parallel_loop3A_717 = arith.addf %parallel_loop3A_655, %parallel_loop3A_716 : vector<16xf32>
        %parallel_loop3A_718 = arith.constant 1 : i32
        %parallel_loop3A_719 = arith.constant 0 : i32
        %parallel_loop3A_720 = arith.index_cast %parallel_loop3A_718 : i32 to index
        %parallel_loop3A_721 = arith.index_cast %parallel_loop3A_719 : i32 to index
        %parallel_loop3A_722 = arith.index_cast %parallel_loop3A_651 : i32 to index
        %parallel_loop3A_723 = tpu.vector_load %arg14[%parallel_loop3A_720, %parallel_loop3A_721, %parallel_loop3A_722] {strides = array<i32>} : memref<2x16x2048xf32, #tpu.memory_space<vmem>>, vector<16xf32>,
        tpu.vector_store %arg14[%parallel_loop3A_720, %parallel_loop3A_721, %parallel_loop3A_722], %parallel_loop3A_717 {strides = array<i32>} : memref<2x16x2048xf32, #tpu.memory_space<vmem>>, vector<16xf32>,
        %parallel_loop3A_724 = arith.mulf %parallel_loop3A_649, %get3A_59 : vector<16xf32>
        %parallel_loop3A_725 = arith.addf %parallel_loop3A_659, %parallel_loop3A_724 : vector<16xf32>
        %parallel_loop3A_726 = arith.constant 1 : i32
        %parallel_loop3A_727 = arith.constant 1 : i32
        %parallel_loop3A_728 = arith.index_cast %parallel_loop3A_726 : i32 to index
        %parallel_loop3A_729 = arith.index_cast %parallel_loop3A_727 : i32 to index
        %parallel_loop3A_730 = arith.index_cast %parallel_loop3A_651 : i32 to index
        %parallel_loop3A_731 = tpu.vector_load %arg14[%parallel_loop3A_728, %parallel_loop3A_729, %parallel_loop3A_730] {strides = array<i32>} : memref<2x16x2048xf32, #tpu.memory_space<vmem>>, vector<16xf32>,
        tpu.vector_store %arg14[%parallel_loop3A_728, %parallel_loop3A_729, %parallel_loop3A_730], %parallel_loop3A_725 {strides = array<i32>} : memref<2x16x2048xf32, #tpu.memory_space<vmem>>, vector<16xf32>,
        %parallel_loop3A_732 = arith.mulf %parallel_loop3A_649, %get3A_61 : vector<16xf32>
        %parallel_loop3A_733 = arith.addf %parallel_loop3A_663, %parallel_loop3A_732 : vector<16xf32>
        %parallel_loop3A_734 = arith.constant 1 : i32
        %parallel_loop3A_735 = arith.constant 2 : i32
        %parallel_loop3A_736 = arith.index_cast %parallel_loop3A_734 : i32 to index
        %parallel_loop3A_737 = arith.index_cast %parallel_loop3A_735 : i32 to index
        %parallel_loop3A_738 = arith.index_cast %parallel_loop3A_651 : i32 to index
        %parallel_loop3A_739 = tpu.vector_load %arg14[%parallel_loop3A_736, %parallel_loop3A_737, %parallel_loop3A_738] {strides = array<i32>} : memref<2x16x2048xf32, #tpu.memory_space<vmem>>, vector<16xf32>,
        tpu.vector_store %arg14[%parallel_loop3A_736, %parallel_loop3A_737, %parallel_loop3A_738], %parallel_loop3A_733 {strides = array<i32>} : memref<2x16x2048xf32, #tpu.memory_space<vmem>>, vector<16xf32>,
        %parallel_loop3A_740 = arith.mulf %parallel_loop3A_649, %get3A_63 : vector<16xf32>
        %parallel_loop3A_741 = arith.addf %parallel_loop3A_667, %parallel_loop3A_740 : vector<16xf32>
        %parallel_loop3A_742 = arith.constant 1 : i32
        %parallel_loop3A_743 = arith.constant 3 : i32
        %parallel_loop3A_744 = arith.index_cast %parallel_loop3A_742 : i32 to index
        %parallel_loop3A_745 = arith.index_cast %parallel_loop3A_743 : i32 to index
        %parallel_loop3A_746 = arith.index_cast %parallel_loop3A_651 : i32 to index
        %parallel_loop3A_747 = tpu.vector_load %arg14[%parallel_loop3A_744, %parallel_loop3A_745, %parallel_loop3A_746] {strides = array<i32>} : memref<2x16x2048xf32, #tpu.memory_space<vmem>>, vector<16xf32>,
        tpu.vector_store %arg14[%parallel_loop3A_744, %parallel_loop3A_745, %parallel_loop3A_746], %parallel_loop3A_741 {strides = array<i32>} : memref<2x16x2048xf32, #tpu.memory_space<vmem>>, vector<16xf32>,
        %parallel_loop3A_748 = arith.mulf %parallel_loop3A_649, %get3A_65 : vector<16xf32>
        %parallel_loop3A_749 = arith.addf %parallel_loop3A_671, %parallel_loop3A_748 : vector<16xf32>
        %parallel_loop3A_750 = arith.constant 1 : i32
        %parallel_loop3A_751 = arith.constant 4 : i32
        %parallel_loop3A_752 = arith.index_cast %parallel_loop3A_750 : i32 to index
        %parallel_loop3A_753 = arith.index_cast %parallel_loop3A_751 : i32 to index
        %parallel_loop3A_754 = arith.index_cast %parallel_loop3A_651 : i32 to index
        %parallel_loop3A_755 = tpu.vector_load %arg14[%parallel_loop3A_752, %parallel_loop3A_753, %parallel_loop3A_754] {strides = array<i32>} : memref<2x16x2048xf32, #tpu.memory_space<vmem>>, vector<16xf32>,
        tpu.vector_store %arg14[%parallel_loop3A_752, %parallel_loop3A_753, %parallel_loop3A_754], %parallel_loop3A_749 {strides = array<i32>} : memref<2x16x2048xf32, #tpu.memory_space<vmem>>, vector<16xf32>,
        %parallel_loop3A_756 = arith.mulf %parallel_loop3A_649, %get3A_67 : vector<16xf32>
        %parallel_loop3A_757 = arith.addf %parallel_loop3A_675, %parallel_loop3A_756 : vector<16xf32>
        %parallel_loop3A_758 = arith.constant 1 : i32
        %parallel_loop3A_759 = arith.constant 5 : i32
        %parallel_loop3A_760 = arith.index_cast %parallel_loop3A_758 : i32 to index
        %parallel_loop3A_761 = arith.index_cast %parallel_loop3A_759 : i32 to index
        %parallel_loop3A_762 = arith.index_cast %parallel_loop3A_651 : i32 to index
        %parallel_loop3A_763 = tpu.vector_load %arg14[%parallel_loop3A_760, %parallel_loop3A_761, %parallel_loop3A_762] {strides = array<i32>} : memref<2x16x2048xf32, #tpu.memory_space<vmem>>, vector<16xf32>,
        tpu.vector_store %arg14[%parallel_loop3A_760, %parallel_loop3A_761, %parallel_loop3A_762], %parallel_loop3A_757 {strides = array<i32>} : memref<2x16x2048xf32, #tpu.memory_space<vmem>>, vector<16xf32>,
        %parallel_loop3A_764 = arith.mulf %parallel_loop3A_649, %get3A_69 : vector<16xf32>
        %parallel_loop3A_765 = arith.addf %parallel_loop3A_679, %parallel_loop3A_764 : vector<16xf32>
        %parallel_loop3A_766 = arith.constant 1 : i32
        %parallel_loop3A_767 = arith.constant 6 : i32
        %parallel_loop3A_768 = arith.index_cast %parallel_loop3A_766 : i32 to index
        %parallel_loop3A_769 = arith.index_cast %parallel_loop3A_767 : i32 to index
        %parallel_loop3A_770 = arith.index_cast %parallel_loop3A_651 : i32 to index
        %parallel_loop3A_771 = tpu.vector_load %arg14[%parallel_loop3A_768, %parallel_loop3A_769, %parallel_loop3A_770] {strides = array<i32>} : memref<2x16x2048xf32, #tpu.memory_space<vmem>>, vector<16xf32>,
        tpu.vector_store %arg14[%parallel_loop3A_768, %parallel_loop3A_769, %parallel_loop3A_770], %parallel_loop3A_765 {strides = array<i32>} : memref<2x16x2048xf32, #tpu.memory_space<vmem>>, vector<16xf32>,
        %parallel_loop3A_772 = arith.mulf %parallel_loop3A_649, %get3A_71 : vector<16xf32>
        %parallel_loop3A_773 = arith.addf %parallel_loop3A_683, %parallel_loop3A_772 : vector<16xf32>
        %parallel_loop3A_774 = arith.constant 1 : i32
        %parallel_loop3A_775 = arith.constant 7 : i32
        %parallel_loop3A_776 = arith.index_cast %parallel_loop3A_774 : i32 to index
        %parallel_loop3A_777 = arith.index_cast %parallel_loop3A_775 : i32 to index
        %parallel_loop3A_778 = arith.index_cast %parallel_loop3A_651 : i32 to index
        %parallel_loop3A_779 = tpu.vector_load %arg14[%parallel_loop3A_776, %parallel_loop3A_777, %parallel_loop3A_778] {strides = array<i32>} : memref<2x16x2048xf32, #tpu.memory_space<vmem>>, vector<16xf32>,
        tpu.vector_store %arg14[%parallel_loop3A_776, %parallel_loop3A_777, %parallel_loop3A_778], %parallel_loop3A_773 {strides = array<i32>} : memref<2x16x2048xf32, #tpu.memory_space<vmem>>, vector<16xf32>,
        %parallel_loop3A_780 = arith.mulf %parallel_loop3A_649, %get3A_73 : vector<16xf32>
        %parallel_loop3A_781 = arith.addf %parallel_loop3A_687, %parallel_loop3A_780 : vector<16xf32>
        %parallel_loop3A_782 = arith.constant 1 : i32
        %parallel_loop3A_783 = arith.constant 8 : i32
        %parallel_loop3A_784 = arith.index_cast %parallel_loop3A_782 : i32 to index
        %parallel_loop3A_785 = arith.index_cast %parallel_loop3A_783 : i32 to index
        %parallel_loop3A_786 = arith.index_cast %parallel_loop3A_651 : i32 to index
        %parallel_loop3A_787 = tpu.vector_load %arg14[%parallel_loop3A_784, %parallel_loop3A_785, %parallel_loop3A_786] {strides = array<i32>} : memref<2x16x2048xf32, #tpu.memory_space<vmem>>, vector<16xf32>,
        tpu.vector_store %arg14[%parallel_loop3A_784, %parallel_loop3A_785, %parallel_loop3A_786], %parallel_loop3A_781 {strides = array<i32>} : memref<2x16x2048xf32, #tpu.memory_space<vmem>>, vector<16xf32>,
        %parallel_loop3A_788 = arith.mulf %parallel_loop3A_649, %get3A_75 : vector<16xf32>
        %parallel_loop3A_789 = arith.addf %parallel_loop3A_691, %parallel_loop3A_788 : vector<16xf32>
        %parallel_loop3A_790 = arith.constant 1 : i32
        %parallel_loop3A_791 = arith.constant 9 : i32
        %parallel_loop3A_792 = arith.index_cast %parallel_loop3A_790 : i32 to index
        %parallel_loop3A_793 = arith.index_cast %parallel_loop3A_791 : i32 to index
        %parallel_loop3A_794 = arith.index_cast %parallel_loop3A_651 : i32 to index
        %parallel_loop3A_795 = tpu.vector_load %arg14[%parallel_loop3A_792, %parallel_loop3A_793, %parallel_loop3A_794] {strides = array<i32>} : memref<2x16x2048xf32, #tpu.memory_space<vmem>>, vector<16xf32>,
        tpu.vector_store %arg14[%parallel_loop3A_792, %parallel_loop3A_793, %parallel_loop3A_794], %parallel_loop3A_789 {strides = array<i32>} : memref<2x16x2048xf32, #tpu.memory_space<vmem>>, vector<16xf32>,
        %parallel_loop3A_796 = arith.mulf %parallel_loop3A_649, %get3A_77 : vector<16xf32>
        %parallel_loop3A_797 = arith.addf %parallel_loop3A_695, %parallel_loop3A_796 : vector<16xf32>
        %parallel_loop3A_798 = arith.constant 1 : i32
        %parallel_loop3A_799 = arith.constant 10 : i32
        %parallel_loop3A_800 = arith.index_cast %parallel_loop3A_798 : i32 to index
        %parallel_loop3A_801 = arith.index_cast %parallel_loop3A_799 : i32 to index
        %parallel_loop3A_802 = arith.index_cast %parallel_loop3A_651 : i32 to index
        %parallel_loop3A_803 = tpu.vector_load %arg14[%parallel_loop3A_800, %parallel_loop3A_801, %parallel_loop3A_802] {strides = array<i32>} : memref<2x16x2048xf32, #tpu.memory_space<vmem>>, vector<16xf32>,
        tpu.vector_store %arg14[%parallel_loop3A_800, %parallel_loop3A_801, %parallel_loop3A_802], %parallel_loop3A_797 {strides = array<i32>} : memref<2x16x2048xf32, #tpu.memory_space<vmem>>, vector<16xf32>,
        %parallel_loop3A_804 = arith.mulf %parallel_loop3A_649, %get3A_79 : vector<16xf32>
        %parallel_loop3A_805 = arith.addf %parallel_loop3A_699, %parallel_loop3A_804 : vector<16xf32>
        %parallel_loop3A_806 = arith.constant 1 : i32
        %parallel_loop3A_807 = arith.constant 11 : i32
        %parallel_loop3A_808 = arith.index_cast %parallel_loop3A_806 : i32 to index
        %parallel_loop3A_809 = arith.index_cast %parallel_loop3A_807 : i32 to index
        %parallel_loop3A_810 = arith.index_cast %parallel_loop3A_651 : i32 to index
        %parallel_loop3A_811 = tpu.vector_load %arg14[%parallel_loop3A_808, %parallel_loop3A_809, %parallel_loop3A_810] {strides = array<i32>} : memref<2x16x2048xf32, #tpu.memory_space<vmem>>, vector<16xf32>,
        tpu.vector_store %arg14[%parallel_loop3A_808, %parallel_loop3A_809, %parallel_loop3A_810], %parallel_loop3A_805 {strides = array<i32>} : memref<2x16x2048xf32, #tpu.memory_space<vmem>>, vector<16xf32>,
        %parallel_loop3A_812 = arith.mulf %parallel_loop3A_649, %get3A_81 : vector<16xf32>
        %parallel_loop3A_813 = arith.addf %parallel_loop3A_703, %parallel_loop3A_812 : vector<16xf32>
        %parallel_loop3A_814 = arith.constant 1 : i32
        %parallel_loop3A_815 = arith.constant 12 : i32
        %parallel_loop3A_816 = arith.index_cast %parallel_loop3A_814 : i32 to index
        %parallel_loop3A_817 = arith.index_cast %parallel_loop3A_815 : i32 to index
        %parallel_loop3A_818 = arith.index_cast %parallel_loop3A_651 : i32 to index
        %parallel_loop3A_819 = tpu.vector_load %arg14[%parallel_loop3A_816, %parallel_loop3A_817, %parallel_loop3A_818] {strides = array<i32>} : memref<2x16x2048xf32, #tpu.memory_space<vmem>>, vector<16xf32>,
        tpu.vector_store %arg14[%parallel_loop3A_816, %parallel_loop3A_817, %parallel_loop3A_818], %parallel_loop3A_813 {strides = array<i32>} : memref<2x16x2048xf32, #tpu.memory_space<vmem>>, vector<16xf32>,
        %parallel_loop3A_820 = arith.mulf %parallel_loop3A_649, %get3A_83 : vector<16xf32>
        %parallel_loop3A_821 = arith.addf %parallel_loop3A_707, %parallel_loop3A_820 : vector<16xf32>
        %parallel_loop3A_822 = arith.constant 1 : i32
        %parallel_loop3A_823 = arith.constant 13 : i32
        %parallel_loop3A_824 = arith.index_cast %parallel_loop3A_822 : i32 to index
        %parallel_loop3A_825 = arith.index_cast %parallel_loop3A_823 : i32 to index
        %parallel_loop3A_826 = arith.index_cast %parallel_loop3A_651 : i32 to index
        %parallel_loop3A_827 = tpu.vector_load %arg14[%parallel_loop3A_824, %parallel_loop3A_825, %parallel_loop3A_826] {strides = array<i32>} : memref<2x16x2048xf32, #tpu.memory_space<vmem>>, vector<16xf32>,
        tpu.vector_store %arg14[%parallel_loop3A_824, %parallel_loop3A_825, %parallel_loop3A_826], %parallel_loop3A_821 {strides = array<i32>} : memref<2x16x2048xf32, #tpu.memory_space<vmem>>, vector<16xf32>,
        %parallel_loop3A_828 = arith.mulf %parallel_loop3A_649, %get3A_85 : vector<16xf32>
        %parallel_loop3A_829 = arith.addf %parallel_loop3A_711, %parallel_loop3A_828 : vector<16xf32>
        %parallel_loop3A_830 = arith.constant 1 : i32
        %parallel_loop3A_831 = arith.constant 14 : i32
        %parallel_loop3A_832 = arith.index_cast %parallel_loop3A_830 : i32 to index
        %parallel_loop3A_833 = arith.index_cast %parallel_loop3A_831 : i32 to index
        %parallel_loop3A_834 = arith.index_cast %parallel_loop3A_651 : i32 to index
        %parallel_loop3A_835 = tpu.vector_load %arg14[%parallel_loop3A_832, %parallel_loop3A_833, %parallel_loop3A_834] {strides = array<i32>} : memref<2x16x2048xf32, #tpu.memory_space<vmem>>, vector<16xf32>,
        tpu.vector_store %arg14[%parallel_loop3A_832, %parallel_loop3A_833, %parallel_loop3A_834], %parallel_loop3A_829 {strides = array<i32>} : memref<2x16x2048xf32, #tpu.memory_space<vmem>>, vector<16xf32>,
        %parallel_loop3A_836 = arith.mulf %parallel_loop3A_649, %get3A_87 : vector<16xf32>
        %parallel_loop3A_837 = arith.addf %parallel_loop3A_715, %parallel_loop3A_836 : vector<16xf32>
        %parallel_loop3A_838 = arith.constant 1 : i32
        %parallel_loop3A_839 = arith.constant 15 : i32
        %parallel_loop3A_840 = arith.index_cast %parallel_loop3A_838 : i32 to index
        %parallel_loop3A_841 = arith.index_cast %parallel_loop3A_839 : i32 to index
        %parallel_loop3A_842 = arith.index_cast %parallel_loop3A_651 : i32 to index
        %parallel_loop3A_843 = tpu.vector_load %arg14[%parallel_loop3A_840, %parallel_loop3A_841, %parallel_loop3A_842] {strides = array<i32>} : memref<2x16x2048xf32, #tpu.memory_space<vmem>>, vector<16xf32>,
        tpu.vector_store %arg14[%parallel_loop3A_840, %parallel_loop3A_841, %parallel_loop3A_842], %parallel_loop3A_837 {strides = array<i32>} : memref<2x16x2048xf32, #tpu.memory_space<vmem>>, vector<16xf32>,
      } {sc.loop_unroll_factor = 2 : i64, sc.parallel_access}
      %mul3A_576 = arith.constant 16 : i32
      %mul3A_577 = arith.muli %select_n3A_518, %mul3A_576 : i32
      %dma_start3A_578 = arith.constant 1 : i32
      %dma_start3A_579 = arith.constant 0 : i32
      %dma_start3A_580 = arith.constant 0 : i32
      %dma_start3A_581 = tpu.memref_slice %arg14[%dma_start3A_578, %dma_start3A_579, %dma_start3A_580] : memref<2x16x2048xf32, #tpu.memory_space<vmem>> -> memref<1x16x2048xf32, #tpu.memory_space<vmem>>
      %dma_start3A_582 = tpu.memref_squeeze %dma_start3A_581 : memref<1x16x2048xf32, #tpu.memory_space<vmem>> -> memref<16x2048xf32, #tpu.memory_space<vmem>>
      %dma_start3A_583 = tpu.memref_slice %arg7[%mul3A_577, %mul3A_537] : memref<3200x16384xf32, #tpu.memory_space<hbm>> -> memref<16x2048xf32, #tpu.memory_space<hbm>>
      %dma_start3A_584 = tpu.memref_slice %arg7[%mul3A_577, %mul3A_537] : memref<3200x16384xf32, #tpu.memory_space<hbm>> -> memref<16x2048xf32, #tpu.memory_space<hbm>>
      %dma_start3A_585 = arith.constant 0 : i32
      %dma_start3A_586 = arith.constant 0 : i32
      %dma_start3A_587 = tpu.memref_slice %arg14[%dma_start3A_578, %dma_start3A_585, %dma_start3A_586] : memref<2x16x2048xf32, #tpu.memory_space<vmem>> -> memref<1x16x2048xf32, #tpu.memory_space<vmem>>
      %dma_start3A_588 = tpu.memref_squeeze %dma_start3A_587 : memref<1x16x2048xf32, #tpu.memory_space<vmem>> -> memref<16x2048xf32, #tpu.memory_space<vmem>>
      tpu.enqueue_dma source(%dma_start3A_588 : memref<16x2048xf32, #tpu.memory_space<vmem>>) target(%dma_start3A_584 : memref<16x2048xf32, #tpu.memory_space<hbm>>) target_semaphore(%arg18 : memref<!tpu.dma_semaphore, #tpu.memory_space<semaphore_mem>>)
      %add3A_589 = arith.constant 2 : i32
      %add3A_590 = arith.addi %add3A_493, %add3A_589 : i32
      %lt3A_591 = arith.constant 50 : i32
      %lt3A_592 = arith.cmpi slt, %add3A_590, %lt3A_591 : i32
      %convert_element_type3A_593 = arith.extui %lt3A_592 : i1 to i32
      %cond3A_594 = arith.constant 0 : i32
      %cond3A_595 = arith.cmpi ne, %convert_element_type3A_593, %cond3A_594 : i32
      scf.if %cond3A_595 {
        %add3A_596 = arith.constant 2 : i32
        %add3A_597 = arith.addi %add3A_493, %add3A_596 : i32
        %add3A_598 = arith.addi %mul3A_89, %add3A_597 : i32
        %jit3A_599 = arith.constant 8 : i32
        %div3A_600 = arith.divsi %add3A_598, %jit3A_599 : i32
        %sign3A_601 = arith.constant 0 : i32
        %sign3A_602 = arith.cmpi sgt, %add3A_598, %sign3A_601 : i32
        %sign3A_603 = arith.extui %sign3A_602 : i1 to i32
        %sign3A_604 = arith.constant 0 : i32
        %sign3A_605 = arith.cmpi slt, %add3A_598, %sign3A_604 : i32
        %sign3A_606 = arith.extui %sign3A_605 : i1 to i32
        %sign3A_607 = arith.subi %sign3A_603, %sign3A_606 : i32
        %sign3A_608 = arith.constant 0 : i32
        %sign3A_609 = arith.cmpi sgt, %jit3A_599, %sign3A_608 : i32
        %sign3A_610 = arith.extui %sign3A_609 : i1 to i32
        %sign3A_611 = arith.constant 0 : i32
        %sign3A_612 = arith.cmpi slt, %jit3A_599, %sign3A_611 : i32
        %sign3A_613 = arith.extui %sign3A_612 : i1 to i32
        %sign3A_614 = arith.subi %sign3A_610, %sign3A_613 : i32
        %ne3A_615 = arith.cmpi ne, %sign3A_607, %sign3A_614 : i32
        %rem3A_616 = arith.remsi %add3A_598, %jit3A_599 : i32
        %ne3A_617 = arith.constant 0 : i32
        %ne3A_618 = arith.cmpi ne, %rem3A_616, %ne3A_617 : i32
        %and3A_619 = arith.andi %ne3A_615, %ne3A_618 : i1
        %sub3A_620 = arith.constant 1 : i32
        %sub3A_621 = arith.subi %div3A_600, %sub3A_620 : i32
        %select_n3A_622 = arith.select %and3A_619, %sub3A_621, %div3A_600 : i32
        %add3A_623 = arith.addi %mul3A_89, %add3A_597 : i32
        %jit3A_624 = arith.constant 8 : i32
        %eq3A_625 = arith.constant 0 : i32
        %eq3A_626 = arith.cmpi eq, %jit3A_624, %eq3A_625 : i32
        %jit3A_627 = arith.constant 1 : i32
        %select_n3A_628 = arith.select %eq3A_626, %jit3A_627, %jit3A_624 : i32
        %rem3A_629 = arith.remsi %add3A_623, %select_n3A_628 : i32
        %ne3A_630 = arith.constant 0 : i32
        %ne3A_631 = arith.cmpi ne, %rem3A_629, %ne3A_630 : i32
        %lt3A_632 = arith.constant 0 : i32
        %lt3A_633 = arith.cmpi slt, %rem3A_629, %lt3A_632 : i32
        %lt3A_634 = arith.constant 0 : i32
        %lt3A_635 = arith.cmpi slt, %select_n3A_628, %lt3A_634 : i32
        %ne3A_636 = arith.xori %lt3A_633, %lt3A_635 : i1
        %and3A_637 = arith.andi %ne3A_636, %ne3A_631 : i1
        %add3A_638 = arith.addi %rem3A_629, %select_n3A_628 : i32
        %select_n3A_639 = arith.select %and3A_637, %add3A_638, %rem3A_629 : i32
        %mul3A_640 = arith.constant 2048 : i32
        %mul3A_641 = arith.muli %select_n3A_639, %mul3A_640 : i32
        %jit3A_642 = arith.constant 8 : i32
        %div3A_643 = arith.divsi %select_n3A_622, %jit3A_642 : i32
        %sign3A_644 = arith.constant 0 : i32
        %sign3A_645 = arith.cmpi sgt, %select_n3A_622, %sign3A_644 : i32
        %sign3A_646 = arith.extui %sign3A_645 : i1 to i32
        %sign3A_647 = arith.constant 0 : i32
        %sign3A_648 = arith.cmpi slt, %select_n3A_622, %sign3A_647 : i32
        %sign3A_649 = arith.extui %sign3A_648 : i1 to i32
        %sign3A_650 = arith.subi %sign3A_646, %sign3A_649 : i32
        %sign3A_651 = arith.constant 0 : i32
        %sign3A_652 = arith.cmpi sgt, %jit3A_642, %sign3A_651 : i32
        %sign3A_653 = arith.extui %sign3A_652 : i1 to i32
        %sign3A_654 = arith.constant 0 : i32
        %sign3A_655 = arith.cmpi slt, %jit3A_642, %sign3A_654 : i32
        %sign3A_656 = arith.extui %sign3A_655 : i1 to i32
        %sign3A_657 = arith.subi %sign3A_653, %sign3A_656 : i32
        %ne3A_658 = arith.cmpi ne, %sign3A_650, %sign3A_657 : i32
        %rem3A_659 = arith.remsi %select_n3A_622, %jit3A_642 : i32
        %ne3A_660 = arith.constant 0 : i32
        %ne3A_661 = arith.cmpi ne, %rem3A_659, %ne3A_660 : i32
        %and3A_662 = arith.andi %ne3A_658, %ne3A_661 : i1
        %sub3A_663 = arith.constant 1 : i32
        %sub3A_664 = arith.subi %div3A_643, %sub3A_663 : i32
        %select_n3A_665 = arith.select %and3A_662, %sub3A_664, %div3A_643 : i32
        %jit3A_666 = arith.constant 128 : i32
        %div3A_667 = arith.divsi %mul3A_641, %jit3A_666 : i32
        %sign3A_668 = arith.constant 0 : i32
        %sign3A_669 = arith.cmpi sgt, %mul3A_641, %sign3A_668 : i32
        %sign3A_670 = arith.extui %sign3A_669 : i1 to i32
        %sign3A_671 = arith.constant 0 : i32
        %sign3A_672 = arith.cmpi slt, %mul3A_641, %sign3A_671 : i32
        %sign3A_673 = arith.extui %sign3A_672 : i1 to i32
        %sign3A_674 = arith.subi %sign3A_670, %sign3A_673 : i32
        %sign3A_675 = arith.constant 0 : i32
        %sign3A_676 = arith.cmpi sgt, %jit3A_666, %sign3A_675 : i32
        %sign3A_677 = arith.extui %sign3A_676 : i1 to i32
        %sign3A_678 = arith.constant 0 : i32
        %sign3A_679 = arith.cmpi slt, %jit3A_666, %sign3A_678 : i32
        %sign3A_680 = arith.extui %sign3A_679 : i1 to i32
        %sign3A_681 = arith.subi %sign3A_677, %sign3A_680 : i32
        %ne3A_682 = arith.cmpi ne, %sign3A_674, %sign3A_681 : i32
        %rem3A_683 = arith.remsi %mul3A_641, %jit3A_666 : i32
        %ne3A_684 = arith.constant 0 : i32
        %ne3A_685 = arith.cmpi ne, %rem3A_683, %ne3A_684 : i32
        %and3A_686 = arith.andi %ne3A_682, %ne3A_685 : i1
        %sub3A_687 = arith.constant 1 : i32
        %sub3A_688 = arith.subi %div3A_667, %sub3A_687 : i32
        %select_n3A_689 = arith.select %and3A_686, %sub3A_688, %div3A_667 : i32
        %jit3A_690 = arith.constant 8 : i32
        %eq3A_691 = arith.constant 0 : i32
        %eq3A_692 = arith.cmpi eq, %jit3A_690, %eq3A_691 : i32
        %jit3A_693 = arith.constant 1 : i32
        %select_n3A_694 = arith.select %eq3A_692, %jit3A_693, %jit3A_690 : i32
        %rem3A_695 = arith.remsi %select_n3A_622, %select_n3A_694 : i32
        %ne3A_696 = arith.constant 0 : i32
        %ne3A_697 = arith.cmpi ne, %rem3A_695, %ne3A_696 : i32
        %lt3A_698 = arith.constant 0 : i32
        %lt3A_699 = arith.cmpi slt, %rem3A_695, %lt3A_698 : i32
        %lt3A_700 = arith.constant 0 : i32
        %lt3A_701 = arith.cmpi slt, %select_n3A_694, %lt3A_700 : i32
        %ne3A_702 = arith.xori %lt3A_699, %lt3A_701 : i1
        %and3A_703 = arith.andi %ne3A_702, %ne3A_697 : i1
        %add3A_704 = arith.addi %rem3A_695, %select_n3A_694 : i32
        %select_n3A_705 = arith.select %and3A_703, %add3A_704, %rem3A_695 : i32
        %dma_start3A_706 = arith.constant 1 : i32
        %dma_start3A_707 = arith.constant 0 : i32
        %dma_start3A_708 = arith.constant 0 : i32
        %dma_start3A_709 = tpu.memref_slice %arg12[%dma_start3A_706, %dma_start3A_707, %dma_start3A_708] : memref<2x16x128xi32, #tpu.memory_space<vmem>> -> memref<1x16x128xi32, #tpu.memory_space<vmem>>
        %dma_start3A_710 = tpu.memref_squeeze %dma_start3A_709 : memref<1x16x128xi32, #tpu.memory_space<vmem>> -> memref<16x128xi32, #tpu.memory_space<vmem>>
        %dma_start3A_711 = arith.constant 0 : i32
        %dma_start3A_712 = tpu.memref_slice %arg2[%select_n3A_665, %select_n3A_689, %select_n3A_705, %dma_start3A_711] : memref<25x128x8x128xi32, #tpu.memory_space<hbm>> -> memref<1x16x1x128xi32, #tpu.memory_space<hbm>>
        %dma_start3A_713 = tpu.memref_squeeze %dma_start3A_712 : memref<1x16x1x128xi32, #tpu.memory_space<hbm>> -> memref<16x128xi32, #tpu.memory_space<hbm>>
        %dma_start3A_714 = arith.constant 0 : i32
        %dma_start3A_715 = arith.constant 0 : i32
        %dma_start3A_716 = tpu.memref_slice %arg12[%dma_start3A_706, %dma_start3A_714, %dma_start3A_715] : memref<2x16x128xi32, #tpu.memory_space<vmem>> -> memref<1x16x128xi32, #tpu.memory_space<vmem>>
        %dma_start3A_717 = tpu.memref_squeeze %dma_start3A_716 : memref<1x16x128xi32, #tpu.memory_space<vmem>> -> memref<16x128xi32, #tpu.memory_space<vmem>>
        %dma_start3A_718 = arith.constant 0 : i32
        %dma_start3A_719 = tpu.memref_slice %arg2[%select_n3A_665, %select_n3A_689, %select_n3A_705, %dma_start3A_718] : memref<25x128x8x128xi32, #tpu.memory_space<hbm>> -> memref<1x16x1x128xi32, #tpu.memory_space<hbm>>
        %dma_start3A_720 = tpu.memref_squeeze %dma_start3A_719 : memref<1x16x1x128xi32, #tpu.memory_space<hbm>> -> memref<16x128xi32, #tpu.memory_space<hbm>>
        tpu.enqueue_dma source(%dma_start3A_720 : memref<16x128xi32, #tpu.memory_space<hbm>>) target(%dma_start3A_717 : memref<16x128xi32, #tpu.memory_space<vmem>>) target_semaphore(%arg16 : memref<!tpu.dma_semaphore, #tpu.memory_space<semaphore_mem>>)
        %mul3A_721 = arith.constant 16384 : i32
        %mul3A_722 = arith.muli %select_n3A_622, %mul3A_721 : i32
        %add3A_723 = arith.addi %mul3A_722, %mul3A_641 : i32
        %dma_start3A_724 = arith.constant 1 : i32
        %dma_start3A_725 = arith.constant 0 : i32
        %dma_start3A_726 = tpu.memref_slice %arg13[%dma_start3A_724, %dma_start3A_725] : memref<2x2048xf32, #tpu.memory_space<vmem>> -> memref<1x2048xf32, #tpu.memory_space<vmem>>
        %dma_start3A_727 = tpu.memref_squeeze %dma_start3A_726 : memref<1x2048xf32, #tpu.memory_space<vmem>> -> memref<2048xf32, #tpu.memory_space<vmem>>
        %dma_start3A_728 = tpu.memref_slice %arg3[%add3A_723] : memref<3276800xf32, #tpu.memory_space<hbm>> -> memref<2048xf32, #tpu.memory_space<hbm>>
        %dma_start3A_729 = arith.constant 0 : i32
        %dma_start3A_730 = tpu.memref_slice %arg13[%dma_start3A_724, %dma_start3A_729] : memref<2x2048xf32, #tpu.memory_space<vmem>> -> memref<1x2048xf32, #tpu.memory_space<vmem>>
        %dma_start3A_731 = tpu.memref_squeeze %dma_start3A_730 : memref<1x2048xf32, #tpu.memory_space<vmem>> -> memref<2048xf32, #tpu.memory_space<vmem>>
        %dma_start3A_732 = tpu.memref_slice %arg3[%add3A_723] : memref<3276800xf32, #tpu.memory_space<hbm>> -> memref<2048xf32, #tpu.memory_space<hbm>>
        tpu.enqueue_dma source(%dma_start3A_732 : memref<2048xf32, #tpu.memory_space<hbm>>) target(%dma_start3A_731 : memref<2048xf32, #tpu.memory_space<vmem>>) target_semaphore(%arg16 : memref<!tpu.dma_semaphore, #tpu.memory_space<semaphore_mem>>)
      } else {
      }
    }
    %scan3A_357 = arith.constant 25 : i32
    %dma_wait3A = arith.constant 0 : i32
    %dma_wait3A_358 = arith.constant 0 : i32
    %dma_wait3A_359 = arith.constant 0 : i32
    %dma_wait3A_360 = tpu.memref_slice %arg14[%dma_wait3A, %dma_wait3A_358, %dma_wait3A_359] : memref<2x16x2048xf32, #tpu.memory_space<vmem>> -> memref<1x16x2048xf32, #tpu.memory_space<vmem>>
    %dma_wait3A_361 = tpu.memref_squeeze %dma_wait3A_360 : memref<1x16x2048xf32, #tpu.memory_space<vmem>> -> memref<16x2048xf32, #tpu.memory_space<vmem>>
    %dma_wait3A_362 = arith.constant 0 : i32
    %dma_wait3A_363 = arith.constant 0 : i32
    %dma_wait3A_364 = tpu.memref_slice %arg7[%dma_wait3A_362, %dma_wait3A_363] : memref<3200x16384xf32, #tpu.memory_space<hbm>> -> memref<16x2048xf32, #tpu.memory_space<hbm>>
    %dma_wait3A_365 = arith.constant 0 : i32
    %dma_wait3A_366 = arith.constant 0 : i32
    %dma_wait3A_367 = tpu.memref_slice %arg14[%dma_wait3A, %dma_wait3A_365, %dma_wait3A_366] : memref<2x16x2048xf32, #tpu.memory_space<vmem>> -> memref<1x16x2048xf32, #tpu.memory_space<vmem>>
    %dma_wait3A_368 = tpu.memref_squeeze %dma_wait3A_367 : memref<1x16x2048xf32, #tpu.memory_space<vmem>> -> memref<16x2048xf32, #tpu.memory_space<vmem>>
    %dma_wait3A_369 = arith.constant 0 : i32
    %dma_wait3A_370 = arith.constant 0 : i32
    %dma_wait3A_371 = tpu.memref_slice %arg7[%dma_wait3A_369, %dma_wait3A_370] : memref<3200x16384xf32, #tpu.memory_space<hbm>> -> memref<16x2048xf32, #tpu.memory_space<hbm>>
    tpu.wait_dma2 semaphore(%arg17 : memref<!tpu.dma_semaphore, #tpu.memory_space<semaphore_mem>>) src(%dma_wait3A_371 : memref<16x2048xf32, #tpu.memory_space<hbm>>) dst(%dma_wait3A_368 : memref<16x2048xf32, #tpu.memory_space<vmem>>)
    %dma_wait3A_372 = arith.constant 1 : i32
    %dma_wait3A_373 = arith.constant 0 : i32
    %dma_wait3A_374 = arith.constant 0 : i32
    %dma_wait3A_375 = tpu.memref_slice %arg14[%dma_wait3A_372, %dma_wait3A_373, %dma_wait3A_374] : memref<2x16x2048xf32, #tpu.memory_space<vmem>> -> memref<1x16x2048xf32, #tpu.memory_space<vmem>>
    %dma_wait3A_376 = tpu.memref_squeeze %dma_wait3A_375 : memref<1x16x2048xf32, #tpu.memory_space<vmem>> -> memref<16x2048xf32, #tpu.memory_space<vmem>>
    %dma_wait3A_377 = arith.constant 0 : i32
    %dma_wait3A_378 = arith.constant 0 : i32
    %dma_wait3A_379 = tpu.memref_slice %arg7[%dma_wait3A_377, %dma_wait3A_378] : memref<3200x16384xf32, #tpu.memory_space<hbm>> -> memref<16x2048xf32, #tpu.memory_space<hbm>>
    %dma_wait3A_380 = arith.constant 0 : i32
    %dma_wait3A_381 = arith.constant 0 : i32
    %dma_wait3A_382 = tpu.memref_slice %arg14[%dma_wait3A_372, %dma_wait3A_380, %dma_wait3A_381] : memref<2x16x2048xf32, #tpu.memory_space<vmem>> -> memref<1x16x2048xf32, #tpu.memory_space<vmem>>
    %dma_wait3A_383 = tpu.memref_squeeze %dma_wait3A_382 : memref<1x16x2048xf32, #tpu.memory_space<vmem>> -> memref<16x2048xf32, #tpu.memory_space<vmem>>
    %dma_wait3A_384 = arith.constant 0 : i32
    %dma_wait3A_385 = arith.constant 0 : i32
    %dma_wait3A_386 = tpu.memref_slice %arg7[%dma_wait3A_384, %dma_wait3A_385] : memref<3200x16384xf32, #tpu.memory_space<hbm>> -> memref<16x2048xf32, #tpu.memory_space<hbm>>
    tpu.wait_dma2 semaphore(%arg18 : memref<!tpu.dma_semaphore, #tpu.memory_space<semaphore_mem>>) src(%dma_wait3A_386 : memref<16x2048xf32, #tpu.memory_space<hbm>>) dst(%dma_wait3A_383 : memref<16x2048xf32, #tpu.memory_space<vmem>>)
    return
  }
}

</mosaic_0001>

<sc_bundles>
// kernel: kernel.3.cloned.1.call-start
scs
__scs_entry_jumppad:
0x0: {  	(pc) =	sbr.rel $0x88, $3  }
0x1: {  	(tag) =	ssettag $0x0;
	lr =	simm.s32 $0x1  }
0x2: {  	[smem:$0x3F9C] =	sst lr;
	_ =	strace $0xD0000000  }
0x3: {  	_ = 	snop  }
0x4: {  	_ = 	snop  }
0x5: {  	_ = 	snop  }
0x6: {  	_ = 	snop  }
0x7: {  	_ = 	snop  }
__scs_overlays_trampoline_lowered:
0x8: {  	[smem:$0x3FAB] =	sst s0  }
0x9: {  	[smem:$0x3FAC] =	sst s1  }
0xa: {  	[smem:$0x3FAD] =	sst s2  }
0xb: {  	[smem:$0x3FAE] =	sst s3  }
0xc: {  	[smem:$0x3FAF] =	sst s4  }
0xd: {  	[smem:$0x3FB0] =	sst s5  }
0xe: {  	[smem:$0x3FB1] =	sst s6  }
0xf: {  	[smem:$0x3FB2] =	sst s7  }
0x10: {  	[smem:$0x3FB3] =	sst s8  }
0x11: {  	[smem:$0x3FB4] =	sst s9;
	s0 =	simm.s32 @!p0 $0x0  }
0x12: {  	s1 =	sld [smem:$0x3F9A];
	s0 =	simm.s32 @p0 $0x1  }
0x13: {  	[smem:$0x3FB5] =	sst s0;
	s0 =	simm.s32 @!p1 $0x0  }
0x14: {  	s2 =	sld [smem:$0x3F99];
	s0 =	simm.s32 @p1 $0x1  }
0x15: {  	[smem:$0x3FB6] =	sst s0;
	s0 =	simm.s32 @!p2 $0x0  }
0x16: {  	s3 =	sld [smem:$0x3FDB];
	s0 =	simm.s32 @p2 $0x1  }
0x17: {  	s4 =	simm.s32 $0x1BF5;
	[smem:$0x3FB8] =	sst s0  }
0x18: {  	s0 =	sld [smem:$0x3F9B];
	_ =	swait.ge [sflag:s4], $0x0  }
0x19: {  	s7 =	sld [smem:$0x3F9C]  }
0x1a: {  	s8 =	sadd.s32 $0xFFFFE003, lr  }
0x1b: {  	s9 =	sadd.s32 $0xFFFFFEF7, lr;
	s5 =	simm.s32 $0xFFFFFFFF;
	p2 =	slt.u32 s8, $0xFFFFF086  }
0x1c: {  	p1 =	slt.u32 s9, $0xF7A;
	s5 =	simm.s32 @!p2 $0x0  }
0x1d: {  	s5 =	simm.s32 @p1 $0x1;
	p0 =	seq.s32 s7, s2  }
0x1e: {  	s7 =	smul.u32 @!p0 $0xF7A, s2;
	p2 =	seq.s32 @!p0 s5, $0x0  }
0x1f: {  	s9 =	smul.u32 $0xF7A, s1;
	s8 =	simm.s32 @!p0 $0x1BF5;
	p2 =	por !p2, p0  }
0x20: {  	[sflag:s8] =	ssyncset.s32 @!p0 $0xFFFFF086;
	s6 =	sadd.s32 @!p0 s3, s7;
	s7 =	simm.s32 @!p0 $0x108  }
0x21: {  	s3 =	sadd.s32 s3, s9;
	s6 =	sadd.s32 @!p0 $0x88, s6;
	s7 =	simm.s32 @p2 $0x1082  }
0x22: {  	[simem:s7], [sflag:s8] =	dma.local @!p0 [hbm:s6], $0xF7A  }
0x23: {  	s9 =	sor.u32 $0xD0000000, s2;
	s6 =	simm.s32 $0x108;
	_ =	swait.ge @!p0 [sflag:s8], $0x0  }
0x24: {  	s3 =	sadd.s32 $0x88, s3;
	s6 =	simm.s32 @!p1 $0x1082;
	[sflag:s4] =	ssyncset.s32 $0xFFFFF086  }
0x25: {  	[simem:s6], [sflag:s4] =	dma.local [hbm:s3], $0xF7A  }
0x26: {  	[smem:$0x3F9C] =	sst s1;
	(tag) =	ssettag s2;
	_ =	strace s9  }
0x27: {  	s1 =	sld [smem:$0x3FAC]  }
0x28: {  	s2 =	sld [smem:$0x3FAD]  }
0x29: {  	s4 =	sld [smem:$0x3FAF]  }
0x2a: {  	p0 =	seq.s32 s5, $0x0;
	s5 =	sld [smem:$0x3FB0]  }
0x2b: {  	s6 =	sld [smem:$0x3FB1]  }
0x2c: {  	s7 =	sld [smem:$0x3FB2]  }
0x2d: {  	s3 =	simm.s32 $0x108;
	s8 =	sld [smem:$0x3FB3]  }
0x2e: {  	s3 =	simm.s32 @!p0 $0x1082;
	s9 =	sld [smem:$0x3FB4]  }
0x2f: {  	lr =	sadd.s32 s0, s3;
	s0 =	sld [smem:$0x3FAB]  }
0x30: {  	s3 =	sld [smem:$0x3FAE]  }
0x31: {  	[smem:$0x3FB7] =	sst s10  }
0x32: {  	s10 =	sld [smem:$0x3FB5];
	_ =	sdelay $0x3  }
0x33: {  	p0 =	seq.s32 s10, $0x1;
	s10 =	sld [smem:$0x3FB7];
	_ =	sdelay $0x3  }
0x34: {  	[smem:$0x3FB7] =	sst s10  }
0x35: {  	s10 =	sld [smem:$0x3FB6];
	_ =	sdelay $0x3  }
0x36: {  	p1 =	seq.s32 s10, $0x1;
	s10 =	sld [smem:$0x3FB7];
	_ =	sdelay $0x3  }
0x37: {  	[smem:$0x3FB7] =	sst s10  }
0x38: {  	s10 =	sld [smem:$0x3FB8]  }
0x39: {  	_ = 	snop;
	(pc) =	sbr.ind lr, $3  }
0x3a: {  	_ = 	snop  }
0x3b: {  	_ = 	snop  }
0x3c: {  	p2 =	seq.s32 s10, $0x1;
	s10 =	sld [smem:$0x3FB7]  }
0x3d: {  	_ =	shalt  }
0x3e: {  	_ =	shalt  }
0x3f: {  	_ =	shalt  }
0x40: {  	_ =	shalt  }
0x41: {  	_ =	shalt  }
0x42: {  	_ =	shalt  }
0x43: {  	_ =	shalt  }
0x44: {  	_ =	shalt  }
0x45: {  	_ =	shalt  }
0x46: {  	_ =	shalt  }
0x47: {  	_ =	shalt  }
0x48: {  	_ =	shalt  }
0x49: {  	_ =	shalt  }
0x4a: {  	_ =	shalt  }
0x4b: {  	_ =	shalt  }
0x4c: {  	_ =	shalt  }
0x4d: {  	_ =	shalt  }
0x4e: {  	_ =	shalt  }
0x4f: {  	_ =	shalt  }
0x50: {  	_ =	shalt  }
0x51: {  	_ =	shalt  }
0x52: {  	_ =	shalt  }
0x53: {  	_ =	shalt  }
0x54: {  	_ =	shalt  }
0x55: {  	_ =	shalt  }
0x56: {  	_ =	shalt  }
0x57: {  	_ =	shalt  }
0x58: {  	_ =	shalt  }
0x59: {  	_ =	shalt  }
0x5a: {  	_ =	shalt  }
0x5b: {  	_ =	shalt  }
0x5c: {  	_ =	shalt  }
0x5d: {  	_ =	shalt  }
0x5e: {  	_ =	shalt  }
0x5f: {  	_ =	shalt  }
0x60: {  	_ =	shalt  }
0x61: {  	_ =	shalt  }
0x62: {  	_ =	shalt  }
0x63: {  	_ =	shalt  }
0x64: {  	_ =	shalt  }
0x65: {  	_ =	shalt  }
0x66: {  	_ =	shalt  }
0x67: {  	_ =	shalt  }
0x68: {  	_ =	shalt  }
0x69: {  	_ =	shalt  }
0x6a: {  	_ =	shalt  }
0x6b: {  	_ =	shalt  }
0x6c: {  	_ =	shalt  }
0x6d: {  	_ =	shalt  }
0x6e: {  	_ =	shalt  }
0x6f: {  	_ =	shalt  }
0x70: {  	_ =	shalt  }
0x71: {  	_ =	shalt  }
0x72: {  	_ =	shalt  }
0x73: {  	_ =	shalt  }
0x74: {  	_ =	shalt  }
0x75: {  	_ =	shalt  }
0x76: {  	_ =	shalt  }
0x77: {  	_ =	shalt  }
0x78: {  	_ =	shalt  }
0x79: {  	_ =	shalt  }
0x7a: {  	_ =	shalt  }
0x7b: {  	_ =	shalt  }
0x7c: {  	_ =	shalt  }
0x7d: {  	_ =	shalt  }
0x7e: {  	_ =	shalt  }
0x7f: {  	_ =	shalt  }
0x80: {  	_ =	shalt  }
0x81: {  	_ =	shalt  }
0x82: {  	_ =	shalt  }
0x83: {  	_ =	shalt  }
0x84: {  	_ =	shalt  }
0x85: {  	_ =	shalt  }
0x86: {  	_ =	shalt  }
0x87: {  	_ =	shalt  }
.Lfunc_end0:
.L_simem_size_0:
called_computation_lowered:
.L_overlay_start_0:
0x88: {  	s2 =	sld [smem:$0x3FD9]  }
0x89: {  	s3 =	sld [smem:$0x3FFE];
	_ =	sdelay $0x1  }
0x8a: {  	s1 =	srdreg.scid  }
0x8b: {  	s0 =	sand.u32 $0x1, s1  }
0x8c: {  	s17 =	sshll.u32 s0, $0xA;
	s2 =	sadd.s32 s3, s2  }
0x8d: {  	s2 =	sadd.s32 s2, s17  }
0x8e: {  	[smem:$0x3FC3] =	sst s2  }
0x8f: {  	_ = 	snop  }
0x90: {  	s2 =	sld [smem:$0x3FC9]  }
0x91: {  	s18 =	sld [smem:$0x3FC8]  }
0x92: {  	s4 =	sld [smem:$0x3FC5]  }
0x93: {  	s5 =	sld [smem:$0x3FD0];
	(tm) =	ssettm $0x1  }
0x94: {  	s6 =	sld [smem:$0x3FFB];
	_ =	sdelay $0x3  }
0x95: {  	_ =	strace s6  }
0x96: {  	s6 =	sld [smem:$0x3FFC];
	_ =	sdelay $0x3  }
0x97: {  	_ =	strace s6  }
0x98: {  	s6 =	sld [smem:$0x3FFD];
	_ =	sdelay $0x3  }
0x99: {  	_ =	strace s6  }
0x9a: {  	_ =	strace $0x8FFFFFFF  }
0x9b: {  	s19 =	sld [smem:$0x3FDB];
	_ =	sdelay $0x1  }
0x9c: {  	s7 =	simm.s32 $_scs_section_size  }
0x9d: {  	s8 =	simm.s32 $_size__tile_overlayer_lowered;
	s9 =	simm.s32 $_tile_overlayer_lowered  }
0x9e: {  	s22 =	simm.s32 $0x1BFF;
	s21 =	sshll.u32 s9, $0x1;
	s6 =	sadd.s32 s7, s19  }
0x9f: {  	s10 =	simm.s32 $0x0;
	s20 =	sshll.u32 s8, $0x1;
	s8 =	sadd.s32 s21, s6  }
0xa0: {  	[timem:s10], [sflag:s22] =	dma.local [hbm:s8], s20  }
0xa1: {  	_ =	swait.ge [sflag:s22], s20  }
0xa2: {  	s7 =	ssub.s32 $0x0, s20;
	[sflag:s22] =	ssyncset.done $0x0  }
0xa3: {  	[sflag:s22] =	ssyncadd.s32 s7;
	_ =	sdelay $0x1  }
0xa4: {  	s23 =	simm.s32 $0x1B8B  }
0xa5: {  	_ =	swait.ge [sflag:s23], $0x1  }
0xa6: {  	[sflag:s23] =	ssyncset.done $0x0  }
0xa7: {  	s25 =	simm.s32 $0x1B8E;
	s24 =	sld [smem:$0x3FFE];
	[sflag:s23] =	ssyncadd.s32 $0xFFFFFFFF  }
0xa8: {  	s26 =	simm.s32 $execute0_lowered;
	[smem:$0x3FD2] =	sst s25  }
0xa9: {  	s8 =	sshll.u32 s26, $0x1;
	_ =	strace $0x80000046;
	[dreg:$0x1] =	wrdreg $0xFFFFFFFF  }
0xaa: {  	s28 =	simm.s32 $_size_execute0_lowered;
	s6 =	sadd.s32 s6, s8;
	[dreg:$0x0] =	wrdreg $0x0  }
0xab: {  	s8 =	sshll.u32 s28, $0x1;
	[dreg:$0x2] =	wrdreg s6  }
0xac: {  	[dreg:$0x3] =	wrdreg s8  }
0xad: {  	[dreg:$0x4] =	wrdreg $0xC0  }
0xae: {  	_ =	task [dreg:s10], $0x5FFFF  }
0xaf: {  	[dreg:$0x1] =	wrdreg $0xFFFFFFFF  }
0xb0: {  	[dreg:$0x0] =	wrdreg $0x60  }
0xb1: {  	[dreg:$0x2] =	wrdreg s2  }
0xb2: {  	[dreg:$0x3] =	wrdreg s18  }
0xb3: {  	[dreg:$0x4] =	wrdreg s24  }
0xb4: {  	[dreg:$0x5] =	wrdreg s4  }
0xb5: {  	[dreg:$0x6] =	wrdreg s5  }
0xb6: {  	[dreg:$0x7] =	wrdreg $0x9  }
0xb7: {  	_ =	task.clear_ibuf [dreg:s10], $0x8FFFF;
	_ =	strace $0x90000046  }
0xb8: {  	s29 =	simm.s32 $0x9;
	_ =	strace $0x80000048  }
0xb9: {  	_ =	swait.ge [sflag:s29], $0x1  }
0xba: {  	[sflag:s29] =	ssyncadd.s32 $0xFFFFFFFF  }
0xbb: {  	_ =	strace $0x90000048  }
0xbc: {  	_ =	sfence  }
0xbd: {  	s30 =	sld [smem:$0x0];
	_ =	sdelay $0x2  }
0xbe: {  	s31 =	sshll.u32 s1, $0xD;
	s1 =	sshrl.u32 s1, $0x2  }
0xbf: {  	s3 =	sand.u32 $0x4000, s31;
	s1 =	sadd.s32 s1, s30  }
0xc0: {  	s0 =	sor.u32 s3, s0;
	s1 =	sshll.u32 s1, $0x11  }
0xc1: {  	s0 =	sor.u32 s1, s0  }
0xc2: {  	s0 =	sadd.s32 $0x8F2B, s0  }
0xc3: {  	[sflag:s0] =	ssyncadd.remote.s32 $0x1  }
0xc4: {  	_ =	sfence.sel $0xFFFF  }
0xc5: {  	[dreg:$0x0] =	wrdreg $0xFFFFFFFF;
	(pc) =	sbr.abs _section_cstart, $3  }
0xc6: {  	[dreg:$0x1] =	wrdreg $0xFFFFFFFF  }
0xc7: {  	_ =	task.clear_ibuf [dreg:s10], $0x2FFFF;
	_ =	strace $0x9FFFFFFF  }
0xc8: {  	(tm) =	ssettm $0x7FFFFFFF  }
0xc9: {  	_ =	shalt  }
tec
execute0_lowered:
.L_overlay_start_1:
0x0: {  	(tag) =	ssettag $0x1  }
0x1: {  	s8 =	rddreg [dreg:$0x0]  }
0x2: {  	s9 =	rddreg [dreg:$0x1]  }
0x3: {  	s0 =	rddreg [dreg:$0x2]  }
0x4: {  	s1 =	srdreg.scid;
	s2 =	stileid.u32  }
0x5: {  	s3 =	simm.s32 $0x0;
	s1 =	sand.u32 $0x1, s1;
	s2 =	sshll.u32 s2, $0x1  }
0x6: {  	[smem:$0x7FF] =	sst s3;
	s19 =	sadd.s32 $0x400, s0;
	s0 =	sadd.s32 $0x600, s0  }
0x7: {  	s2 =	sor.u32 s1, s2;
	_ =	strace $0x80000047;
	[smem:$0x7F4] =	sst s19  }
0x8: {  	[smem:$0x7F5] =	sst s0;
	s21 =	ssub.s32 $0x2, s1;
	s20 =	smul.u32 $0x19000, s2  }
0x9: {  	s10 =	smul.u32 $0x32, s2;
	s2 =	sshll.u32 s2, $0xC;
	s5 =	sshrl.u32 s21, $0x1  }
0xa: {  	s22 =	sand.u32 $0x3000, s2;
	s0 =	ssub.s32 s21, s5;
	s23 =	sand.u32 $0x3E0000, s20  }
0xb: {  	s24 =	sshll.u32 s22, $0x3;
	s4 =	sshll.u32 s10, $0x4;
	s25 =	sor.u32 $0x800, s22  }
0xc: {  	s6 =	sshll.u32 s10, $0xB;
	s30 =	sadd.s32 $0x2, s10;
	[smem:$0x7FB] =	sst s10  }
0xd: {  	s31 =	sadd.s32 $0x3, s10;
	s0 =	smax.u32 s0, $0x1;
	[smem:$0x7FA] =	sst s30  }
0xe: {  	v0 =	vlaneseq.u32;
	s3 =	sor.u32 s23, s24;
	s4 =	sand.u32 $0x380, s4;
	[smem:$0x7FC] =	sst s31  }
0xf: {  	v0 =	vmul.u32 $0x6, v0;
	s7 =	sshll.u32 s25, $0x3;
	s26 =	sand.u32 $0x3FC000, s6;
	[smem:$0x7FD] =	sst s0  }
0x10: {  	s3 =	sor.u32 s4, s3;
	s2 =	sor.u32 s23, s7;
	s1 =	sor.u32 s22, s26  }
0x11: {  	v1 =	vor.u32 $0x1, v0;
	[tilespmem:$0x1FFE0] =	vst v0;
	s3 =	sshrl.u32 s3, $0x3;
	s2 =	sor.u32 s4, s2;
	s1 =	sshrl.u32 s1, $0x3  }
.Ltmp0:
0x12: {  	v61 =	vadd.s32 $0x2, v0;
	[tilespmem:$0x1FFA0] =	vst v1;
	s3 =	sadd.s32 s8, s3;
	s2 =	sshrl.u32 s2, $0x3;
	(pc) =	sbr.rel .LBB2_1-.Ltmp0, $4  }
0x13: {  	v62 =	vadd.s32 $0x3, v0;
	[tilespmem:$0x1FFB0] =	vst v61;
	s1 =	sadd.s32 s9, s1;
	[smem:$0x7F6] =	sst s3;
	s3 =	sor.u32 s25, s26  }
0x14: {  	v63 =	vadd.s32 $0x4, v0;
	[tilespmem:$0x1FFC0] =	vst v62;
	[smem:$0x7F7] =	sst s1;
	s28 =	sadd.s32 s8, s2;
	s3 =	sshrl.u32 s3, $0x3  }
0x15: {  	v0 =	vadd.s32 $0x5, v0;
	[tilespmem:$0x1FFD0] =	vst v63;
	[smem:$0x7F8] =	sst s28;
	s29 =	sadd.s32 s9, s3  }
0x16: {  	[tilespmem:$0x1FFF0] =	vst v0;
	s20 =	simm.s32 $0x80;
	s2 =	simm.s32 $0x0;
	[smem:$0x7F9] =	sst s29  }
.LBB2_8:
0x17: {  	s0 =	simm.s32 $0x3  }
0x18: {  	_ =	swait.ge [sflag:s0], $0x8000  }
0x19: {  	[sflag:s0] =	ssyncset.done $0x0  }
0x1a: {  	s1 =	simm.s32 $0x4;
	[sflag:s0] =	ssyncadd.s32 $0xFFFF8000  }
0x1b: {  	_ =	swait.ge [sflag:s1], $0x8000  }
0x1c: {  	s2 =	sld [smem:$0x7F3]  }
0x1d: {  	s31 =	sld [smem:$0x7FD];
	_ =	sdelay $0x1  }
0x1e: {  	s2 =	sadd.s32 $0x1, s2  }
0x1f: {  	p0 =	sne.s32 s2, s31  }
.Ltmp1:
0x20: {  	_ = 	snop;
	(pc) =	sbr.rel @!p0 .LBB2_9-.Ltmp1, $3  }
0x21: {  	_ =	sdelay $0x1  }
0x22: {  	[sflag:s1] =	ssyncset.done $0x0  }
0x23: {  	[sflag:s1] =	ssyncadd.s32 $0xFFFF8000  }
.LBB2_1:
0x24: {  	s0 =	sld [smem:$0x7F4];
	_ =	sdelay $0x1  }
0x25: {  	[smem:$0x7F3] =	sst s2;
	s1 =	simm.s32 $0x0;
	s12 =	simm.s32 $0x5  }
0x26: {  	[tilespmem:s1], [sflag:$0x5] =	stream.linear.gather [hbm4b:s0+s1], $0x80, $0x38;
	[tilespmem:$0x12280] =	vst v63  }
0x27: {  	_ =	swait.ge [sflag:s12], $0x80  }
0x28: {  	s13 =	sld [smem:$0x7F5]  }
0x29: {  	[sflag:s12] =	ssyncset.done $0x0  }
0x2a: {  	s3 =	simm.s32 $0x100;
	[sflag:s12] =	ssyncadd.s32 $0xFFFFFF80  }
0x2b: {  	[tilespmem:s3], [sflag:$0x5] =	stream.linear.gather [hbm4b:s13+s1], $0x100, $0x38;
	[tilespmem:$0x12280] =	vst v63  }
0x2c: {  	_ =	swait.ge [sflag:s12], $0x100  }
0x2d: {  	[sflag:s12] =	ssyncset.done $0x0  }
0x2e: {  	[sflag:s12] =	ssyncadd.s32 $0xFFFFFF00  }
0x2f: {  	s15 =	simm.s32 $0x200;
	s14 =	rddreg [dreg:$0x3]  }
0x30: {  	[tilespmem:s15], [sflag:$0x5] =	stream.linear.gather [hbm4b:s14+s1], $0x80, $0x38;
	[tilespmem:$0x12280] =	vst v63  }
0x31: {  	_ =	swait.ge [sflag:s12], $0x80  }
0x32: {  	[sflag:s12] =	ssyncset.done $0x0  }
0x33: {  	v0 =	vld [tilespmem:$0x1FFE0];
	[sflag:s12] =	ssyncadd.s32 $0xFFFFFF80  }
0x34: {  	v6 =	vld [tilespmem:$0x200]  }
0x35: {  	v7 =	vld [tilespmem:$0x0];
	_ =	sdelay $0x4  }
0x36: {  	v7 =	vadd.f32 v7, v6;
	_ =	sdelay $0x1  }
0x37: {  	[tilespmem:v0+s20+$0x0] =	vst.idx.msk $0xffff, v7;
	v0 =	vld [tilespmem:$0x1FFA0]  }
0x38: {  	v7 =	vld [tilespmem:$0x10];
	_ =	sdelay $0x4  }
0x39: {  	v7 =	vadd.f32 v7, v6;
	_ =	sdelay $0x1  }
0x3a: {  	[tilespmem:v0+s20+$0x0] =	vst.idx.msk $0xffff, v7;
	v0 =	vld [tilespmem:$0x1FFB0]  }
0x3b: {  	v7 =	vld [tilespmem:$0x20];
	_ =	sdelay $0x4  }
0x3c: {  	v7 =	vadd.f32 v7, v6;
	_ =	sdelay $0x1  }
0x3d: {  	[tilespmem:v0+s20+$0x0] =	vst.idx.msk $0xffff, v7;
	v0 =	vld [tilespmem:$0x1FFC0]  }
0x3e: {  	v7 =	vld [tilespmem:$0x30];
	_ =	sdelay $0x4  }
0x3f: {  	v7 =	vadd.f32 v7, v6;
	_ =	sdelay $0x1  }
0x40: {  	[tilespmem:v0+s20+$0x0] =	vst.idx.msk $0xffff, v7;
	v0 =	vld [tilespmem:$0x1FFD0]  }
0x41: {  	v7 =	vld [tilespmem:$0x40];
	_ =	sdelay $0x4  }
0x42: {  	v7 =	vadd.f32 v7, v6;
	_ =	sdelay $0x1  }
0x43: {  	[tilespmem:v0+s20+$0x0] =	vst.idx.msk $0xffff, v7;
	v0 =	vld [tilespmem:$0x1FFF0]  }
0x44: {  	v7 =	vld [tilespmem:$0x50];
	_ =	sdelay $0x4  }
0x45: {  	v6 =	vadd.f32 v7, v6;
	_ =	sdelay $0x1  }
0x46: {  	[tilespmem:v0+s20+$0x0] =	vst.idx.msk $0xffff, v6  }
0x47: {  	v13 =	vld [tilespmem:$0x100]  }
0x48: {  	v6 =	vld [tilespmem:$0x110]  }
0x49: {  	v7 =	vld [tilespmem:$0x120]  }
0x4a: {  	v57 =	vld [tilespmem:$0x130]  }
0x4b: {  	v15 =	vld [tilespmem:$0x140]  }
0x4c: {  	v59 =	vld [tilespmem:$0x150]  }
0x4d: {  	v16 =	vld [tilespmem:$0x160]  }
0x4e: {  	v1 =	vld [tilespmem:$0x170]  }
0x4f: {  	v19 =	vld [tilespmem:$0x180]  }
0x50: {  	v0 =	vld [tilespmem:$0x190]  }
0x51: {  	v11 =	vld [tilespmem:$0x1A0]  }
0x52: {  	v12 =	vld [tilespmem:$0x1B0]  }
0x53: {  	s16 =	sld [smem:$0x7F6];
	v3 =	vld [tilespmem:$0x1C0]  }
0x54: {  	v2 =	vld [tilespmem:$0x1D0]  }
0x55: {  	s17 =	simm.s32 $0x280;
	s3 =	simm.s32 $0x400;
	s2 =	sld [smem:$0x7F7];
	v14 =	vld [tilespmem:$0x1E0]  }
0x56: {  	v10 =	vld [tilespmem:$0x1F0];
	[tilespmem:s17], [sflag:$0x1] =	stream.strided.gather [hbm4b:s16+s20], $0x800, s3, s20, $0x38  }
0x57: {  	s18 =	simm.s32 $0x1280  }
0x58: {  	[tilespmem:s18], [sflag:$0x1] =	stream.linear.gather [hbm4b:s2+s1], $0x80, $0x38;
	[tilespmem:$0x12280] =	vst v63  }
0x59: {  	s4 =	simm.s32 $0x1380;
	s19 =	sadd.s32 $0x10, s2  }
0x5a: {  	[tilespmem:s4], [sflag:$0x1] =	stream.linear.gather [hbm4b:s19+s1], $0x80, $0x38;
	[tilespmem:$0x12280] =	vst v63  }
0x5b: {  	s22 =	simm.s32 $0x1480;
	s21 =	sadd.s32 $0x20, s2  }
0x5c: {  	[tilespmem:s22], [sflag:$0x1] =	stream.linear.gather [hbm4b:s21+s1], $0x80, $0x38;
	[tilespmem:$0x12280] =	vst v63  }
0x5d: {  	s24 =	simm.s32 $0x1580;
	s23 =	sadd.s32 $0x30, s2  }
0x5e: {  	[tilespmem:s24], [sflag:$0x1] =	stream.linear.gather [hbm4b:s23+s1], $0x80, $0x38;
	[tilespmem:$0x12280] =	vst v63  }
0x5f: {  	s26 =	simm.s32 $0x1680;
	s25 =	sadd.s32 $0x40, s2  }
0x60: {  	[tilespmem:s26], [sflag:$0x1] =	stream.linear.gather [hbm4b:s25+s1], $0x80, $0x38;
	[tilespmem:$0x12280] =	vst v63  }
0x61: {  	s29 =	simm.s32 $0x1780;
	s28 =	sadd.s32 $0x50, s2  }
0x62: {  	[tilespmem:s29], [sflag:$0x1] =	stream.linear.gather [hbm4b:s28+s1], $0x80, $0x38;
	[tilespmem:$0x12280] =	vst v63  }
0x63: {  	s31 =	simm.s32 $0x1880;
	s30 =	sadd.s32 $0x60, s2  }
0x64: {  	[tilespmem:s31], [sflag:$0x1] =	stream.linear.gather [hbm4b:s30+s1], $0x80, $0x38;
	[tilespmem:$0x12280] =	vst v63  }
0x65: {  	s6 =	simm.s32 $0x1980;
	s5 =	sadd.s32 $0x70, s2  }
0x66: {  	[tilespmem:s6], [sflag:$0x1] =	stream.linear.gather [hbm4b:s5+s1], $0x80, $0x38;
	[tilespmem:$0x12280] =	vst v63  }
0x67: {  	s8 =	simm.s32 $0x1A80;
	s7 =	sadd.s32 $0x80, s2  }
0x68: {  	[tilespmem:s8], [sflag:$0x1] =	stream.linear.gather [hbm4b:s7+s1], $0x80, $0x38;
	[tilespmem:$0x12280] =	vst v63  }
0x69: {  	s10 =	simm.s32 $0x1B80;
	s9 =	sadd.s32 $0x90, s2  }
0x6a: {  	[tilespmem:s10], [sflag:$0x1] =	stream.linear.gather [hbm4b:s9+s1], $0x80, $0x38;
	[tilespmem:$0x12280] =	vst v63  }
0x6b: {  	s12 =	simm.s32 $0x1C80;
	s11 =	sadd.s32 $0xA0, s2  }
0x6c: {  	[tilespmem:s12], [sflag:$0x1] =	stream.linear.gather [hbm4b:s11+s1], $0x80, $0x38;
	[tilespmem:$0x12280] =	vst v63  }
0x6d: {  	s14 =	simm.s32 $0x1D80;
	s13 =	sadd.s32 $0xB0, s2  }
0x6e: {  	[tilespmem:s14], [sflag:$0x1] =	stream.linear.gather [hbm4b:s13+s1], $0x80, $0x38;
	[tilespmem:$0x12280] =	vst v63  }
0x6f: {  	s15 =	sadd.s32 $0xC0, s2;
	s16 =	simm.s32 $0x1E80  }
0x70: {  	[tilespmem:s16], [sflag:$0x1] =	stream.linear.gather [hbm4b:s15+s1], $0x80, $0x38;
	[tilespmem:$0x12280] =	vst v63  }
0x71: {  	s17 =	sadd.s32 $0xD0, s2;
	s18 =	simm.s32 $0x1F80  }
0x72: {  	[tilespmem:s18], [sflag:$0x1] =	stream.linear.gather [hbm4b:s17+s1], $0x80, $0x38;
	[tilespmem:$0x12280] =	vst v63  }
0x73: {  	s19 =	sadd.s32 $0xE0, s2;
	s21 =	simm.s32 $0x2080  }
0x74: {  	[tilespmem:s21], [sflag:$0x1] =	stream.linear.gather [hbm4b:s19+s1], $0x80, $0x38;
	[tilespmem:$0x12280] =	vst v63  }
0x75: {  	s22 =	sadd.s32 $0xF0, s2;
	s23 =	simm.s32 $0x2180;
	s24 =	sld [smem:$0x7F8]  }
0x76: {  	[tilespmem:s23], [sflag:$0x1] =	stream.linear.gather [hbm4b:s22+s1], $0x80, $0x38;
	[tilespmem:$0x12280] =	vst v63  }
0x77: {  	s2 =	sld [smem:$0x7F9];
	s25 =	simm.s32 $0xA80  }
0x78: {  	[tilespmem:s25], [sflag:$0x2] =	stream.strided.gather [hbm4b:s24+s20], $0x800, s3, s20, $0x38;
	[tilespmem:$0x12280] =	vst v63  }
0x79: {  	s26 =	simm.s32 $0x1300  }
0x7a: {  	[tilespmem:s26], [sflag:$0x2] =	stream.linear.gather [hbm4b:s2+s1], $0x80, $0x38;
	[tilespmem:$0x12280] =	vst v63  }
0x7b: {  	s28 =	sadd.s32 $0x10, s2;
	s29 =	simm.s32 $0x1400  }
0x7c: {  	[tilespmem:s29], [sflag:$0x2] =	stream.linear.gather [hbm4b:s28+s1], $0x80, $0x38;
	[tilespmem:$0x12280] =	vst v63  }
0x7d: {  	s30 =	sadd.s32 $0x20, s2;
	s31 =	simm.s32 $0x1500  }
0x7e: {  	[tilespmem:s31], [sflag:$0x2] =	stream.linear.gather [hbm4b:s30+s1], $0x80, $0x38;
	[tilespmem:$0x12280] =	vst v63  }
0x7f: {  	[tilespmem:$0x1FED0] =	vst v0;
	s4 =	sadd.s32 $0x30, s2;
	s5 =	simm.s32 $0x1600  }
0x80: {  	[tilespmem:s5], [sflag:$0x2] =	stream.linear.gather [hbm4b:s4+s1], $0x80, $0x38;
	[tilespmem:$0x12280] =	vst v63  }
0x81: {  	[tilespmem:$0x1FEE0] =	vst v3;
	s6 =	sadd.s32 $0x40, s2;
	s7 =	simm.s32 $0x1700  }
0x82: {  	[tilespmem:s7], [sflag:$0x2] =	stream.linear.gather [hbm4b:s6+s1], $0x80, $0x38;
	[tilespmem:$0x12280] =	vst v63  }
0x83: {  	[tilespmem:$0x1FEF0] =	vst v14;
	s8 =	sadd.s32 $0x50, s2;
	s9 =	simm.s32 $0x1800  }
0x84: {  	[tilespmem:s9], [sflag:$0x2] =	stream.linear.gather [hbm4b:s8+s1], $0x80, $0x38;
	[tilespmem:$0x12280] =	vst v63  }
0x85: {  	[tilespmem:$0x1FF00] =	vst v2;
	s10 =	sadd.s32 $0x60, s2;
	s11 =	simm.s32 $0x1900  }
0x86: {  	[tilespmem:s11], [sflag:$0x2] =	stream.linear.gather [hbm4b:s10+s1], $0x80, $0x38;
	[tilespmem:$0x12280] =	vst v63  }
0x87: {  	[tilespmem:$0x1FF10] =	vst v1;
	s12 =	sadd.s32 $0x70, s2;
	s13 =	simm.s32 $0x1A00  }
0x88: {  	[tilespmem:s13], [sflag:$0x2] =	stream.linear.gather [hbm4b:s12+s1], $0x80, $0x38;
	[tilespmem:$0x12280] =	vst v63  }
0x89: {  	[tilespmem:$0x1FF20] =	vst v19;
	s14 =	sadd.s32 $0x80, s2;
	s15 =	simm.s32 $0x1B00  }
0x8a: {  	[tilespmem:s15], [sflag:$0x2] =	stream.linear.gather [hbm4b:s14+s1], $0x80, $0x38;
	[tilespmem:$0x12280] =	vst v63  }
0x8b: {  	[tilespmem:$0x1FF30] =	vst v12;
	s16 =	sadd.s32 $0x90, s2;
	s17 =	simm.s32 $0x1C00  }
0x8c: {  	[tilespmem:s17], [sflag:$0x2] =	stream.linear.gather [hbm4b:s16+s1], $0x80, $0x38;
	[tilespmem:$0x12280] =	vst v63  }
0x8d: {  	[tilespmem:$0x1FF40] =	vst v15;
	s18 =	sadd.s32 $0xA0, s2;
	s19 =	simm.s32 $0x1D00  }
0x8e: {  	[tilespmem:s19], [sflag:$0x2] =	stream.linear.gather [hbm4b:s18+s1], $0x80, $0x38;
	[tilespmem:$0x12280] =	vst v63  }
0x8f: {  	[tilespmem:$0x1FF50] =	vst v59;
	s21 =	sadd.s32 $0xB0, s2;
	s22 =	simm.s32 $0x1E00  }
0x90: {  	[tilespmem:s22], [sflag:$0x2] =	stream.linear.gather [hbm4b:s21+s1], $0x80, $0x38;
	[tilespmem:$0x12280] =	vst v63  }
0x91: {  	[tilespmem:$0x1FF60] =	vst v16;
	s23 =	sadd.s32 $0xC0, s2;
	s24 =	simm.s32 $0x1F00  }
0x92: {  	[tilespmem:s24], [sflag:$0x2] =	stream.linear.gather [hbm4b:s23+s1], $0x80, $0x38;
	[tilespmem:$0x12280] =	vst v63  }
0x93: {  	[tilespmem:$0x1FF70] =	vst v6;
	s25 =	sadd.s32 $0xD0, s2;
	s26 =	simm.s32 $0x2000  }
0x94: {  	[tilespmem:s26], [sflag:$0x2] =	stream.linear.gather [hbm4b:s25+s1], $0x80, $0x38;
	[tilespmem:$0x12280] =	vst v63  }
0x95: {  	[tilespmem:$0x1FF80] =	vst v7;
	s28 =	sadd.s32 $0xE0, s2;
	s29 =	simm.s32 $0x2100  }
0x96: {  	[tilespmem:s29], [sflag:$0x2] =	stream.linear.gather [hbm4b:s28+s1], $0x80, $0x38;
	[tilespmem:$0x12280] =	vst v63  }
0x97: {  	[tilespmem:$0x1FF90] =	vst v57;
	s30 =	sadd.s32 $0xF0, s2;
	s31 =	simm.s32 $0x2200;
	s8 =	simm.s32 $0x0  }
0x98: {  	[tilespmem:s31], [sflag:$0x2] =	stream.linear.gather [hbm4b:s30+s1], $0x80, $0x38;
	[tilespmem:$0x12280] =	vst v63  }
.LBB2_2:
0x99: {  	s1 =	simm.s32 $0x1  }
0x9a: {  	_ =	swait.ge [sflag:s1], $0x800  }
0x9b: {  	[sflag:s1] =	ssyncset.done $0x0  }
0x9c: {  	[sflag:s1] =	ssyncadd.s32 $0xFFFFF800  }
0x9d: {  	_ =	swait.ge [sflag:s1], $0x800  }
0x9e: {  	p0 =	seq.s32 s8, $0x0;
	s0 =	simm.s32 $0x0;
	[sflag:s1] =	ssyncset.done $0x0  }
0x9f: {  	s2 =	simm.s32 @!p0 $0x3;
	s6 =	sand.u32 $0x1E00, s0;
	[sflag:s1] =	ssyncadd.s32 $0xFFFFF800  }
0xa0: {  	s3 =	sshrl.u32 s6, $0x2;
	_ =	swait.ge @!p0 [sflag:s2], $0x8000  }
0xa1: {  	s3 =	sadd.s32 $0x280, s3;
	s1 =	sand.u32 $0x60, s0;
	[sflag:s2] =	ssyncset.done @!p0 $0x0  }
0xa2: {  	s4 =	sor.u32 s1, s3;
	[sflag:s2] =	ssyncadd.s32 @!p0 $0xFFFF8000  }
0xa3: {  	v22 =	vld [tilespmem:s4+$0x0]  }
0xa4: {  	s2 =	sor.u32 $0x10, s1  }
0xa5: {  	s3 =	sor.u32 s2, s3  }
0xa6: {  	v23 =	vld [tilespmem:s3+$0x0];
	s3 =	sand.u32 $0x3C00, s0  }
0xa7: {  	s0 =	sshrl.u32 s3, $0x2  }
0xa8: {  	s0 =	sadd.s32 $0x1280, s0;
	v24 =	vadd.s32 $0x5A, v22  }
0xa9: {  	v18 =	vld [tilespmem:$0x1FED0];
	s7 =	sor.u32 s2, s0;
	v26 =	vadd.s32 $0x54, v22  }
0xaa: {  	s0 =	sor.u32 s1, s0;
	v28 =	vld [tilespmem:s7+$0x0];
	v29 =	vadd.s32 $0x48, v22  }
0xab: {  	v40 =	vld [tilespmem:s0+$0x0];
	v31 =	vadd.s32 $0x4E, v22  }
0xac: {  	v35 =	vadd.s32 $0x42, v22;
	v27 =	vld.idx.msk [tilespmem:v22+s20+$0x0], $0xffff  }
0xad: {  	v37 =	vadd.s32 $0x24, v22;
	v24 =	vld.idx.msk [tilespmem:v24+s20+$0x0], $0xffff  }
0xae: {  	v39 =	vadd.s32 $0x6, v22;
	v26 =	vld.idx.msk [tilespmem:v26+s20+$0x0], $0xffff  }
0xaf: {  	v4 =	vadd.s32 $0xC, v22;
	v41 =	vld.idx.msk [tilespmem:v29+s20+$0x0], $0xffff  }
0xb0: {  	v44 =	vadd.s32 $0x1E, v22;
	v38 =	vld.idx.msk [tilespmem:v31+s20+$0x0], $0xffff  }
0xb1: {  	v45 =	vadd.s32 $0x30, v22;
	v36 =	vld.idx.msk [tilespmem:v35+s20+$0x0], $0xffff  }
0xb2: {  	v50 =	vadd.s32 $0x3C, v22;
	v37 =	vld.idx.msk [tilespmem:v37+s20+$0x0], $0xffff  }
0xb3: {  	v25 =	vadd.s32 $0x5A, v23;
	v39 =	vld.idx.msk [tilespmem:v39+s20+$0x0], $0xffff  }
0xb4: {  	v56 =	vadd.s32 $0x12, v22;
	v35 =	vld.idx.msk [tilespmem:v4+s20+$0x0], $0xffff  }
0xb5: {  	v49 =	vadd.s32 $0x2A, v22;
	v44 =	vld.idx.msk [tilespmem:v44+s20+$0x0], $0xffff  }
0xb6: {  	v30 =	vadd.s32 $0x6, v23;
	v45 =	vld.idx.msk [tilespmem:v45+s20+$0x0], $0xffff  }
0xb7: {  	v32 =	vadd.s32 $0x2A, v23;
	v50 =	vld.idx.msk [tilespmem:v50+s20+$0x0], $0xffff  }
0xb8: {  	v34 =	vld.idx.msk [tilespmem:v25+s20+$0x0], $0xffff;
	v25 =	vadd.s32 $0x42, v23  }
0xb9: {  	v42 =	vadd.s32 $0xC, v23;
	v56 =	vld.idx.msk [tilespmem:v56+s20+$0x0], $0xffff  }
0xba: {  	v43 =	vadd.s32 $0x30, v23;
	v49 =	vld.idx.msk [tilespmem:v49+s20+$0x0], $0xffff  }
0xbb: {  	v47 =	vadd.s32 $0x36, v23;
	v30 =	vld.idx.msk [tilespmem:v30+s20+$0x0], $0xffff  }
0xbc: {  	v31 =	vadd.s32 $0x12, v23;
	v32 =	vld.idx.msk [tilespmem:v32+s20+$0x0], $0xffff  }
0xbd: {  	v33 =	vld.idx.msk [tilespmem:v25+s20+$0x0], $0xffff;
	v25 =	vadd.s32 $0x18, v22  }
0xbe: {  	v29 =	vadd.s32 $0x1E, v23;
	v42 =	vld.idx.msk [tilespmem:v42+s20+$0x0], $0xffff  }
0xbf: {  	v48 =	vadd.s32 $0x3C, v23;
	v52 =	vmul.f32 v40, v13;
	v43 =	vld.idx.msk [tilespmem:v43+s20+$0x0], $0xffff  }
0xc0: {  	v62 =	vadd.s32 $0x48, v23;
	v53 =	vmul.f32 v40, v19;
	v54 =	vmul.f32 v40, v14;
	v47 =	vld.idx.msk [tilespmem:v47+s20+$0x0], $0xffff  }
0xc1: {  	v8 =	vmov v57;
	s9 =	simm.s32 $0x80;
	v55 =	vmul.f32 v40, v6;
	v57 =	vmul.f32 v40, v57;
	v31 =	vld.idx.msk [tilespmem:v31+s20+$0x0], $0xffff  }
0xc2: {  	v9 =	vmovc v59;
	s0 =	sand.u32 $0x1E00, s9;
	v58 =	vmul.f32 v28, v7;
	v5 =	vmul.f32 v40, v16;
	v22 =	vadd.s32 $0x36, v22;
	v25 =	vld.idx.msk [tilespmem:v25+s20+$0x0], $0xffff  }
0xc3: {  	v0 =	vmovc v1;
	s15 =	simm.s32 $0x20;
	v51 =	vadd.s32 $0x18, v23;
	s0 =	sshrl.u32 s0, $0x2;
	v60 =	vmul.f32 v28, v8;
	v61 =	vmul.f32 v28, v1;
	v29 =	vld.idx.msk [tilespmem:v29+s20+$0x0], $0xffff  }
0xc4: {  	s30 =	sand.u32 $0x60, s15;
	s0 =	sadd.s32 $0x280, s0;
	v1 =	vmul.f32 v40, v15;
	v4 =	vmul.f32 v28, v6;
	v48 =	vld.idx.msk [tilespmem:v48+s20+$0x0], $0xffff;
	v27 =	vadd.f32 v52, v27  }
0xc5: {  	s10 =	sadd.s32 $0x2280, s3;
	s6 =	sor.u32 s30, s0;
	v62 =	vld.idx.msk [tilespmem:v62+s20+$0x0], $0xffff;
	v52 =	vmul.f32 v40, v59;
	v37 =	vadd.f32 v37, v5;
	v55 =	vadd.f32 v39, v55  }
0xc6: {  	s5 =	sor.u32 s1, s10;
	v5 =	vmul.f32 v28, v9;
	v39 =	vld [tilespmem:s6+$0x0];
	v30 =	vadd.f32 v30, v4;
	v31 =	vadd.f32 v31, v60  }
0xc7: {  	v46 =	vadd.s32 $0x24, v23;
	v59 =	vadd.f32 v25, v1;
	v25 =	vmul.f32 v40, v7;
	v1 =	vld.idx.msk [tilespmem:v22+s20+$0x0], $0xffff;
	[tilespmem:s5+$0x0] =	vst v27  }
0xc8: {  	v4 =	vld.idx.msk [tilespmem:v23+s20+$0x0], $0xffff;
	v60 =	vadd.f32 v29, v5;
	v29 =	vadd.s32 $0x54, v23;
	v27 =	vadd.s32 $0x4E, v23;
	[tilespmem:s5+$0x80] =	vst v55  }
0xc9: {  	s31 =	sor.u32 $0x10, s30;
	v23 =	vadd.f32 v44, v52;
	[tilespmem:s5+$0x300] =	vst v37;
	v22 =	vadd.f32 v35, v25;
	v25 =	vmul.f32 v28, v19  }
0xca: {  	s0 =	sor.u32 s31, s0;
	v63 =	vmul.f32 v28, v15;
	v51 =	vld.idx.msk [tilespmem:v51+s20+$0x0], $0xffff;
	v32 =	vadd.f32 v32, v61;
	[tilespmem:s5+$0x200] =	vst v59  }
0xcb: {  	v5 =	vmul.f32 v28, v18;
	[tilespmem:s5+$0x280] =	vst v23;
	v55 =	vadd.f32 v43, v25;
	v25 =	vld [tilespmem:s0+$0x0];
	v43 =	vadd.f32 v56, v57  }
0xcc: {  	v58 =	vadd.f32 v42, v58;
	v37 =	vld.idx.msk [tilespmem:v46+s20+$0x0], $0xffff;
	v52 =	vadd.s32 $0x5A, v39;
	[tilespmem:s5+$0x100] =	vst v22;
	v22 =	vmul.f32 v40, v0  }
0xcd: {  	s11 =	simm.s32 $0x100;
	s4 =	sor.u32 s2, s10;
	v44 =	vadd.f32 v47, v5;
	v47 =	vld.idx.msk [tilespmem:v29+s20+$0x0], $0xffff;
	v57 =	vmul.f32 v28, v10;
	[tilespmem:s5+$0x180] =	vst v43  }
0xce: {  	s6 =	sand.u32 $0x3C00, s11;
	v42 =	vmul.f32 v40, v10;
	v22 =	vadd.f32 v49, v22;
	v49 =	vld.idx.msk [tilespmem:v27+s20+$0x0], $0xffff;
	[tilespmem:s4+$0x180] =	vst v31  }
0xcf: {  	v29 =	vmul.f32 v28, v13;
	s0 =	sshrl.u32 s6, $0x2;
	v27 =	vadd.f32 v34, v57;
	v34 =	vadd.s32 $0x54, v39;
	[tilespmem:s4+$0x380] =	vst v32  }
0xd0: {  	v51 =	vadd.f32 v51, v63;
	v42 =	vadd.f32 v24, v42;
	s0 =	sadd.s32 $0x1280, s0;
	v31 =	vld.idx.msk [tilespmem:v39+s20+$0x0], $0xffff;
	[tilespmem:s4+$0x80] =	vst v30;
	v24 =	vadd.s32 $0x5A, v25  }
0xd1: {  	s7 =	sor.u32 s31, s0;
	v43 =	vadd.f32 v26, v54;
	s0 =	sor.u32 s30, s0;
	v26 =	vadd.s32 $0x48, v39;
	v32 =	vadd.f32 v29, v4;
	v29 =	vld.idx.msk [tilespmem:v52+s20+$0x0], $0xffff;
	[tilespmem:s4+$0x280] =	vst v60  }
0xd2: {  	v45 =	vadd.f32 v45, v53;
	[tilespmem:s4+$0x200] =	vst v51;
	v23 =	vld [tilespmem:s0+$0x0];
	v53 =	vadd.s32 $0x6, v25  }
0xd3: {  	v61 =	vmul.f32 v40, v18;
	v5 =	vadd.s32 $0x4E, v39;
	[tilespmem:s5+$0x380] =	vst v22;
	v22 =	vld [tilespmem:s7+$0x0]  }
0xd4: {  	s12 =	sadd.s32 $0x6280, s3;
	[tilespmem:s4+$0x0] =	vst v32;
	v32 =	vld.idx.msk [tilespmem:v34+s20+$0x0], $0xffff  }
0xd5: {  	s14 =	sadd.s32 $0x6300, s3;
	s13 =	sor.u32 s1, s12;
	v35 =	vmul.f32 v28, v16;
	v1 =	vadd.f32 v1, v61;
	[tilespmem:s4+$0x100] =	vst v58;
	v30 =	vld.idx.msk [tilespmem:v24+s20+$0x0], $0xffff  }
0xd6: {  	s16 =	sor.u32 s1, s14;
	[tilespmem:s13+$0x0] =	vst v45;
	v24 =	vld.idx.msk [tilespmem:v26+s20+$0x0], $0xffff  }
0xd7: {  	v35 =	vadd.f32 v37, v35;
	[tilespmem:s16+$0x0] =	vst v1;
	v53 =	vld.idx.msk [tilespmem:v53+s20+$0x0], $0xffff  }
0xd8: {  	v52 =	vadd.s32 $0x2A, v25;
	v26 =	vld.idx.msk [tilespmem:v5+s20+$0x0], $0xffff;
	[smem:$0x7F0] =	sst s8  }
0xd9: {  	v59 =	vmul.f32 v40, v11;
	[tilespmem:s4+$0x300] =	vst v35  }
0xda: {  	s4 =	sld [smem:$0x7FB]  }
0xdb: {  	v63 =	vmul.f32 v28, v14;
	v46 =	vadd.f32 v50, v59;
	v34 =	vadd.s32 $0x42, v25  }
0xdc: {  	s17 =	sshll.u32 s8, $0x1;
	v50 =	vmul.f32 v28, v2;
	v4 =	vmul.f32 v28, v11;
	v60 =	vadd.s32 $0x42, v39  }
0xdd: {  	v47 =	vadd.f32 v47, v63;
	v54 =	vmul.f32 v40, v2;
	v51 =	vadd.s32 $0x1E, v25;
	v52 =	vld.idx.msk [tilespmem:v52+s20+$0x0], $0xffff;
	[smem:$0x7F1] =	sst s17;
	s4 =	sadd.s32 s4, s17  }
0xde: {  	s19 =	sadd.s32 $0x6380, s3;
	v58 =	vadd.s32 $0x24, v39;
	s0 =	sor.u32 s2, s12;
	v48 =	vadd.f32 v48, v4;
	v37 =	vmul.f32 v23, v13;
	[smem:$0x7F2] =	sst s4  }
0xdf: {  	s22 =	sor.u32 s1, s19;
	v4 =	vmul.f32 v28, v3;
	v1 =	vadd.s32 $0x12, v25;
	v5 =	vmul.f32 v28, v12;
	[tilespmem:s0+$0x0] =	vst v55  }
0xe0: {  	s18 =	sor.u32 s2, s14;
	v56 =	vadd.s32 $0x6, v39;
	v38 =	vadd.f32 v38, v54;
	v37 =	vadd.f32 v37, v31;
	v31 =	vld.idx.msk [tilespmem:v34+s20+$0x0], $0xffff;
	[tilespmem:s22+$0x0] =	vst v46  }
0xe1: {  	s21 =	sadd.s32 $0x6400, s3;
	v2 =	vadd.s32 $0x18, v39;
	s5 =	sor.u32 s2, s19;
	v61 =	vadd.f32 v62, v4;
	v28 =	vld.idx.msk [tilespmem:v60+s20+$0x0], $0xffff;
	v60 =	vadd.f32 v33, v5;
	[tilespmem:s18+$0x0] =	vst v44  }
0xe2: {  	s25 =	sadd.s32 $0x6480, s3;
	s23 =	sor.u32 s2, s21;
	v45 =	vadd.s32 $0xC, v39;
	v62 =	vmul.f32 v40, v3;
	v40 =	vmul.f32 v40, v12;
	v3 =	vld.idx.msk [tilespmem:v51+s20+$0x0], $0xffff;
	[tilespmem:s5+$0x0] =	vst v48  }
0xe3: {  	s26 =	sadd.s32 $0x6500, s3;
	s24 =	sor.u32 s1, s21;
	s10 =	sor.u32 s2, s25;
	v59 =	vadd.s32 $0xC, v25;
	v4 =	vadd.s32 $0x36, v25;
	v57 =	vadd.f32 v49, v50;
	v50 =	vld.idx.msk [tilespmem:v58+s20+$0x0], $0xffff;
	[tilespmem:s23+$0x0] =	vst v60  }
0xe4: {  	s9 =	sadd.s32 $0x6580, s3;
	s3 =	sadd.s32 $0x6600, s3;
	s11 =	sor.u32 s2, s26;
	v49 =	vadd.f32 v41, v62;
	v40 =	vadd.f32 v36, v40;
	v41 =	vadd.s32 $0x2A, v39;
	v1 =	vld.idx.msk [tilespmem:v1+s20+$0x0], $0xffff;
	[tilespmem:s10+$0x0] =	vst v61  }
0xe5: {  	s28 =	sor.u32 s2, s9;
	s14 =	sadd.s32 $0x6300, s6;
	s21 =	sadd.s32 $0x6380, s6;
	v36 =	vadd.s32 $0x18, v25;
	v35 =	vmul.f32 v23, v19;
	v62 =	vld.idx.msk [tilespmem:v56+s20+$0x0], $0xffff;
	v44 =	vadd.s32 $0x30, v25;
	[tilespmem:s11+$0x0] =	vst v57  }
0xe6: {  	s12 =	sor.u32 s1, s25;
	s25 =	sadd.s32 $0x6500, s6;
	s17 =	sor.u32 s30, s14;
	v55 =	vadd.s32 $0x1E, v39;
	v34 =	vmul.f32 v23, v14;
	v5 =	vadd.s32 $0x3C, v25;
	v2 =	vld.idx.msk [tilespmem:v2+s20+$0x0], $0xffff;
	[tilespmem:s28+$0x0] =	vst v47  }
0xe7: {  	s19 =	sor.u32 s31, s14;
	s29 =	sor.u32 s31, s25;
	v51 =	vmul.f32 v23, v9;
	v56 =	vadd.s32 $0x30, v39;
	v48 =	vmul.f32 v23, v16;
	v60 =	vld.idx.msk [tilespmem:v45+s20+$0x0], $0xffff;
	[dreg:$0x9] =	wrdreg s17  }
0xe8: {  	s16 =	simm.s32 $0x2;
	s8 =	sor.u32 s30, s21;
	s4 =	sor.u32 s1, s9;
	v58 =	vmul.f32 v22, v0;
	v0 =	vadd.s32 $0x3C, v39;
	v61 =	vmul.f32 v23, v6;
	[tilespmem:s24+$0x0] =	vst v40  }
0xe9: {  	s0 =	sor.u32 s1, s3;
	s22 =	sadd.s32 $0x6400, s6;
	v57 =	vmul.f32 v22, v8;
	v54 =	vadd.f32 v50, v48;
	v48 =	vmul.f32 v23, v15;
	v63 =	vld.idx.msk [tilespmem:v59+s20+$0x0], $0xffff;
	[dreg:$0x7] =	wrdreg s19  }
0xea: {  	s18 =	sadd.s32 $0x2280, s6;
	s9 =	sor.u32 s31, s22;
	s5 =	sor.u32 s1, s26;
	v45 =	vadd.f32 v52, v58;
	v52 =	vmul.f32 v23, v7;
	v62 =	vadd.f32 v62, v61;
	v50 =	vld.idx.msk [tilespmem:v44+s20+$0x0], $0xffff  }
0xeb: {  	s26 =	sadd.s32 $0x6580, s6;
	s23 =	sor.u32 s2, s3;
	s11 =	sadd.s32 $0x6280, s6;
	v47 =	vmul.f32 v23, v8;
	v46 =	vadd.f32 v1, v57;
	v59 =	vadd.f32 v2, v48;
	v58 =	vld.idx.msk [tilespmem:v55+s20+$0x0], $0xffff  }
0xec: {  	v33 =	vadd.s32 $0x24, v25;
	s2 =	sor.u32 s30, s25;
	s13 =	sor.u32 s30, s11;
	s28 =	sadd.s32 $0x6600, s6;
	v60 =	vadd.f32 v60, v52;
	[tilespmem:s12+$0x0] =	vst v49;
	v49 =	vmul.f32 v22, v6;
	v57 =	vld.idx.msk [tilespmem:v56+s20+$0x0], $0xffff  }
0xed: {  	v17 =	vmovc v14;
	s11 =	sor.u32 s31, s11;
	s3 =	sor.u32 s30, s28;
	s24 =	sadd.s32 $0x6480, s6;
	v52 =	vadd.s32 $0x12, v39;
	v6 =	vmul.f32 v22, v7;
	v7 =	vmul.f32 v22, v9;
	v56 =	vld.idx.msk [tilespmem:v4+s20+$0x0], $0xffff  }
0xee: {  	v61 =	vadd.s32 $0x48, v25;
	v40 =	vmul.f32 v22, v16;
	s6 =	sor.u32 s31, s26;
	s17 =	sor.u32 s31, s24;
	s7 =	sor.u32 s30, s24;
	v55 =	vld.idx.msk [tilespmem:v5+s20+$0x0], $0xffff;
	[tilespmem:s5+$0x0] =	vst v38;
	v38 =	vmul.f32 v22, v15  }
0xef: {  	s19 =	simm.s32 $0x100;
	s12 =	sor.u32 s31, s21;
	s21 =	simm.s32 $0x200;
	v48 =	vadd.f32 v53, v49;
	v53 =	vmul.f32 v23, v18;
	v49 =	vadd.f32 v3, v7;
	[tilespmem:s4+$0x0] =	vst v43  }
0xf0: {  	s5 =	sor.u32 s30, s22;
	s22 =	sor.u32 s31, s28;
	s4 =	sor.u32 s30, s26;
	v43 =	vld.idx.msk [tilespmem:v0+s20+$0x0], $0xffff;
	v44 =	vadd.f32 v63, v6;
	v63 =	vadd.s32 $0x36, v39;
	[tilespmem:s0+$0x0] =	vst v42;
	v42 =	vmul.f32 v22, v19  }
.LBB2_3:
0xf1: {  	_ = 	snop  }
0xf2: {  	v0 =	vld.idx.msk [tilespmem:v52+s20+$0x0], $0xffff  }
0xf3: {  	v2 =	vld.idx.msk [tilespmem:v41+s20+$0x0], $0xffff  }
0xf4: {  	v19 =	vld [tilespmem:$0x1FED0]  }
0xf5: {  	v41 =	vld.idx.msk [tilespmem:v63+s20+$0x0], $0xffff  }
0xf6: {  	[smem:$0x7EC] =	sst s6;
	v6 =	vld [tilespmem:$0x1FF00]  }
0xf7: {  	[smem:$0x7ED] =	sst s8;
	v15 =	vld [tilespmem:$0x1FF10]  }
0xf8: {  	[smem:$0x7EE] =	sst s5;
	v16 =	vld [tilespmem:$0x1FEE0]  }
0xf9: {  	[smem:$0x7EF] =	sst s7;
	s0 =	sand.u32 $0x1E00, s19;
	v1 =	vmul.f32 v23, v10;
	v20 =	vld [tilespmem:$0x1FF20]  }
0xfa: {  	[dreg:$0x1b] =	wrdreg s4;
	s6 =	sadd.s32 $0x20, s15;
	[tilespmem:s23+$0x0] =	vst v27;
	v5 =	vmul.f32 v22, v10;
	v14 =	vld [tilespmem:$0x1FF30];
	s0 =	sshrl.u32 s0, $0x2  }
0xfb: {  	s5 =	sor.u32 s30, s18;
	v63 =	vadd.s32 $0x4E, v25;
	s30 =	sand.u32 $0x60, s6;
	v3 =	vadd.f32 v58, v51;
	s4 =	sadd.s32 $0x280, s0;
	v39 =	vadd.f32 v29, v1;
	v58 =	vld.idx.msk [tilespmem:v61+s20+$0x0], $0xffff  }
0xfc: {  	s1 =	smov.u32 s22;
	[tilespmem:s5+$0x0] =	vst v37;
	s8 =	sor.u32 $0x10, s30;
	v27 =	vadd.f32 v30, v5;
	v29 =	vadd.s32 $0x54, v25;
	v30 =	vld.idx.msk [tilespmem:v25+s20+$0x0], $0xffff;
	s7 =	sor.u32 s30, s4;
	v4 =	vmul.f32 v22, v19  }
0xfd: {  	[dreg:$0x18] =	wrdreg s1;
	s1 =	sor.u32 s8, s4;
	v52 =	vadd.f32 v50, v42;
	v42 =	vld [tilespmem:s7+$0x0];
	[tilespmem:s5+$0x80] =	vst v62  }
0xfe: {  	v7 =	vmul.f32 v23, v11;
	[tilespmem:s5+$0x100] =	vst v60;
	v37 =	vmul.f32 v23, v15;
	v51 =	vadd.f32 v56, v4;
	v4 =	vld [tilespmem:s1+$0x0]  }
0xff: {  	s22 =	sand.u32 $0x3C00, s21;
	v35 =	vadd.f32 v57, v35;
	v5 =	vld.idx.msk [tilespmem:v33+s20+$0x0], $0xffff;
	[tilespmem:s5+$0x200] =	vst v59;
	v0 =	vadd.f32 v0, v47  }
0x100: {  	s23 =	sshrl.u32 s22, $0x2;
	v25 =	vmul.f32 v22, v11;
	[tilespmem:s5+$0x280] =	vst v3;
	v1 =	vld.idx.msk [tilespmem:v63+s20+$0x0], $0xffff;
	v2 =	vadd.f32 v2, v37  }
0x101: {  	v50 =	vadd.f32 v43, v7;
	v43 =	vadd.f32 v32, v34;
	[tilespmem:s5+$0x180] =	vst v0;
	s1 =	sadd.s32 $0x1280, s23;
	v3 =	vld.idx.msk [tilespmem:v29+s20+$0x0], $0xffff  }
0x102: {  	v32 =	vmul.f32 v22, v13;
	v0 =	vadd.f32 v41, v53;
	s10 =	sor.u32 s8, s1;
	v41 =	vadd.s32 $0x5A, v42;
	[tilespmem:s5+$0x380] =	vst v2;
	v2 =	vld.idx.msk [tilespmem:v36+s20+$0x0], $0xffff  }
0x103: {  	[tilespmem:s5+$0x300] =	vst v54;
	v59 =	vadd.f32 v55, v25;
	v57 =	vmul.f32 v22, v6;
	s28 =	sor.u32 s30, s1;
	s1 =	sor.u32 s31, s18;
	v61 =	vld [tilespmem:s10+$0x0];
	v36 =	vadd.s32 $0x5A, v4  }
0x104: {  	[tilespmem:s1+$0x180] =	vst v46;
	v8 =	vld [tilespmem:s28+$0x0];
	v37 =	vadd.s32 $0x6, v4;
	v60 =	vadd.s32 $0x2A, v4;
	v25 =	vmovc v4;
	v4 =	vadd.s32 $0x54, v42  }
0x105: {  	v56 =	vmul.f32 v23, v6;
	v6 =	vadd.s32 $0x48, v42;
	[tilespmem:s1+$0x380] =	vst v45;
	v1 =	vadd.f32 v1, v57;
	v57 =	vld [tilespmem:$0x1FF70]  }
0x106: {  	v32 =	vadd.f32 v32, v30;
	[tilespmem:s1+$0x80] =	vst v48;
	v46 =	vld.idx.msk [tilespmem:v42+s20+$0x0], $0xffff  }
0x107: {  	v9 =	vadd.s32 $0x4E, v42;
	[tilespmem:s1+$0x280] =	vst v49;
	v29 =	vld.idx.msk [tilespmem:v41+s20+$0x0], $0xffff  }
0x108: {  	v2 =	vadd.f32 v2, v38;
	v30 =	vld.idx.msk [tilespmem:v36+s20+$0x0], $0xffff;
	[tilespmem:s1+$0x0] =	vst v32  }
0x109: {  	v38 =	vadd.s32 $0x42, v42;
	v32 =	vld.idx.msk [tilespmem:v4+s20+$0x0], $0xffff;
	[tilespmem:s13+$0x0] =	vst v35  }
0x10a: {  	v21 =	vmov v11;
	s25 =	sadd.s32 $0x6280, s22;
	[tilespmem:s1+$0x200] =	vst v2;
	v6 =	vld.idx.msk [tilespmem:v6+s20+$0x0], $0xffff  }
0x10b: {  	s4 =	sor.u32 s30, s25;
	v5 =	vadd.f32 v5, v40;
	v11 =	vmul.f32 v8, v13;
	v2 =	vmul.f32 v22, v16;
	v12 =	vld.idx.msk [tilespmem:v37+s20+$0x0], $0xffff  }
0x10c: {  	v47 =	vadd.s32 $0x6, v42;
	v34 =	vmul.f32 v8, v17;
	v35 =	vmul.f32 v8, v20;
	s13 =	smov.u32 s4;
	s4 =	rddreg [dreg:$0x9];
	[tilespmem:s1+$0x100] =	vst v44;
	v9 =	vld.idx.msk [tilespmem:v9+s20+$0x0], $0xffff  }
0x10d: {  	[dreg:$0x16] =	wrdreg s2;
	v4 =	vadd.s32 $0x42, v25;
	[tilespmem:s4+$0x0] =	vst v0;
	v37 =	vadd.f32 v11, v46;
	v11 =	vld.idx.msk [tilespmem:v60+s20+$0x0], $0xffff;
	v2 =	vadd.f32 v58, v2  }
0x10e: {  	[dreg:$0x14] =	wrdreg s3;
	[tilespmem:s1+$0x300] =	vst v5;
	v5 =	vmul.f32 v23, v14;
	v58 =	vmul.f32 v23, v16;
	v23 =	vmov v8;
	v8 =	vld.idx.msk [tilespmem:v38+s20+$0x0], $0xffff  }
0x10f: {  	s16 =	sadd.s32 $0x2, s16;
	s15 =	smov.u32 s17;
	s17 =	smov.u32 s12;
	v60 =	vld [tilespmem:$0x1FF80]  }
0x110: {  	s12 =	smov.u32 s11;
	s19 =	sadd.s32 $0x80, s19;
	s21 =	sadd.s32 $0x100, s21;
	v62 =	vadd.s32 $0x1E, v25;
	v5 =	vadd.f32 v28, v5;
	v28 =	vld [tilespmem:$0x1FF90]  }
0x111: {  	p1 =	slt.u32 s16, $0x7E;
	s24 =	sadd.s32 $0x2280, s22;
	s26 =	sadd.s32 $0x6300, s22;
	v40 =	vmul.f32 v22, v17;
	v44 =	vadd.f32 v24, v58;
	v58 =	vld [tilespmem:$0x1FF40]  }
0x112: {  	s14 =	sadd.s32 $0x6380, s22;
	s11 =	sor.u32 s30, s26;
	s2 =	sor.u32 s8, s25;
	v49 =	vadd.s32 $0x24, v42;
	v4 =	vld.idx.msk [tilespmem:v4+s20+$0x0], $0xffff  }
0x113: {  	s3 =	sor.u32 s8, s26;
	s25 =	sadd.s32 $0x6500, s22;
	v7 =	vadd.s32 $0x12, v25;
	v0 =	vmul.f32 v22, v14;
	[tilespmem:s12+$0x0] =	vst v52;
	s12 =	rddreg [dreg:$0x7];
	v52 =	vadd.f32 v3, v40;
	v3 =	vld.idx.msk [tilespmem:v47+s20+$0x0], $0xffff  }
0x114: {  	s7 =	smov.u32 s9;
	s23 =	sor.u32 s30, s14;
	s31 =	smov.u32 s8;
	v53 =	vadd.s32 $0xC, v42;
	v63 =	vadd.s32 $0x18, v42;
	v45 =	vadd.s32 $0x1E, v42;
	v40 =	vld [tilespmem:$0x1FF60];
	[tilespmem:s12+$0x0] =	vst v51  }
0x115: {  	s18 =	sadd.s32 $0x6480, s22;
	s10 =	sadd.s32 $0x6400, s22;
	s9 =	sor.u32 s31, s14;
	v18 =	vadd.s32 $0x30, v42;
	v56 =	vadd.f32 v26, v56;
	v0 =	vadd.f32 v31, v0;
	v62 =	vld.idx.msk [tilespmem:v62+s20+$0x0], $0xffff  }
0x116: {  	s14 =	sor.u32 s31, s18;
	s5 =	sor.u32 s31, s25;
	v54 =	vadd.s32 $0xC, v25;
	v33 =	vadd.s32 $0x24, v25;
	v48 =	vadd.s32 $0x36, v25;
	v22 =	vmovc v61;
	s4 =	smov.u32 s11;
	v16 =	vmovc v13;
	[tilespmem:s17+$0x0] =	vst v59;
	v59 =	vld [tilespmem:$0x1FF50]  }
0x117: {  	s0 =	sor.u32 s30, s18;
	s25 =	sor.u32 s30, s25;
	[dreg:$0x9] =	wrdreg s4;
	v13 =	vmul.f32 v23, v57;
	v24 =	vmov v6;
	v6 =	vld.idx.msk [tilespmem:v49+s20+$0x0], $0xffff;
	v14 =	vmul.f32 v22, v60;
	[tilespmem:s7+$0x0] =	vst v0  }
0x118: {  	s8 =	sor.u32 s31, s10;
	s26 =	sor.u32 s30, s10;
	v55 =	vadd.s32 $0x3C, v25;
	s4 =	sld [smem:$0x7EC];
	v0 =	vld.idx.msk [tilespmem:v7+s20+$0x0], $0xffff;
	[tilespmem:s15+$0x0] =	vst v2;
	v47 =	vmul.f32 v23, v28;
	v38 =	vmul.f32 v22, v58  }
0x119: {  	s28 =	sadd.s32 $0x6580, s22;
	v7 =	vadd.s32 $0x30, v25;
	v2 =	vld.idx.msk [tilespmem:v53+s20+$0x0], $0xffff;
	v61 =	vmul.f32 v22, v28;
	v53 =	vmul.f32 v23, v19;
	[tilespmem:s29+$0x0] =	vst v1;
	s29 =	smov.u32 s5;
	s5 =	sld [smem:$0x7ED]  }
0x11a: {  	s22 =	sadd.s32 $0x6600, s22;
	s10 =	sor.u32 s31, s28;
	v41 =	vadd.s32 $0x2A, v42;
	v26 =	vmovc v9;
	s7 =	sld [smem:$0x7EE];
	v1 =	vld.idx.msk [tilespmem:v63+s20+$0x0], $0xffff;
	v9 =	vmul.f32 v23, v40;
	v63 =	vmul.f32 v22, v15  }
0x11b: {  	v36 =	vadd.s32 $0x18, v25;
	s15 =	smov.u32 s6;
	s6 =	smov.u32 s10;
	v28 =	vmovc v8;
	s10 =	sld [smem:$0x7EF];
	v40 =	vmul.f32 v22, v40;
	[tilespmem:s4+$0x0] =	vst v52;
	v51 =	vmul.f32 v23, v59  }
0x11c: {  	s18 =	smov.u32 s24;
	s28 =	sor.u32 s30, s28;
	s24 =	sor.u32 s30, s22;
	v8 =	vadd.s32 $0x3C, v42;
	v15 =	vld.idx.msk [tilespmem:v54+s20+$0x0], $0xffff;
	v54 =	vadd.f32 v6, v9;
	v6 =	vmul.f32 v22, v57;
	[tilespmem:s5+$0x0] =	vst v50  }
0x11d: {  	s22 =	sor.u32 s31, s22;
	s11 =	smov.u32 s2;
	s2 =	smov.u32 s3;
	v31 =	vmov v4;
	v4 =	vmul.f32 v22, v59;
	v55 =	vld.idx.msk [tilespmem:v55+s20+$0x0], $0xffff;
	[tilespmem:s7+$0x0] =	vst v5;
	v5 =	vmul.f32 v23, v58  }
.Ltmp2:
0x11e: {  	s3 =	smov.u32 s24;
	[dreg:$0x7] =	wrdreg s2;
	v52 =	vadd.s32 $0x12, v42;
	v50 =	vld.idx.msk [tilespmem:v7+s20+$0x0], $0xffff;
	v46 =	vadd.f32 v0, v61;
	v0 =	vmul.f32 v23, v60;
	[tilespmem:s10+$0x0] =	vst v44;
	(pc) =	sbr.rel @p1 .LBB2_3-.Ltmp2, $4  }
0x11f: {  	s2 =	smov.u32 s25;
	s17 =	smov.u32 s14;
	s14 =	rddreg [dreg:$0x16];
	v61 =	vadd.s32 $0x48, v25;
	v49 =	vadd.f32 v62, v4;
	v62 =	vadd.f32 v3, v13;
	v58 =	vld.idx.msk [tilespmem:v45+s20+$0x0], $0xffff  }
0x120: {  	s12 =	smov.u32 s9;
	s5 =	smov.u32 s26;
	s26 =	rddreg [dreg:$0x1b];
	v13 =	vmov v16;
	v45 =	vadd.f32 v11, v63;
	v57 =	vld.idx.msk [tilespmem:v18+s20+$0x0], $0xffff;
	[tilespmem:s14+$0x0] =	vst v56;
	v59 =	vadd.f32 v1, v5  }
0x121: {  	s9 =	smov.u32 s8;
	s4 =	smov.u32 s28;
	s28 =	rddreg [dreg:$0x14];
	v11 =	vmov v21;
	v56 =	vld.idx.msk [tilespmem:v48+s20+$0x0], $0xffff;
	v48 =	vadd.f32 v12, v6;
	v60 =	vadd.f32 v2, v0;
	[tilespmem:s26+$0x0] =	vst v43  }
0x122: {  	s8 =	smov.u32 s23;
	s23 =	rddreg [dreg:$0x18];
	s7 =	smov.u32 s0;
	v63 =	vadd.s32 $0x36, v42;
	v42 =	vmul.f32 v22, v20;
	v44 =	vadd.f32 v15, v14;
	v43 =	vld.idx.msk [tilespmem:v8+s20+$0x0], $0xffff;
	[tilespmem:s28+$0x0] =	vst v39  }
0x123: {  	_ =	sdelay $0x3  }
0x124: {  	v0 =	vld.idx.msk [tilespmem:v52+s20+$0x0], $0xffff  }
0x125: {  	v1 =	vld.idx.msk [tilespmem:v41+s20+$0x0], $0xffff  }
0x126: {  	[tilespmem:s23+$0x0] =	vst v27;
	v2 =	vld.idx.msk [tilespmem:v63+s20+$0x0], $0xffff;
	s0 =	sor.u32 s30, s18  }
0x127: {  	v3 =	vadd.s32 $0x4E, v25;
	v4 =	vld.idx.msk [tilespmem:v61+s20+$0x0], $0xffff;
	[tilespmem:s0+$0x0] =	vst v37  }
0x128: {  	v6 =	vadd.s32 $0x54, v25;
	v7 =	vld.idx.msk [tilespmem:v25+s20+$0x0], $0xffff;
	[tilespmem:s0+$0x80] =	vst v62  }
0x129: {  	v41 =	vld.idx.msk [tilespmem:v33+s20+$0x0], $0xffff;
	[tilespmem:s0+$0x100] =	vst v60  }
0x12a: {  	v8 =	vadd.f32 v58, v51;
	v9 =	vld [tilespmem:$0x1FF10];
	[tilespmem:s0+$0x200] =	vst v59  }
0x12b: {  	v51 =	vld.idx.msk [tilespmem:v36+s20+$0x0], $0xffff;
	[tilespmem:s0+$0x300] =	vst v54  }
0x12c: {  	s10 =	sor.u32 s31, s18;
	[tilespmem:s0+$0x280] =	vst v8;
	v0 =	vadd.f32 v0, v47;
	v47 =	vld.idx.msk [tilespmem:v3+s20+$0x0], $0xffff  }
0x12d: {  	v52 =	vld.idx.msk [tilespmem:v6+s20+$0x0], $0xffff;
	[tilespmem:s10+$0x180] =	vst v46  }
0x12e: {  	v54 =	vmul.f32 v22, v13;
	[tilespmem:s10+$0x380] =	vst v45  }
0x12f: {  	[tilespmem:s10+$0x80] =	vst v48;
	v5 =	vmul.f32 v23, v9  }
0x130: {  	v6 =	vadd.f32 v54, v7;
	[tilespmem:s10+$0x280] =	vst v49  }
0x131: {  	[tilespmem:s0+$0x180] =	vst v0;
	v1 =	vadd.f32 v1, v5  }
0x132: {  	v58 =	vadd.f32 v57, v35;
	[tilespmem:s10+$0x0] =	vst v6  }
0x133: {  	[tilespmem:s0+$0x380] =	vst v1;
	v1 =	vadd.f32 v51, v38  }
0x134: {  	[tilespmem:s13+$0x0] =	vst v58  }
0x135: {  	[tilespmem:s10+$0x200] =	vst v1  }
0x136: {  	v2 =	vadd.f32 v2, v53;
	v63 =	vld [tilespmem:$0x1FED0];
	[tilespmem:s10+$0x100] =	vst v44  }
0x137: {  	s1 =	rddreg [dreg:$0x9]  }
0x138: {  	v5 =	vadd.f32 v41, v40;
	[tilespmem:s1+$0x0] =	vst v2  }
0x139: {  	v12 =	vld [tilespmem:$0x1FF30]  }
0x13a: {  	v60 =	vadd.f32 v50, v42;
	[tilespmem:s10+$0x300] =	vst v5  }
0x13b: {  	v39 =	vmul.f32 v23, v11;
	v8 =	vld [tilespmem:$0x1FEE0]  }
0x13c: {  	[tilespmem:s11+$0x0] =	vst v60;
	v59 =	vmul.f32 v22, v63  }
0x13d: {  	v61 =	vmul.f32 v22, v11;
	v41 =	vadd.f32 v43, v39;
	v14 =	vld [tilespmem:$0x1FF00]  }
0x13e: {  	v1 =	vadd.f32 v56, v59;
	v62 =	vmul.f32 v22, v12  }
0x13f: {  	v33 =	vadd.f32 v55, v61;
	s0 =	rddreg [dreg:$0x7];
	[tilespmem:s8+$0x0] =	vst v41;
	v40 =	vmul.f32 v23, v12  }
0x140: {  	v35 =	vmul.f32 v22, v8;
	[tilespmem:s0+$0x0] =	vst v1;
	v37 =	vadd.f32 v31, v62  }
0x141: {  	v42 =	vmul.f32 v23, v8;
	[tilespmem:s12+$0x0] =	vst v33;
	v1 =	vadd.f32 v28, v40  }
0x142: {  	v36 =	vmul.f32 v22, v14;
	v4 =	vadd.f32 v4, v35;
	[tilespmem:s9+$0x0] =	vst v37  }
0x143: {  	v38 =	vmul.f32 v22, v17;
	v44 =	vadd.f32 v24, v42;
	[tilespmem:s5+$0x0] =	vst v1  }
0x144: {  	v43 =	vmul.f32 v23, v14;
	v0 =	vadd.f32 v47, v36;
	[tilespmem:s17+$0x0] =	vst v4  }
0x145: {  	v2 =	vadd.f32 v52, v38;
	[tilespmem:s7+$0x0] =	vst v44  }
0x146: {  	[tilespmem:s29+$0x0] =	vst v0;
	v0 =	vadd.f32 v26, v43  }
0x147: {  	[tilespmem:s6+$0x0] =	vst v2  }
0x148: {  	v46 =	vmul.f32 v22, v10;
	[tilespmem:s2+$0x0] =	vst v0  }
0x149: {  	v45 =	vmul.f32 v23, v10;
	v47 =	vadd.f32 v32, v34;
	s1 =	sld [smem:$0x7F2]  }
0x14a: {  	v49 =	vadd.f32 v30, v46  }
0x14b: {  	v48 =	vadd.f32 v29, v45;
	[tilespmem:s4+$0x0] =	vst v47  }
0x14c: {  	s15 =	rddreg [dreg:$0x4];
	s16 =	simm.s32 $0x4000;
	[tilespmem:s22+$0x0] =	vst v49;
	s14 =	sshll.u32 s1, $0xB  }
0x14d: {  	s18 =	simm.s32 $0x2280;
	[tilespmem:s3+$0x0] =	vst v48;
	s1 =	sshll.u32 s1, $0xC;
	s0 =	sand.u32 $0x3000, s14  }
0x14e: {  	s19 =	sld [smem:$0x7F0];
	s1 =	sand.u32 $0xFFF8000, s1;
	s0 =	sadd.s32 s15, s0  }
0x14f: {  	s17 =	simm.s32 $0x20000;
	s14 =	sld [smem:$0x7F1];
	s0 =	sadd.s32 s1, s0  }
0x150: {  	[hbm4b:s0+s16] =	stream.strided.scatter [tilespmem:s18], [sflag:$0x3], $0x8000, s17, s16, $0x38;
	[tilespmem:$0x12280] =	vst v63  }
0x151: {  	s0 =	sld [smem:$0x7FA];
	_ =	sdelay $0x1  }
0x152: {  	p1 =	seq.s32 s19, $0x18  }
0x153: {  	s0 =	sadd.s32 @!p1 s14, s0  }
0x154: {  	s1 =	sshll.u32 @!p1 s0, $0x8;
	s2 =	sshll.u32 @!p1 s0, $0xB;
	s0 =	sshll.u32 @!p1 s0, $0x1  }
0x155: {  	s3 =	sand.u32 @!p1 $0xFFFC000, s1;
	s0 =	sand.u32 @!p1 $0x70, s0  }
0x156: {  	s2 =	sand.u32 @!p1 $0x3000, s2;
	s0 =	sor.u32 @!p1 s0, s3;
	s3 =	rddreg [dreg:$0x0]  }
0x157: {  	s4 =	simm.s32 @!p1 $0x280;
	s2 =	sadd.s32 @!p1 s3, s2  }
0x158: {  	s3 =	simm.s32 @!p1 $0x400;
	s0 =	sadd.s32 @!p1 s0, s2;
	s2 =	simm.s32 @!p1 $0x80  }
0x159: {  	[tilespmem:s4], [sflag:$0x1] =	stream.strided.gather @!p1 [hbm4b:s0+s2], $0x800, s3, s2, $0x38;
	[tilespmem:$0x12280] =	vst v63  }
0x15a: {  	s0 =	sand.u32 @!p1 $0x1FFFFE00, s1;
	s1 =	rddreg [dreg:$0x1]  }
0x15b: {  	s2 =	simm.s32 @!p1 $0x1280;
	s0 =	sadd.s32 @!p1 s1, s0;
	s1 =	simm.s32 @!p1 $0x0  }
0x15c: {  	[tilespmem:s2], [sflag:$0x1] =	stream.linear.gather @!p1 [hbm4b:s0+s1], $0x80, $0x38;
	[tilespmem:$0x12280] =	vst v63  }
0x15d: {  	s3 =	simm.s32 @!p1 $0x1380;
	s2 =	sadd.s32 @!p1 $0x10, s0  }
0x15e: {  	[tilespmem:s3], [sflag:$0x1] =	stream.linear.gather @!p1 [hbm4b:s2+s1], $0x80, $0x38;
	[tilespmem:$0x12280] =	vst v63  }
0x15f: {  	s2 =	sadd.s32 @!p1 $0x20, s0;
	s3 =	simm.s32 @!p1 $0x1480  }
0x160: {  	[tilespmem:s3], [sflag:$0x1] =	stream.linear.gather @!p1 [hbm4b:s2+s1], $0x80, $0x38;
	[tilespmem:$0x12280] =	vst v63  }
0x161: {  	s2 =	sadd.s32 @!p1 $0x30, s0;
	s3 =	simm.s32 @!p1 $0x1580  }
0x162: {  	[tilespmem:s3], [sflag:$0x1] =	stream.linear.gather @!p1 [hbm4b:s2+s1], $0x80, $0x38;
	[tilespmem:$0x12280] =	vst v63  }
0x163: {  	s2 =	sadd.s32 @!p1 $0x40, s0;
	s3 =	simm.s32 @!p1 $0x1680  }
0x164: {  	[tilespmem:s3], [sflag:$0x1] =	stream.linear.gather @!p1 [hbm4b:s2+s1], $0x80, $0x38;
	[tilespmem:$0x12280] =	vst v63  }
0x165: {  	s2 =	sadd.s32 @!p1 $0x50, s0;
	s3 =	simm.s32 @!p1 $0x1780  }
0x166: {  	[tilespmem:s3], [sflag:$0x1] =	stream.linear.gather @!p1 [hbm4b:s2+s1], $0x80, $0x38;
	[tilespmem:$0x12280] =	vst v63  }
0x167: {  	s2 =	sadd.s32 @!p1 $0x60, s0;
	s3 =	simm.s32 @!p1 $0x1880  }
0x168: {  	[tilespmem:s3], [sflag:$0x1] =	stream.linear.gather @!p1 [hbm4b:s2+s1], $0x80, $0x38;
	[tilespmem:$0x12280] =	vst v63  }
0x169: {  	s2 =	sadd.s32 @!p1 $0x70, s0;
	s3 =	simm.s32 @!p1 $0x1980  }
0x16a: {  	[tilespmem:s3], [sflag:$0x1] =	stream.linear.gather @!p1 [hbm4b:s2+s1], $0x80, $0x38;
	[tilespmem:$0x12280] =	vst v63  }
0x16b: {  	s2 =	sadd.s32 @!p1 $0x80, s0;
	s3 =	simm.s32 @!p1 $0x1A80  }
0x16c: {  	[tilespmem:s3], [sflag:$0x1] =	stream.linear.gather @!p1 [hbm4b:s2+s1], $0x80, $0x38;
	[tilespmem:$0x12280] =	vst v63  }
0x16d: {  	s2 =	sadd.s32 @!p1 $0x90, s0;
	s3 =	simm.s32 @!p1 $0x1B80  }
0x16e: {  	[tilespmem:s3], [sflag:$0x1] =	stream.linear.gather @!p1 [hbm4b:s2+s1], $0x80, $0x38;
	[tilespmem:$0x12280] =	vst v63  }
0x16f: {  	s2 =	sadd.s32 @!p1 $0xA0, s0;
	s3 =	simm.s32 @!p1 $0x1C80  }
0x170: {  	[tilespmem:s3], [sflag:$0x1] =	stream.linear.gather @!p1 [hbm4b:s2+s1], $0x80, $0x38;
	[tilespmem:$0x12280] =	vst v63  }
0x171: {  	s2 =	sadd.s32 @!p1 $0xB0, s0;
	s3 =	simm.s32 @!p1 $0x1D80  }
0x172: {  	[tilespmem:s3], [sflag:$0x1] =	stream.linear.gather @!p1 [hbm4b:s2+s1], $0x80, $0x38;
	[tilespmem:$0x12280] =	vst v63  }
0x173: {  	s2 =	sadd.s32 @!p1 $0xC0, s0;
	s3 =	simm.s32 @!p1 $0x1E80  }
0x174: {  	[tilespmem:s3], [sflag:$0x1] =	stream.linear.gather @!p1 [hbm4b:s2+s1], $0x80, $0x38;
	[tilespmem:$0x12280] =	vst v63  }
0x175: {  	s2 =	sadd.s32 @!p1 $0xD0, s0;
	s3 =	simm.s32 @!p1 $0x1F80  }
0x176: {  	[tilespmem:s3], [sflag:$0x1] =	stream.linear.gather @!p1 [hbm4b:s2+s1], $0x80, $0x38;
	[tilespmem:$0x12280] =	vst v63  }
0x177: {  	s2 =	sadd.s32 @!p1 $0xE0, s0;
	s3 =	simm.s32 @!p1 $0x2080  }
0x178: {  	[tilespmem:s3], [sflag:$0x1] =	stream.linear.gather @!p1 [hbm4b:s2+s1], $0x80, $0x38;
	[tilespmem:$0x12280] =	vst v63  }
0x179: {  	s21 =	simm.s32 $0x2;
	s0 =	sadd.s32 @!p1 $0xF0, s0;
	s2 =	simm.s32 @!p1 $0x2180  }
0x17a: {  	[tilespmem:s2], [sflag:$0x1] =	stream.linear.gather @!p1 [hbm4b:s0+s1], $0x80, $0x38;
	[tilespmem:$0x12280] =	vst v63  }
0x17b: {  	_ =	swait.ge [sflag:s21], $0x800  }
0x17c: {  	[sflag:s21] =	ssyncset.done $0x0  }
0x17d: {  	[sflag:s21] =	ssyncadd.s32 $0xFFFFF800  }
0x17e: {  	_ =	swait.ge [sflag:s21], $0x800  }
0x17f: {  	s0 =	simm.s32 $0x0;
	[sflag:s21] =	ssyncset.done $0x0  }
0x180: {  	s1 =	simm.s32 @!p0 $0x4;
	s22 =	sand.u32 $0x1E00, s0;
	[sflag:s21] =	ssyncadd.s32 $0xFFFFF800  }
0x181: {  	s2 =	sshrl.u32 s22, $0x2;
	_ =	swait.ge @!p0 [sflag:s1], $0x8000  }
0x182: {  	s4 =	sand.u32 $0x60, s0;
	s2 =	sadd.s32 $0xA80, s2;
	[sflag:s1] =	ssyncset.done @!p0 $0x0  }
0x183: {  	s18 =	sor.u32 $0x10, s4;
	s23 =	sor.u32 s4, s2;
	[sflag:s1] =	ssyncadd.s32 @!p0 $0xFFFF8000  }
0x184: {  	s24 =	sor.u32 s18, s2;
	v0 =	vld [tilespmem:s23+$0x0]  }
0x185: {  	v25 =	vld [tilespmem:s24+$0x0]  }
0x186: {  	s19 =	sand.u32 $0x3C00, s0  }
0x187: {  	s25 =	sshrl.u32 s19, $0x2  }
0x188: {  	s1 =	sadd.s32 $0x1280, s25  }
0x189: {  	v15 =	vld [tilespmem:$0x1FF40];
	s26 =	sor.u32 s18, s1;
	v50 =	vadd.s32 $0x5A, v0  }
0x18a: {  	s1 =	sor.u32 s4, s1;
	v24 =	vld [tilespmem:s26+$0x80];
	v51 =	vadd.s32 $0x6, v0  }
0x18b: {  	v23 =	vld [tilespmem:s1+$0x80];
	v52 =	vadd.s32 $0xC, v0  }
0x18c: {  	v53 =	vadd.s32 $0x54, v0;
	v5 =	vld.idx.msk [tilespmem:v0+s20+$0x0], $0xffff  }
0x18d: {  	v54 =	vadd.s32 $0x12, v0;
	v33 =	vld.idx.msk [tilespmem:v25+s20+$0x0], $0xffff  }
0x18e: {  	v55 =	vadd.s32 $0x12, v25;
	v22 =	vld.idx.msk [tilespmem:v50+s20+$0x0], $0xffff  }
0x18f: {  	v39 =	vld.idx.msk [tilespmem:v51+s20+$0x0], $0xffff  }
0x190: {  	v56 =	vadd.s32 $0x18, v0;
	v38 =	vld.idx.msk [tilespmem:v52+s20+$0x0], $0xffff  }
0x191: {  	s5 =	sadd.s32 $0xA300, s19;
	v57 =	vadd.s32 $0x18, v25;
	v29 =	vld.idx.msk [tilespmem:v53+s20+$0x0], $0xffff  }
0x192: {  	s17 =	sadd.s32 $0xA380, s19;
	s25 =	sor.u32 s4, s5;
	v40 =	vld.idx.msk [tilespmem:v54+s20+$0x0], $0xffff  }
0x193: {  	s26 =	sor.u32 s4, s17;
	v58 =	vadd.s32 $0x1E, v25;
	v26 =	vld.idx.msk [tilespmem:v55+s20+$0x0], $0xffff;
	[dreg:$0x10] =	wrdreg s25  }
0x194: {  	v19 =	vld [tilespmem:$0x1FF20];
	v59 =	vadd.s32 $0x1E, v0;
	[dreg:$0xd] =	wrdreg s26  }
0x195: {  	s31 =	simm.s32 $0x0;
	s7 =	sadd.s32 $0xA480, s19;
	v41 =	vld.idx.msk [tilespmem:v56+s20+$0x0], $0xffff  }
0x196: {  	s3 =	sadd.s32 $0xA280, s19;
	s22 =	sadd.s32 $0xA400, s19;
	s10 =	sor.u32 s4, s7;
	v60 =	vadd.s32 $0x24, v0;
	v27 =	vld.idx.msk [tilespmem:v57+s20+$0x0], $0xffff  }
0x197: {  	s8 =	sadd.s32 $0xA500, s19;
	s16 =	sadd.s32 $0xA580, s19;
	v61 =	vadd.s32 $0x24, v25;
	[dreg:$0xf] =	wrdreg s10;
	v57 =	vld [tilespmem:$0x1FF90]  }
0x198: {  	s11 =	sadd.s32 $0xA600, s19;
	s12 =	sadd.s32 $0xE380, s19;
	s13 =	sadd.s32 $0xE400, s19;
	v28 =	vld.idx.msk [tilespmem:v58+s20+$0x0], $0xffff  }
0x199: {  	s9 =	sadd.s32 $0xE500, s19;
	s30 =	sor.u32 s4, s8;
	v62 =	vadd.s32 $0x2A, v25;
	s26 =	sor.u32 s4, s11;
	v45 =	vld.idx.msk [tilespmem:v59+s20+$0x0], $0xffff  }
0x19a: {  	s15 =	sor.u32 s4, s16;
	s29 =	sor.u32 s18, s22;
	v34 =	vadd.s32 $0x2A, v0;
	[dreg:$0xb] =	wrdreg s26;
	v59 =	vld [tilespmem:$0x1FF50]  }
0x19b: {  	s16 =	sor.u32 s18, s16;
	s2 =	sadd.s32 $0xE480, s19;
	s1 =	sor.u32 s18, s3;
	v35 =	vadd.s32 $0x30, v0;
	v46 =	vld.idx.msk [tilespmem:v60+s20+$0x0], $0xffff  }
0x19c: {  	s24 =	sor.u32 s4, s3;
	s3 =	sor.u32 s18, s17;
	v30 =	vld.idx.msk [tilespmem:v61+s20+$0x0], $0xffff;
	[dreg:$0xe] =	wrdreg s1  }
0x19d: {  	s21 =	sor.u32 s18, s5;
	s5 =	sor.u32 s18, s12;
	v36 =	vadd.s32 $0x36, v0;
	[dreg:$0x8] =	wrdreg s3;
	v61 =	vld [tilespmem:$0x1FF80]  }
0x19e: {  	s23 =	sadd.s32 $0xE300, s19;
	s17 =	sor.u32 s18, s8;
	v37 =	vadd.s32 $0x3C, v0;
	v31 =	vld.idx.msk [tilespmem:v62+s20+$0x0], $0xffff;
	[dreg:$0xa] =	wrdreg s16  }
0x19f: {  	v42 =	vadd.s32 $0x42, v0;
	s26 =	sor.u32 s4, s23;
	s3 =	sor.u32 s18, s23;
	s23 =	sor.u32 s4, s12;
	v51 =	vld.idx.msk [tilespmem:v34+s20+$0x0], $0xffff  }
0x1a0: {  	s8 =	sor.u32 s18, s2;
	v43 =	vadd.s32 $0x48, v0;
	s25 =	sor.u32 s4, s22;
	v52 =	vld.idx.msk [tilespmem:v35+s20+$0x0], $0xffff;
	[dreg:$0xc] =	wrdreg s23  }
0x1a1: {  	v44 =	vadd.s32 $0x30, v25;
	s22 =	sor.u32 s18, s7;
	s10 =	sadd.s32 $0xE280, s19;
	v62 =	vld [tilespmem:$0x1FF70];
	s23 =	sld [smem:$0x7FB]  }
0x1a2: {  	v47 =	vadd.s32 $0x36, v25;
	s28 =	sor.u32 s4, s10;
	s6 =	sor.u32 s18, s10;
	s10 =	sor.u32 s4, s2;
	v54 =	vld.idx.msk [tilespmem:v36+s20+$0x0], $0xffff  }
0x1a3: {  	v53 =	vadd.s32 $0x3C, v25;
	s16 =	sor.u32 s18, s11;
	s11 =	sadd.s32 $0xE580, s19;
	v49 =	vld.idx.msk [tilespmem:v37+s20+$0x0], $0xffff;
	[dreg:$0x12] =	wrdreg s10  }
0x1a4: {  	s2 =	sadd.s32 $0xE600, s19;
	v60 =	vmul.f32 v23, v13;
	s19 =	sor.u32 s4, s11;
	v48 =	vld.idx.msk [tilespmem:v42+s20+$0x0], $0xffff;
	s1 =	sadd.s32 s14, s23  }
0x1a5: {  	s7 =	sor.u32 s18, s13;
	v50 =	vld.idx.msk [tilespmem:v43+s20+$0x0], $0xffff;
	[dreg:$0x11] =	wrdreg s19;
	s1 =	sadd.s32 $0x1, s1  }
0x1a6: {  	s12 =	sor.u32 s4, s13;
	s13 =	sor.u32 s4, s9;
	v60 =	vadd.f32 v60, v5;
	v37 =	vadd.s32 $0x6, v25;
	v34 =	vld.idx.msk [tilespmem:v44+s20+$0x0], $0xffff;
	[smem:$0x7EB] =	sst s1  }
0x1a7: {  	v18 =	vmovc v10;
	s11 =	sor.u32 s18, s11;
	s10 =	sor.u32 s18, s9;
	v36 =	vadd.s32 $0xC, v25;
	s9 =	sor.u32 s4, s2;
	v43 =	vadd.s32 $0x42, v25;
	v42 =	vadd.s32 $0x48, v25;
	v35 =	vld.idx.msk [tilespmem:v47+s20+$0x0], $0xffff  }
0x1a8: {  	v17 =	vmovc v9;
	s2 =	sor.u32 s18, s2;
	s4 =	simm.s32 $0x80;
	s18 =	simm.s32 $0x0;
	v56 =	vmul.f32 v23, v61;
	v44 =	vadd.s32 $0x4E, v0;
	v47 =	vmul.f32 v23, v62;
	v32 =	vld.idx.msk [tilespmem:v53+s20+$0x0], $0xffff  }
.LBB2_5:
0x1a9: {  	[smem:$0x7DF] =	sst s29  }
0x1aa: {  	[smem:$0x7E2] =	sst s17  }
0x1ab: {  	[smem:$0x7E4] =	sst s16  }
0x1ac: {  	[smem:$0x7E9] =	sst s7  }
0x1ad: {  	[smem:$0x7E8] =	sst s3  }
0x1ae: {  	[smem:$0x7EA] =	sst s8  }
0x1af: {  	[smem:$0x7E0] =	sst s22  }
0x1b0: {  	[dreg:$0x1d] =	wrdreg s6  }
0x1b1: {  	[dreg:$0x1a] =	wrdreg s11  }
0x1b2: {  	[dreg:$0x19] =	wrdreg s10  }
0x1b3: {  	[dreg:$0x17] =	wrdreg s5  }
0x1b4: {  	[dreg:$0x15] =	wrdreg s9  }
0x1b5: {  	[dreg:$0x13] =	wrdreg s2  }
0x1b6: {  	s16 =	rddreg [dreg:$0x10]  }
0x1b7: {  	s3 =	rddreg [dreg:$0xd]  }
0x1b8: {  	s1 =	sand.u32 $0x1E00, s4;
	s0 =	sadd.s32 $0x20, s0;
	s8 =	rddreg [dreg:$0xf]  }
0x1b9: {  	s18 =	sadd.s32 $0x100, s18;
	v4 =	vmul.f32 v23, v15;
	s1 =	sshrl.u32 s1, $0x2;
	[dreg:$0x6] =	wrdreg s0  }
0x1ba: {  	v0 =	vld.idx.msk [tilespmem:v44+s20+$0x0], $0xffff;
	s19 =	sand.u32 $0x60, s0;
	s23 =	sand.u32 $0x3C00, s18;
	s1 =	sadd.s32 $0xA80, s1  }
0x1bb: {  	[tilespmem:s24+$0x0] =	vst v60;
	v3 =	vadd.f32 v38, v56;
	s14 =	sshrl.u32 s23, $0x2;
	s22 =	sor.u32 $0x10, s19;
	s24 =	sadd.s32 $0xA280, s23;
	v56 =	vadd.f32 v41, v4;
	v41 =	vld [tilespmem:$0x1FF60]  }
0x1bc: {  	s2 =	sadd.s32 $0xA300, s23;
	s9 =	sadd.s32 $0xA380, s23;
	s10 =	sadd.s32 $0xA400, s23  }
0x1bd: {  	v2 =	vmul.f32 v23, v57;
	v1 =	vadd.f32 v39, v47;
	s0 =	rddreg [dreg:$0x6];
	s11 =	sor.u32 s19, s1;
	s5 =	sor.u32 s19, s24  }
0x1be: {  	v44 =	vld.idx.msk [tilespmem:v42+s20+$0x0], $0xffff;
	s17 =	sadd.s32 $0x1280, s14;
	s14 =	sor.u32 s19, s9;
	[dreg:$0x1f] =	wrdreg s5  }
0x1bf: {  	v53 =	vmul.f32 v23, v59;
	v6 =	vld.idx.msk [tilespmem:v37+s20+$0x0], $0xffff;
	v47 =	vadd.f32 v40, v2;
	[tilespmem:s16+$0x0] =	vst v1;
	s1 =	sor.u32 s22, s1;
	s16 =	sor.u32 s19, s10;
	[dreg:$0xd] =	wrdreg s14  }
0x1c0: {  	v5 =	vadd.s32 $0x54, v25;
	v7 =	vadd.s32 $0x5A, v25;
	v42 =	vld [tilespmem:s11+$0x0];
	[tilespmem:s3+$0x0] =	vst v3;
	s6 =	sor.u32 s19, s17;
	s11 =	sor.u32 s19, s2;
	[dreg:$0x1e] =	wrdreg s16;
	v60 =	vmul.f32 v23, v41  }
0x1c1: {  	v8 =	vadd.s32 $0x4E, v25;
	v37 =	vmul.f32 v23, v17;
	v62 =	vadd.f32 v45, v53;
	v25 =	vld [tilespmem:s1+$0x0];
	s7 =	sor.u32 s22, s17;
	s1 =	sadd.s32 $0xA480, s23;
	[tilespmem:s25+$0x0] =	vst v47;
	[dreg:$0x10] =	wrdreg s11  }
0x1c2: {  	v39 =	vmul.f32 v23, v19;
	v47 =	vld [tilespmem:s7+$0x80];
	s11 =	sadd.s32 $0xA500, s23;
	s17 =	sor.u32 s19, s1;
	s7 =	rddreg [dreg:$0xb];
	[tilespmem:s8+$0x0] =	vst v56;
	v38 =	vadd.f32 v46, v60  }
0x1c3: {  	v40 =	vadd.f32 v51, v37;
	s25 =	sadd.s32 $0xA580, s23;
	[dreg:$0xf] =	wrdreg s17;
	s3 =	sor.u32 s19, s11;
	[tilespmem:s30+$0x0] =	vst v62  }
0x1c4: {  	v9 =	vmul.f32 v23, v12;
	s14 =	sadd.s32 $0xA600, s23;
	s5 =	sor.u32 s19, s25;
	[dreg:$0x1c] =	wrdreg s3;
	v60 =	vadd.f32 v52, v39;
	[tilespmem:s15+$0x0] =	vst v38  }
0x1c5: {  	v16 =	vld [tilespmem:$0x1FF70];
	s8 =	sor.u32 s19, s14;
	[smem:$0x7E7] =	sst s5;
	s5 =	sadd.s32 $0xE300, s23;
	[tilespmem:s7+$0x0] =	vst v40  }
0x1c6: {  	v10 =	vmul.f32 v23, v63;
	[dreg:$0xb] =	wrdreg s8;
	s17 =	sor.u32 s19, s5;
	[tilespmem:s28+$0x0] =	vst v60;
	v60 =	vadd.f32 v48, v9;
	v48 =	vld [tilespmem:$0x1FEF0]  }
0x1c7: {  	v51 =	vld [tilespmem:$0x1FEE0];
	v56 =	vmul.f32 v23, v11;
	[smem:$0x7E5] =	sst s17;
	s15 =	sadd.s32 $0xE280, s23  }
0x1c8: {  	v62 =	vadd.f32 v54, v10;
	v52 =	vld [tilespmem:$0x1FF00];
	s17 =	rddreg [dreg:$0x12];
	s16 =	sor.u32 s19, s15  }
0x1c9: {  	s29 =	sadd.s32 $0xE380, s23;
	s8 =	sadd.s32 $0xE480, s23;
	v40 =	vadd.f32 v49, v56;
	v49 =	vld.idx.msk [tilespmem:v8+s20+$0x0], $0xffff;
	[smem:$0x7E6] =	sst s16  }
0x1ca: {  	v55 =	vmul.f32 v24, v59;
	v14 =	vmov v59;
	s2 =	sor.u32 s22, s2;
	s7 =	sor.u32 s19, s8;
	v59 =	vld [tilespmem:s6+$0x80];
	[tilespmem:s26+$0x0] =	vst v62;
	s26 =	rddreg [dreg:$0xc]  }
0x1cb: {  	v45 =	vmov v12;
	s14 =	sor.u32 s22, s14;
	s3 =	sor.u32 s19, s29;
	v12 =	vadd.s32 $0x5A, v42;
	[smem:$0x7E1] =	sst s7;
	v8 =	vld.idx.msk [tilespmem:v42+s20+$0x0], $0xffff;
	[tilespmem:s26+$0x0] =	vst v40;
	v40 =	vmul.f32 v23, v48  }
0x1cc: {  	v53 =	vld.idx.msk [tilespmem:v7+s20+$0x0], $0xffff;
	s30 =	sadd.s32 $0xE500, s23;
	v7 =	vadd.s32 $0x6, v42;
	v46 =	vmul.f32 v23, v51;
	s7 =	sor.u32 s22, s9;
	s9 =	rddreg [dreg:$0x8]  }
0x1cd: {  	s15 =	sor.u32 s22, s15;
	v62 =	vmul.f32 v23, v52;
	s6 =	sadd.s32 $0xE400, s23;
	[dreg:$0xc] =	wrdreg s3;
	v54 =	vadd.f32 v29, v40;
	v40 =	vld [tilespmem:$0x1FF80]  }
0x1ce: {  	v20 =	vld.idx.msk [tilespmem:v5+s20+$0x0], $0xffff;
	v39 =	vadd.f32 v50, v46;
	s28 =	sor.u32 s22, s25;
	s16 =	sor.u32 s19, s6;
	s26 =	rddreg [dreg:$0x11]  }
0x1cf: {  	v11 =	vld.idx.msk [tilespmem:v36+s20+$0x0], $0xffff;
	v46 =	vmul.f32 v24, v13;
	s25 =	sor.u32 s22, s29;
	s3 =	sadd.s32 $0xE580, s23;
	[tilespmem:s12+$0x0] =	vst v60;
	[smem:$0x7E3] =	sst s16;
	v0 =	vadd.f32 v0, v62  }
0x1d0: {  	v3 =	vadd.s32 $0xC, v42;
	v56 =	vmul.f32 v24, v16;
	s12 =	sor.u32 s22, s10;
	s10 =	sor.u32 s22, s8;
	s8 =	sld [smem:$0x7E1];
	v62 =	vld.idx.msk [tilespmem:v12+s20+$0x0], $0xffff;
	[tilespmem:s17+$0x0] =	vst v39  }
0x1d1: {  	v5 =	vadd.s32 $0x12, v25;
	s16 =	sor.u32 s19, s3;
	s29 =	smov.u32 s12;
	s12 =	sld [smem:$0x7E3];
	v39 =	vld.idx.msk [tilespmem:v7+s20+$0x0], $0xffff;
	[tilespmem:s13+$0x0] =	vst v0;
	v0 =	vadd.f32 v46, v33  }
0x1d2: {  	v43 =	vld.idx.msk [tilespmem:v43+s20+$0x0], $0xffff;
	v1 =	vadd.f32 v6, v56;
	s17 =	sor.u32 s22, s24;
	s13 =	sor.u32 s22, s1;
	s1 =	rddreg [dreg:$0xe];
	v46 =	vmul.f32 v24, v40  }
0x1d3: {  	v50 =	vld.idx.msk [tilespmem:v25+s20+$0x0], $0xffff;
	s24 =	sor.u32 s19, s30;
	[tilespmem:s1+$0x0] =	vst v0;
	s1 =	sor.u32 s22, s5;
	s5 =	rddreg [dreg:$0xa]  }
0x1d4: {  	v61 =	vmul.f32 v24, v57;
	[tilespmem:s21+$0x0] =	vst v1;
	s21 =	sadd.s32 $0xE600, s23;
	s23 =	sor.u32 s22, s3;
	s3 =	sld [smem:$0x7DF];
	v46 =	vadd.f32 v11, v46  }
0x1d5: {  	v10 =	vadd.s32 $0x54, v42;
	v38 =	vld.idx.msk [tilespmem:v3+s20+$0x0], $0xffff;
	[tilespmem:s26+$0x0] =	vst v54;
	s26 =	sor.u32 s22, s11;
	s11 =	sor.u32 s22, s6;
	s6 =	sld [smem:$0x7E0]  }
0x1d6: {  	s30 =	sor.u32 s22, s30;
	v7 =	vadd.s32 $0x18, v42;
	v54 =	vadd.f32 v26, v61;
	v26 =	vld.idx.msk [tilespmem:v5+s20+$0x0], $0xffff;
	[tilespmem:s9+$0x0] =	vst v46;
	s9 =	sor.u32 s22, s21;
	s22 =	sld [smem:$0x7E2]  }
0x1d7: {  	v9 =	vadd.s32 $0x12, v42;
	s19 =	sor.u32 s19, s21;
	s21 =	smov.u32 s8;
	s8 =	sld [smem:$0x7E4]  }
0x1d8: {  	v58 =	vmul.f32 v24, v15;
	v12 =	vadd.s32 $0x18, v25;
	[dreg:$0x12] =	wrdreg s21;
	s21 =	smov.u32 s2  }
0x1d9: {  	v2 =	vadd.s32 $0x1E, v25;
	v4 =	vadd.s32 $0x1E, v42;
	v60 =	vmul.f32 v59, v13;
	[tilespmem:s3+$0x0] =	vst v54;
	s3 =	smov.u32 s17;
	s17 =	smov.u32 s26;
	s26 =	sld [smem:$0x7E5]  }
0x1da: {  	v6 =	vadd.s32 $0x24, v25;
	v33 =	vmul.f32 v24, v41;
	v3 =	vadd.s32 $0x24, v42;
	v29 =	vld.idx.msk [tilespmem:v10+s20+$0x0], $0xffff;
	s2 =	smov.u32 s16;
	s16 =	smov.u32 s28;
	s28 =	sld [smem:$0x7E6]  }
0x1db: {  	v60 =	vadd.f32 v60, v8;
	v8 =	vadd.s32 $0x2A, v25;
	v61 =	vadd.f32 v27, v58;
	v41 =	vld.idx.msk [tilespmem:v7+s20+$0x0], $0xffff;
	[dreg:$0x11] =	wrdreg s2  }
0x1dc: {  	v56 =	vmul.f32 v59, v40;
	v40 =	vld.idx.msk [tilespmem:v9+s20+$0x0], $0xffff;
	v46 =	vadd.f32 v28, v55;
	v54 =	vmul.f32 v24, v17;
	[dreg:$0xe] =	wrdreg s3  }
0x1dd: {  	v58 =	vmul.f32 v24, v19;
	v9 =	vadd.s32 $0x2A, v42;
	v55 =	vadd.f32 v30, v33;
	v27 =	vld.idx.msk [tilespmem:v12+s20+$0x0], $0xffff;
	[tilespmem:s6+$0x0] =	vst v61;
	[dreg:$0xa] =	wrdreg s16  }
0x1de: {  	v33 =	vmul.f32 v24, v63;
	v12 =	vmov v45;
	s2 =	rddreg [dreg:$0x1d];
	v28 =	vld.idx.msk [tilespmem:v2+s20+$0x0], $0xffff;
	[tilespmem:s22+$0x0] =	vst v46;
	v61 =	vadd.f32 v31, v54  }
0x1df: {  	v45 =	vld.idx.msk [tilespmem:v4+s20+$0x0], $0xffff;
	s3 =	sld [smem:$0x7E8];
	v54 =	vadd.s32 $0x30, v42;
	[tilespmem:s5+$0x0] =	vst v55;
	v55 =	vadd.f32 v34, v58;
	v58 =	vmul.f32 v24, v21  }
0x1e0: {  	s6 =	smov.u32 s7;
	s7 =	sld [smem:$0x7E9];
	v46 =	vld.idx.msk [tilespmem:v3+s20+$0x0], $0xffff;
	v3 =	vadd.s32 $0x36, v42;
	[tilespmem:s8+$0x0] =	vst v61;
	v61 =	vadd.f32 v35, v33;
	v33 =	vmul.f32 v24, v12  }
0x1e1: {  	v7 =	vadd.s32 $0x3C, v42;
	s5 =	rddreg [dreg:$0x17];
	v35 =	vmul.f32 v24, v51;
	v30 =	vld.idx.msk [tilespmem:v6+s20+$0x0], $0xffff;
	[tilespmem:s2+$0x0] =	vst v55;
	v34 =	vadd.f32 v32, v58  }
0x1e2: {  	s8 =	sld [smem:$0x7EA];
	v6 =	vadd.s32 $0x42, v42;
	v58 =	vmul.f32 v24, v52;
	v31 =	vld.idx.msk [tilespmem:v8+s20+$0x0], $0xffff;
	[tilespmem:s3+$0x0] =	vst v61;
	v43 =	vadd.f32 v43, v33  }
0x1e3: {  	s16 =	smov.u32 s14;
	s14 =	rddreg [dreg:$0x13];
	v51 =	vld.idx.msk [tilespmem:v9+s20+$0x0], $0xffff;
	v32 =	vmul.f32 v24, v48;
	v8 =	vadd.s32 $0x48, v42;
	v61 =	vadd.f32 v44, v35;
	[tilespmem:s5+$0x0] =	vst v34  }
0x1e4: {  	s31 =	sadd.s32 $0x2, s31;
	v4 =	vadd.s32 $0x30, v25;
	[dreg:$0x8] =	wrdreg s6;
	v52 =	vld.idx.msk [tilespmem:v54+s20+$0x0], $0xffff;
	v33 =	vadd.f32 v49, v58;
	v34 =	vmul.f32 v24, v18;
	[tilespmem:s7+$0x0] =	vst v43  }
0x1e5: {  	p0 =	slt.u32 s31, $0x7E;
	v54 =	vld.idx.msk [tilespmem:v3+s20+$0x0], $0xffff;
	v3 =	vadd.s32 $0x36, v25;
	v35 =	vadd.f32 v20, v32;
	[tilespmem:s8+$0x0] =	vst v61;
	s8 =	smov.u32 s10;
	s10 =	rddreg [dreg:$0x19]  }
0x1e6: {  	v5 =	vadd.s32 $0x3C, v25;
	s22 =	smov.u32 s13;
	v49 =	vld.idx.msk [tilespmem:v7+s20+$0x0], $0xffff;
	s7 =	smov.u32 s11;
	s11 =	rddreg [dreg:$0x1a];
	v55 =	vadd.f32 v53, v34;
	[tilespmem:s10+$0x0] =	vst v33  }
.Ltmp3:
0x1e7: {  	s13 =	smov.u32 s24;
	s24 =	rddreg [dreg:$0x1f];
	v9 =	vmul.f32 v23, v18;
	v48 =	vld.idx.msk [tilespmem:v6+s20+$0x0], $0xffff;
	[tilespmem:s11+$0x0] =	vst v35;
	(pc) =	sbr.rel @p0 .LBB2_5-.Ltmp3, $4  }
0x1e8: {  	s4 =	sadd.s32 $0x80, s4;
	s6 =	smov.u32 s15;
	s15 =	sld [smem:$0x7E7];
	v33 =	vmov v50;
	v50 =	vld.idx.msk [tilespmem:v8+s20+$0x0], $0xffff;
	[tilespmem:s14+$0x0] =	vst v55  }
0x1e9: {  	v37 =	vadd.s32 $0x6, v25;
	v36 =	vadd.s32 $0xC, v25;
	s2 =	smov.u32 s9;
	s5 =	smov.u32 s25;
	s25 =	rddreg [dreg:$0x1e];
	v61 =	vadd.f32 v22, v9;
	v34 =	vld.idx.msk [tilespmem:v4+s20+$0x0], $0xffff  }
0x1ea: {  	v11 =	vmovc v21;
	v23 =	vmovc v59;
	v59 =	vmov v14;
	s9 =	smov.u32 s19;
	v44 =	vadd.s32 $0x4E, v42;
	v42 =	vadd.s32 $0x48, v25;
	s11 =	smov.u32 s23;
	s23 =	rddreg [dreg:$0x15];
	v35 =	vld.idx.msk [tilespmem:v3+s20+$0x0], $0xffff  }
0x1eb: {  	s3 =	smov.u32 s1;
	v24 =	vmovc v47;
	v47 =	vmul.f32 v23, v16;
	v43 =	vadd.s32 $0x42, v25;
	v22 =	vmov v62;
	s10 =	smov.u32 s30;
	s30 =	rddreg [dreg:$0x1c];
	[tilespmem:s23+$0x0] =	vst v61;
	v32 =	vld.idx.msk [tilespmem:v5+s20+$0x0], $0xffff  }
0x1ec: {  	_ =	sdelay $0x3  }
0x1ed: {  	v0 =	vld.idx.msk [tilespmem:v44+s20+$0x0], $0xffff;
	[tilespmem:s24+$0x0] =	vst v60;
	v1 =	vadd.f32 v39, v47  }
0x1ee: {  	s0 =	rddreg [dreg:$0x10]  }
0x1ef: {  	v3 =	vadd.f32 v38, v56;
	[tilespmem:s0+$0x0] =	vst v1  }
0x1f0: {  	s0 =	rddreg [dreg:$0xd]  }
0x1f1: {  	[tilespmem:s0+$0x0] =	vst v3  }
0x1f2: {  	v16 =	vld [tilespmem:$0x1FF60]  }
0x1f3: {  	v2 =	vmul.f32 v23, v57;
	_ =	sdelay $0x1  }
0x1f4: {  	v4 =	vmul.f32 v23, v15;
	v62 =	vadd.f32 v40, v2  }
0x1f5: {  	v38 =	vmul.f32 v23, v59  }
0x1f6: {  	v39 =	vadd.f32 v41, v4;
	[tilespmem:s25+$0x0] =	vst v62;
	v40 =	vmul.f32 v23, v16  }
0x1f7: {  	v41 =	vadd.f32 v45, v38;
	s0 =	rddreg [dreg:$0xf]  }
0x1f8: {  	v44 =	vmul.f32 v23, v17;
	[tilespmem:s0+$0x0] =	vst v39;
	v45 =	vadd.f32 v46, v40  }
0x1f9: {  	[tilespmem:s30+$0x0] =	vst v41;
	v46 =	vmul.f32 v23, v19  }
0x1fa: {  	v2 =	vadd.f32 v51, v44;
	[tilespmem:s15+$0x0] =	vst v45  }
0x1fb: {  	v47 =	vmul.f32 v23, v63;
	v4 =	vadd.f32 v52, v46;
	s0 =	rddreg [dreg:$0xb]  }
0x1fc: {  	[tilespmem:s0+$0x0] =	vst v2  }
0x1fd: {  	v1 =	vadd.f32 v54, v47;
	[tilespmem:s28+$0x0] =	vst v4  }
0x1fe: {  	v53 =	vmul.f32 v23, v11;
	v20 =	vld [tilespmem:$0x1FEE0]  }
0x1ff: {  	[tilespmem:s26+$0x0] =	vst v1  }
0x200: {  	v3 =	vadd.f32 v49, v53;
	v21 =	vld [tilespmem:$0x1FF00]  }
0x201: {  	v5 =	vmul.f32 v23, v12;
	s0 =	rddreg [dreg:$0xc]  }
0x202: {  	[tilespmem:s0+$0x0] =	vst v3  }
0x203: {  	v5 =	vadd.f32 v48, v5;
	v14 =	vld [tilespmem:$0x1FEF0];
	v7 =	vmul.f32 v23, v20;
	_ =	sdelay $0x1  }
0x204: {  	[tilespmem:s12+$0x0] =	vst v5;
	v9 =	vmul.f32 v23, v21;
	v7 =	vadd.f32 v50, v7  }
0x205: {  	s0 =	rddreg [dreg:$0x12]  }
0x206: {  	v60 =	vld.idx.msk [tilespmem:v36+s20+$0x0], $0xffff;
	v0 =	vadd.f32 v0, v9;
	[tilespmem:s0+$0x0] =	vst v7  }
0x207: {  	v10 =	vmul.f32 v23, v14;
	v36 =	vld [tilespmem:$0x1FF70]  }
0x208: {  	v6 =	vadd.s32 $0x54, v25;
	v58 =	vld.idx.msk [tilespmem:v37+s20+$0x0], $0xffff;
	[tilespmem:s13+$0x0] =	vst v0  }
0x209: {  	v8 =	vadd.s32 $0x4E, v25;
	v62 =	vadd.f32 v29, v10;
	v29 =	vld [tilespmem:$0x1FF80]  }
0x20a: {  	v55 =	vadd.s32 $0x5A, v25  }
0x20b: {  	v56 =	vld.idx.msk [tilespmem:v43+s20+$0x0], $0xffff;
	v9 =	vmul.f32 v24, v13  }
0x20c: {  	v61 =	vld.idx.msk [tilespmem:v42+s20+$0x0], $0xffff;
	s0 =	rddreg [dreg:$0x11];
	v10 =	vmul.f32 v24, v36  }
0x20d: {  	v25 =	vld.idx.msk [tilespmem:v6+s20+$0x0], $0xffff;
	v33 =	vadd.f32 v9, v33;
	[tilespmem:s0+$0x0] =	vst v62  }
0x20e: {  	v8 =	vld.idx.msk [tilespmem:v8+s20+$0x0], $0xffff;
	s0 =	rddreg [dreg:$0xe];
	v9 =	vmul.f32 v24, v29;
	v1 =	vadd.f32 v58, v10  }
0x20f: {  	v37 =	vmul.f32 v24, v57;
	v2 =	vld.idx.msk [tilespmem:v55+s20+$0x0], $0xffff;
	[tilespmem:s0+$0x0] =	vst v33  }
0x210: {  	v38 =	vmul.f32 v24, v15;
	v3 =	vadd.f32 v60, v9;
	[tilespmem:s21+$0x0] =	vst v1  }
0x211: {  	v39 =	vmul.f32 v24, v59;
	v7 =	vadd.f32 v26, v37;
	s0 =	rddreg [dreg:$0x8]  }
0x212: {  	v40 =	vadd.f32 v27, v38;
	[tilespmem:s0+$0x0] =	vst v3  }
0x213: {  	v41 =	vmul.f32 v24, v16;
	v1 =	vadd.f32 v28, v39;
	[tilespmem:s29+$0x0] =	vst v7  }
0x214: {  	v42 =	vmul.f32 v24, v17;
	[tilespmem:s22+$0x0] =	vst v40  }
0x215: {  	v44 =	vmul.f32 v24, v19;
	v43 =	vadd.f32 v30, v41;
	[tilespmem:s17+$0x0] =	vst v1  }
0x216: {  	v45 =	vadd.f32 v31, v42;
	v46 =	vmul.f32 v24, v63;
	s0 =	rddreg [dreg:$0xa]  }
0x217: {  	v48 =	vmul.f32 v24, v11;
	v47 =	vadd.f32 v34, v44;
	[tilespmem:s0+$0x0] =	vst v43  }
0x218: {  	v49 =	vadd.f32 v35, v46;
	v50 =	vmul.f32 v24, v12;
	[tilespmem:s16+$0x0] =	vst v45  }
0x219: {  	v51 =	vadd.f32 v32, v48;
	v52 =	vmul.f32 v24, v20;
	[tilespmem:s6+$0x0] =	vst v47  }
0x21a: {  	v54 =	vmul.f32 v24, v21;
	v53 =	vadd.f32 v56, v50;
	[tilespmem:s3+$0x0] =	vst v49  }
0x21b: {  	v55 =	vadd.f32 v61, v52;
	[tilespmem:s5+$0x0] =	vst v51  }
0x21c: {  	v58 =	vadd.f32 v8, v54;
	[tilespmem:s7+$0x0] =	vst v53  }
0x21d: {  	[tilespmem:s8+$0x0] =	vst v55  }
0x21e: {  	[tilespmem:s10+$0x0] =	vst v58  }
0x21f: {  	v56 =	vmul.f32 v24, v14;
	s1 =	sld [smem:$0x7EB]  }
0x220: {  	v61 =	vmul.f32 v23, v18  }
0x221: {  	v0 =	vadd.f32 v25, v56;
	v60 =	vmul.f32 v24, v18  }
.Ltmp4:
0x222: {  	v63 =	vadd.f32 v22, v61;
	s26 =	sshll.u32 s1, $0xB;
	(pc) =	sbr.rel @p1 .LBB2_8-.Ltmp4, $4  }
0x223: {  	s28 =	rddreg [dreg:$0x4];
	v62 =	vadd.f32 v2, v60;
	[tilespmem:s11+$0x0] =	vst v0;
	s1 =	sshll.u32 s1, $0xC;
	s0 =	sand.u32 $0x3800, s26  }
0x224: {  	s31 =	simm.s32 $0xA280;
	[tilespmem:s9+$0x0] =	vst v63;
	s1 =	sand.u32 $0xFFF8000, s1;
	s0 =	sadd.s32 s28, s0  }
0x225: {  	s30 =	simm.s32 $0x20000;
	s29 =	simm.s32 $0x4000;
	[tilespmem:s2+$0x0] =	vst v62;
	s0 =	sadd.s32 s1, s0  }
0x226: {  	[hbm4b:s0+s29] =	stream.strided.scatter [tilespmem:s31], [sflag:$0x4], $0x8000, s30, s29, $0x38;
	[tilespmem:$0x12280] =	vst v63  }
0x227: {  	s0 =	sld [smem:$0x7FC]  }
0x228: {  	s1 =	sld [smem:$0x7F1];
	_ =	sdelay $0x2  }
0x229: {  	s23 =	rddreg [dreg:$0x0];
	s24 =	simm.s32 $0x400;
	s0 =	sadd.s32 s1, s0  }
0x22a: {  	s1 =	sshll.u32 s0, $0x8;
	s2 =	sshll.u32 s0, $0xB;
	s0 =	sshll.u32 s0, $0x1  }
0x22b: {  	s1 =	sand.u32 $0xFFFC000, s1;
	s3 =	sand.u32 $0x3800, s2;
	s0 =	sand.u32 $0x70, s0  }
0x22c: {  	s25 =	simm.s32 $0xA80;
	s0 =	sor.u32 s0, s1;
	s1 =	sadd.s32 s23, s3  }
0x22d: {  	s28 =	rddreg [dreg:$0x1];
	s26 =	sshrl.u32 s2, $0x3;
	s0 =	sadd.s32 s0, s1  }
0x22e: {  	[tilespmem:s25], [sflag:$0x2] =	stream.strided.gather [hbm4b:s0+s20], $0x800, s24, s20, $0x38;
	[tilespmem:$0x12280] =	vst v63  }
0x22f: {  	s29 =	simm.s32 $0x1300;
	s2 =	simm.s32 $0x0;
	s0 =	sadd.s32 s28, s26  }
0x230: {  	[tilespmem:s29], [sflag:$0x2] =	stream.linear.gather [hbm4b:s0+s2], $0x80, $0x38;
	[tilespmem:$0x12280] =	vst v63  }
0x231: {  	s31 =	simm.s32 $0x1400;
	s30 =	sadd.s32 $0x10, s0  }
0x232: {  	[tilespmem:s31], [sflag:$0x2] =	stream.linear.gather [hbm4b:s30+s2], $0x80, $0x38;
	[tilespmem:$0x12280] =	vst v63  }
0x233: {  	s4 =	simm.s32 $0x1500;
	s3 =	sadd.s32 $0x20, s0  }
0x234: {  	[tilespmem:s4], [sflag:$0x2] =	stream.linear.gather [hbm4b:s3+s2], $0x80, $0x38;
	[tilespmem:$0x12280] =	vst v63  }
0x235: {  	s6 =	simm.s32 $0x1600;
	s5 =	sadd.s32 $0x30, s0  }
0x236: {  	[tilespmem:s6], [sflag:$0x2] =	stream.linear.gather [hbm4b:s5+s2], $0x80, $0x38;
	[tilespmem:$0x12280] =	vst v63  }
0x237: {  	s8 =	simm.s32 $0x1700;
	s7 =	sadd.s32 $0x40, s0  }
0x238: {  	[tilespmem:s8], [sflag:$0x2] =	stream.linear.gather [hbm4b:s7+s2], $0x80, $0x38;
	[tilespmem:$0x12280] =	vst v63  }
0x239: {  	s10 =	simm.s32 $0x1800;
	s9 =	sadd.s32 $0x50, s0  }
0x23a: {  	[tilespmem:s10], [sflag:$0x2] =	stream.linear.gather [hbm4b:s9+s2], $0x80, $0x38;
	[tilespmem:$0x12280] =	vst v63  }
0x23b: {  	s12 =	simm.s32 $0x1900;
	s11 =	sadd.s32 $0x60, s0  }
0x23c: {  	[tilespmem:s12], [sflag:$0x2] =	stream.linear.gather [hbm4b:s11+s2], $0x80, $0x38;
	[tilespmem:$0x12280] =	vst v63  }
0x23d: {  	s14 =	simm.s32 $0x1A00;
	s13 =	sadd.s32 $0x70, s0  }
0x23e: {  	[tilespmem:s14], [sflag:$0x2] =	stream.linear.gather [hbm4b:s13+s2], $0x80, $0x38;
	[tilespmem:$0x12280] =	vst v63  }
0x23f: {  	s16 =	simm.s32 $0x1B00;
	s15 =	sadd.s32 $0x80, s0  }
0x240: {  	[tilespmem:s16], [sflag:$0x2] =	stream.linear.gather [hbm4b:s15+s2], $0x80, $0x38;
	[tilespmem:$0x12280] =	vst v63  }
0x241: {  	s18 =	simm.s32 $0x1C00;
	s17 =	sadd.s32 $0x90, s0  }
0x242: {  	[tilespmem:s18], [sflag:$0x2] =	stream.linear.gather [hbm4b:s17+s2], $0x80, $0x38;
	[tilespmem:$0x12280] =	vst v63  }
0x243: {  	s21 =	simm.s32 $0x1D00;
	s19 =	sadd.s32 $0xA0, s0  }
0x244: {  	[tilespmem:s21], [sflag:$0x2] =	stream.linear.gather [hbm4b:s19+s2], $0x80, $0x38;
	[tilespmem:$0x12280] =	vst v63  }
0x245: {  	s23 =	simm.s32 $0x1E00;
	s22 =	sadd.s32 $0xB0, s0  }
0x246: {  	[tilespmem:s23], [sflag:$0x2] =	stream.linear.gather [hbm4b:s22+s2], $0x80, $0x38;
	[tilespmem:$0x12280] =	vst v63  }
0x247: {  	s25 =	simm.s32 $0x1F00;
	s24 =	sadd.s32 $0xC0, s0  }
0x248: {  	[tilespmem:s25], [sflag:$0x2] =	stream.linear.gather [hbm4b:s24+s2], $0x80, $0x38;
	[tilespmem:$0x12280] =	vst v63  }
0x249: {  	s28 =	simm.s32 $0x2000;
	s26 =	sadd.s32 $0xD0, s0  }
0x24a: {  	[tilespmem:s28], [sflag:$0x2] =	stream.linear.gather [hbm4b:s26+s2], $0x80, $0x38;
	[tilespmem:$0x12280] =	vst v63  }
.Ltmp5:
0x24b: {  	s8 =	sld [smem:$0x7F0];
	(pc) =	sbr.rel .LBB2_2-.Ltmp5, $4  }
0x24c: {  	s29 =	sadd.s32 $0xE0, s0;
	s30 =	simm.s32 $0x2100  }
0x24d: {  	[tilespmem:s30], [sflag:$0x2] =	stream.linear.gather [hbm4b:s29+s2], $0x80, $0x38;
	[tilespmem:$0x12280] =	vst v63  }
0x24e: {  	v2 =	vmov v21;
	s0 =	sadd.s32 $0xF0, s0;
	s31 =	simm.s32 $0x2200;
	s8 =	sadd.s32 $0x1, s8  }
0x24f: {  	v10 =	vmovc v18;
	v6 =	vmovc v36;
	v7 =	vmov v29;
	v3 =	vmov v20;
	v1 =	vmov v17;
	[tilespmem:s31], [sflag:$0x2] =	stream.linear.gather [hbm4b:s0+s2], $0x80, $0x38;
	[tilespmem:$0x12280] =	vst v63  }
.LBB2_9:
0x250: {  	_ =	sfence.sel $0x180000  }
0x251: {  	[bflag:$0x0] =	sbarrier.arrive $0xFFFF  }
0x252: {  	_ =	strace $0x90000047  }
0x253: {  	s0 =	stileid.u32;
	[bflag:$0x2] =	sbarrier.arrive $0xFFFF  }
0x254: {  	p0 =	sne.s32 s0, $0x0;
	s0 =	rddreg [dreg:$0x5]  }
0x255: {  	s0 =	sadd.s32 @!p0 $0x100000, s0  }
0x256: {  	[sflag:s0] =	ssyncadd.tile.s32 @!p0 $0x1;
	_ =	shalt  }
.Lfunc_end2:
_tile_overlayer_lowered:
.L_overlay_start_2:
0x257: {  	(tag) =	ssettag $0x2  }
0x258: {  	s0 =	rddreg [dreg:$0x0];
	s2 =	stileid.u32  }
0x259: {  	s1 =	rddreg [dreg:$0x1];
	p0 =	sne.s32 s2, $0x0  }
0x25a: {  	s3 =	rddreg [dreg:$0x2];
	[bflag:$0x3] =	sbarrier.arrive $0xFFFF;
	s2 =	simm.s32 @!p0 $0x1C05  }
0x25b: {  	[timem:s3], [sflag:s2] =	dma.local @!p0 [hbm:s0], s1  }
0x25c: {  	s0 =	simm.s32 @!p0 $0x5  }
0x25d: {  	_ =	swait.ge @!p0 [sflag:s0], s1  }
0x25e: {  	s1 =	ssub.s32 @!p0 $0x0, s1;
	[sflag:s0] =	ssyncset.done @!p0 $0x0  }
0x25f: {  	[sflag:s0] =	ssyncadd.s32 @!p0 s1  }
0x260: {  	[bflag:$0x3] =	sbarrier.arrive $0xFFFF  }
0x261: {  	_ =	shalt  }

</sc_bundles>
